<compile_context>
chip_gen: v7x
topology: tpu7x:2x2x1
jax: 0.10.2.dev20260603
libtpu: 0.0.44.dev20260713+nightly
codegen_flags: <defaults>
</compile_context>

<pallas_src>
import functools

import jax
import jax.numpy as jnp
from jax import lax
from jax.experimental import pallas as pl
from jax.experimental.pallas import tpu as pltpu
from jax.experimental.pallas import tpu_sc as plsc

N_USER = 10000
N_ITEM = 10000
E = 320000
D_IN = 128
H = 32

NC = 2
NS = 16
NW = NC * NS
CHUNK = 128
ROWS = 80
DEPTH = 4
AHEAD = 2
E_PAD = NW * CHUNK * ROWS
N_PAD = 10240
ZROWS = N_PAD // NS



_VMEM100 = pltpu.CompilerParams(vmem_limit_bytes=100 * 1024 * 1024)


def _proj4_body(xu, xi, wa, wb, wc, wd, o1, o2, o3, o4):
    o1[...] = jnp.dot(xu[...], wa[...], preferred_element_type=jnp.float32)
    o2[...] = jnp.dot(xu[...], wb[...], preferred_element_type=jnp.float32)
    o3[...] = jnp.dot(xi[...], wc[...], preferred_element_type=jnp.float32)
    o4[...] = jnp.dot(xi[...], wd[...], preferred_element_type=jnp.float32)


def _proj4(xu, wa, wb, xi, wc, wd):
    return pl.pallas_call(
        _proj4_body,
        out_shape=[jax.ShapeDtypeStruct((N_PAD, H), jnp.float32)] * 4,
        compiler_params=_VMEM100,
    )(xu, xi, wa, wb, wc, wd)


def _combine(parts_ref, cnt_ref, r_ref, b_ref):
    agg = parts_ref[0] + parts_ref[1]
    cnt = cnt_ref[0, :, :1] + cnt_ref[1, :, :1]
    return jnp.maximum(agg / jnp.maximum(cnt, 1.0) + b_ref[...] + r_ref[...],
                       0.0)


def _mid_body(p, c, r, b, wl, wr, o1, o2):
    h = _combine(p, c, r, b)
    o1[...] = jnp.dot(h, wl[...], preferred_element_type=jnp.float32)
    o2[...] = jnp.dot(h, wr[...], preferred_element_type=jnp.float32)


def _fin_body(p, c, r, b, o_ref):
    o_ref[...] = _combine(p, c, r, b)[:o_ref.shape[0]]


def _combine_project(p, c, r, b, wl, wr):
    return pl.pallas_call(
        _mid_body,
        out_shape=[jax.ShapeDtypeStruct((N_PAD, H), jnp.float32)] * 2,
        compiler_params=_VMEM100,
    )(p, c, r, b.reshape(1, H), wl, wr)


def _combine_final(p, c, r, b, n):
    return pl.pallas_call(
        _fin_body,
        out_shape=jax.ShapeDtypeStruct((n, H), jnp.float32),
        compiler_params=_VMEM100,
    )(p, c, r, b.reshape(1, H))



def _edge_rel(with_counts):
    mesh = plsc.VectorSubcoreMesh(core_axis_name="c", subcore_axis_name="s",
                                  num_cores=NC, num_subcores=NS)

    out_type = [jax.ShapeDtypeStruct((NC, N_PAD, H), jnp.float32)]
    scratch = [
        pltpu.VMEM_SHARED((N_PAD, H), jnp.float32),
        pltpu.VMEM_SHARED((N_PAD, H), jnp.float32),
        pltpu.VMEM((ROWS, CHUNK), jnp.int32),
        pltpu.VMEM((ROWS, CHUNK), jnp.int32),
        pltpu.VMEM((DEPTH, CHUNK, H), jnp.float32),
        [pltpu.SemaphoreType.DMA] * DEPTH,
        [pltpu.SemaphoreType.DMA] * DEPTH,
    ]
    if with_counts:
        out_type += [jax.ShapeDtypeStruct((NC, N_PAD, 16), jnp.float32)]
        scratch += [
            pltpu.VMEM_SHARED((N_PAD, 16), jnp.float32),
            pltpu.VMEM((CHUNK, 16), jnp.float32),
            [pltpu.SemaphoreType.DMA] * DEPTH,
        ]

    @functools.partial(
        pl.kernel, out_type=out_type, mesh=mesh, scratch_types=scratch,
        compiler_params=pltpu.CompilerParams(use_tc_tiling_on_sc=False))
    def k(*refs):
        if with_counts:
            (p_hbm, si_hbm, di_hbm, zeros_h, zeros_s, ones_h,
             agg_out, cnt_out,
             acc, tab, sidx, didx, rows, gsems, ssems,
             cnt_sh, ones_v, osems) = refs
        else:
            (p_hbm, si_hbm, di_hbm, zeros_h,
             agg_out,
             acc, tab, sidx, didx, rows, gsems, ssems) = refs
            cnt_sh = None

        cid = lax.axis_index("c")
        sid = lax.axis_index("s")
        wid = sid * NC + cid

        gsem_a, gsem_b = gsems[0], gsems[1]
        ssem_a, ssem_b = ssems[0], ssems[1]
        if with_counts:
            osem_a, osem_b = osems[0], osems[1]

        zsl = pl.ds(sid * ZROWS, ZROWS)
        pltpu.sync_copy(zeros_h, acc.at[zsl])
        pltpu.sync_copy(p_hbm.at[zsl], tab.at[zsl])
        if with_counts:
            pltpu.sync_copy(zeros_s, cnt_sh.at[zsl])
            pltpu.sync_copy(ones_h, ones_v)

        isl = pl.ds(wid * ROWS, ROWS)
        pltpu.sync_copy(si_hbm.at[isl], sidx)
        pltpu.sync_copy(di_hbm.at[isl], didx)
        plsc.subcore_barrier()

        def g_issue(j, b, sem):
            pltpu.async_copy(tab.at[sidx.at[j]], rows.at[b], sem)

        def g_wait(b, sem):
            pltpu.make_async_copy(tab.at[sidx.at[0]], rows.at[b], sem).wait()

        def s_issue(j, b, sem):
            pltpu.async_copy(rows.at[b], acc.at[didx.at[j]], sem, add=True)

        def s_wait(b, sem):
            pltpu.make_async_copy(rows.at[b], acc.at[didx.at[0]], sem).wait()

        def o_issue(j, sem):
            pltpu.async_copy(ones_v, cnt_sh.at[didx.at[j]], sem, add=True)

        def o_wait(sem):
            pltpu.make_async_copy(ones_v, cnt_sh.at[didx.at[0]], sem).wait()

        half = ROWS // 2
        g_issue(0, 0, gsem_a)

        def pair(i, carry):
            j0 = 2 * i
            g_wait(0, gsem_a)

            @pl.when(i > 0)
            def _():
                s_wait(1, ssem_b)
                if cnt_sh is not None:
                    o_wait(osem_a)

            g_issue(j0 + 1, 1, gsem_b)
            s_issue(j0, 0, ssem_a)
            if cnt_sh is not None:
                o_issue(j0, osem_a)

            g_wait(1, gsem_b)
            s_wait(0, ssem_a)

            if cnt_sh is not None:
                @pl.when(i > 0)
                def _():
                    o_wait(osem_b)

            @pl.when(i < half - 1)
            def _():
                g_issue(j0 + 2, 0, gsem_a)

            s_issue(j0 + 1, 1, ssem_b)
            if cnt_sh is not None:
                o_issue(j0 + 1, osem_b)
            return carry

        lax.fori_loop(0, half, pair, 0)
        s_wait(1, ssem_b)
        if cnt_sh is not None:
            o_wait(osem_a)
            o_wait(osem_b)
        plsc.subcore_barrier()

        pltpu.sync_copy(acc.at[zsl], agg_out.at[cid, zsl])
        if with_counts:
            pltpu.sync_copy(cnt_sh.at[zsl], cnt_out.at[cid, zsl])

    return k


_edge_rel_cnt = _edge_rel(with_counts=True)
_edge_rel_nc = _edge_rel(with_counts=False)



def _pad_rows(x):
    return jnp.pad(x, ((0, N_PAD - x.shape[0]), (0, 0)))


def _pad_idx(ix):
    pad = N_USER + jnp.arange(E_PAD - E, dtype=jnp.int32) % (N_PAD - N_USER)
    return jnp.concatenate([ix, pad]).reshape(NW * ROWS, CHUNK)


def kernel(x_user, x_item, edge_index_u2i, edge_index_i2u,
           W_l1_u2i, b_l1_u2i, W_r1_u2i,
           W_l1_i2u, b_l1_i2u, W_r1_i2u,
           W_l2_u2i, b_l2_u2i, W_r2_u2i,
           W_l2_i2u, b_l2_i2u, W_r2_i2u):
    si_u2i = _pad_idx(edge_index_u2i[0])
    di_u2i = _pad_idx(edge_index_u2i[1])
    si_i2u = _pad_idx(edge_index_i2u[0])
    di_i2u = _pad_idx(edge_index_i2u[1])
    zeros_h = jnp.zeros((ZROWS, H), jnp.float32)
    zeros_s = jnp.zeros((ZROWS, 16), jnp.float32)
    ones_h = jnp.ones((CHUNK, 16), jnp.float32)

    p1_u, s1_u, p1_i, s1_i = _proj4(
        _pad_rows(x_user), W_l1_u2i, W_r1_i2u,
        _pad_rows(x_item), W_l1_i2u, W_r1_u2i)

    agg1_i, cnt_i = _edge_rel_cnt(p1_u, si_u2i, di_u2i,
                                  zeros_h, zeros_s, ones_h)
    agg1_u, cnt_u = _edge_rel_cnt(p1_i, si_i2u, di_i2u,
                                  zeros_h, zeros_s, ones_h)
    m2_i, s2_i = _combine_project(agg1_i, cnt_i, s1_i, b_l1_u2i,
                                  W_l2_i2u, W_r2_u2i)

    agg2_u = _edge_rel_nc(m2_i, si_i2u, di_i2u, zeros_h)[0]
    m2_u, s2_u = _combine_project(agg1_u, cnt_u, s1_u, b_l1_i2u,
                                  W_l2_u2i, W_r2_i2u)

    agg2_i = _edge_rel_nc(m2_u, si_u2i, di_u2i, zeros_h)[0]
    o_user = _combine_final(agg2_u, cnt_u, s2_u, b_l2_i2u, N_USER)
    o_item = _combine_final(agg2_i, cnt_i, s2_i, b_l2_u2i, N_ITEM)
    return (o_user, o_item)

# --- scband reference (transcript-rebuilt; emitter-appended) ---
"""Pipeline reference for scband-graph-encoder-10402410791735 (READ-ONLY COPY).

The authoritative reference and input builder live on the scoring server;
editing this copy changes nothing except your own understanding.
"""

import jax, jax.numpy as jnp
import numpy as np

N_USER = 10000
N_ITEM = 10000
E = 320000
D_IN = 128
H = 32


def _sage(x_src, x_dst, ei, W_l, b_l, W_r):
    # PyG SAGEConv (bipartite, aggr='mean'): out = lin_l(mean_j x_src[j]) + lin_r(x_dst)
    src = ei[0]
    dst = ei[1]
    msgs = jnp.take(x_src, src, axis=0)
    agg = jax.ops.segment_sum(msgs, dst, num_segments=x_dst.shape[0])
    cnt = jax.ops.segment_sum(jnp.ones((ei.shape[1],), x_src.dtype), dst, num_segments=x_dst.shape[0])
    agg = agg / jnp.maximum(cnt, 1.0)[:, None]
    return agg @ W_l + b_l + x_dst @ W_r


def setup_inputs(seed: int = 0):
    key = jax.random.key(seed)
    ks = jax.random.split(key, 20)

    def lin(k, fan_in, fan_out):
        return jax.random.normal(k, (fan_in, fan_out), dtype=jnp.float32) * (1.0 / np.sqrt(fan_in))

    x_user = jax.random.normal(ks[0], (N_USER, D_IN), dtype=jnp.float32)
    x_item = jax.random.normal(ks[1], (N_ITEM, D_IN), dtype=jnp.float32)
    ei_u2i = jnp.stack([jax.random.randint(ks[2], (E,), 0, N_USER, dtype=jnp.int32),
                        jax.random.randint(ks[3], (E,), 0, N_ITEM, dtype=jnp.int32)])
    ei_i2u = jnp.stack([jax.random.randint(ks[4], (E,), 0, N_ITEM, dtype=jnp.int32),
                        jax.random.randint(ks[5], (E,), 0, N_USER, dtype=jnp.int32)])
    return {
        'x_user': x_user,
        'x_item': x_item,
        'edge_index_u2i': ei_u2i,
        'edge_index_i2u': ei_i2u,
        'W_l1_u2i': lin(ks[6], D_IN, H), 'b_l1_u2i': jnp.zeros((H,), jnp.float32), 'W_r1_u2i': lin(ks[7], D_IN, H),
        'W_l1_i2u': lin(ks[8], D_IN, H), 'b_l1_i2u': jnp.zeros((H,), jnp.float32), 'W_r1_i2u': lin(ks[9], D_IN, H),
        'W_l2_u2i': lin(ks[10], H, H), 'b_l2_u2i': jnp.zeros((H,), jnp.float32), 'W_r2_u2i': lin(ks[11], H, H),
        'W_l2_i2u': lin(ks[12], H, H), 'b_l2_i2u': jnp.zeros((H,), jnp.float32), 'W_r2_i2u': lin(ks[13], H, H),
    }


def reference(x_user, x_item, edge_index_u2i, edge_index_i2u,
              W_l1_u2i, b_l1_u2i, W_r1_u2i,
              W_l1_i2u, b_l1_i2u, W_r1_i2u,
              W_l2_u2i, b_l2_u2i, W_r2_u2i,
              W_l2_i2u, b_l2_i2u, W_r2_i2u):
    # conv1 (HeteroConv, aggr='sum'; each dst type receives exactly one relation) + relu
    h_item = jax.nn.relu(_sage(x_user, x_item, edge_index_u2i, W_l1_u2i, b_l1_u2i, W_r1_u2i))
    h_user = jax.nn.relu(_sage(x_item, x_user, edge_index_i2u, W_l1_i2u, b_l1_i2u, W_r1_i2u))
    # conv2 + relu
    o_item = jax.nn.relu(_sage(h_user, h_item, edge_index_u2i, W_l2_u2i, b_l2_u2i, W_r2_u2i))
    o_user = jax.nn.relu(_sage(h_item, h_user, edge_index_i2u, W_l2_i2u, b_l2_i2u, W_r2_i2u))
    return (o_user, o_item)

if __name__ == "__main__":
    import jax
    _d = setup_inputs()
    print(jax.jit(kernel)(*tuple(_d.values())))

</pallas_src>

<mosaic_0001>
#map = affine_map<(d0, d1) -> (0, 0)>
#map1 = affine_map<(d0, d1) -> (0, 0, 0)>
module attributes {stable_mosaic.version = 14 : i64} {
  func.func @k(%arg0: i32, %arg1: i32, %arg2: memref<10240x32xf32, #tpu.memory_space<hbm>>, %arg3: memref<2560x128xi32, #tpu.memory_space<hbm>>, %arg4: memref<2560x128xi32, #tpu.memory_space<hbm>>, %arg5: memref<640x32xf32, #tpu.memory_space<hbm>>, %arg6: memref<2x10240x32xf32, #tpu.memory_space<hbm>>, %arg7: memref<10240x32xf32, #tpu.memory_space<vmem_shared>>, %arg8: memref<10240x32xf32, #tpu.memory_space<vmem_shared>>, %arg9: memref<80x128xi32, #tpu.memory_space<vmem>>, %arg10: memref<80x128xi32, #tpu.memory_space<vmem>>, %arg11: memref<4x128x32xf32, #tpu.memory_space<vmem>>, %arg12: memref<!tpu.dma_semaphore, #tpu.memory_space<semaphore_mem>>, %arg13: memref<!tpu.dma_semaphore, #tpu.memory_space<semaphore_mem>>, %arg14: memref<!tpu.dma_semaphore, #tpu.memory_space<semaphore_mem>>, %arg15: memref<!tpu.dma_semaphore, #tpu.memory_space<semaphore_mem>>, %arg16: memref<!tpu.dma_semaphore, #tpu.memory_space<semaphore_mem>>, %arg17: memref<!tpu.dma_semaphore, #tpu.memory_space<semaphore_mem>>, %arg18: memref<!tpu.dma_semaphore, #tpu.memory_space<semaphore_mem>>, %arg19: memref<!tpu.dma_semaphore, #tpu.memory_space<semaphore_mem>>) attributes {dimension_semantics = [#tpu.dimension_semantics<core_parallel>, #tpu.dimension_semantics<subcore_parallel>], iteration_bounds = array<i64: 2, 16>, scalar_prefetch = 0 : i64, scratch_operands = 13 : i64, tpu.core_type = #tpu.core_type<sc_vector_subcore>, window_params = [{transform_indices = #map}, {transform_indices = #map}, {transform_indices = #map}, {transform_indices = #map}, {transform_indices = #map1}]} {
    %mul3A = arith.constant 2 : i32
    %mul3A_0 = arith.muli %arg1, %mul3A : i32
    %add3A = arith.addi %mul3A_0, %arg0 : i32
    %mul3A_1 = arith.constant 640 : i32
    %mul3A_2 = arith.muli %arg1, %mul3A_1 : i32
    "tpu.region"() ({
      %run_scoped3A = tpu.sem_alloc : memref<!tpu.dma_semaphore, #tpu.memory_space<semaphore_mem>>
      %dma_start3A_33 = arith.constant 0 : i32
      %dma_start3A_34 = tpu.memref_slice %arg7[%mul3A_2, %dma_start3A_33] : memref<10240x32xf32, #tpu.memory_space<vmem_shared>> -> memref<640x32xf32, #tpu.memory_space<vmem_shared>>
      tpu.enqueue_dma source(%arg5 : memref<640x32xf32, #tpu.memory_space<hbm>>) target(%dma_start3A_34 : memref<640x32xf32, #tpu.memory_space<vmem_shared>>) target_semaphore(%run_scoped3A : memref<!tpu.dma_semaphore, #tpu.memory_space<semaphore_mem>>)
      %dma_wait3A_35 = arith.constant 0 : i32
      %dma_wait3A_36 = tpu.memref_slice %arg7[%mul3A_2, %dma_wait3A_35] : memref<10240x32xf32, #tpu.memory_space<vmem_shared>> -> memref<640x32xf32, #tpu.memory_space<vmem_shared>>
      tpu.wait_dma2 semaphore(%run_scoped3A : memref<!tpu.dma_semaphore, #tpu.memory_space<semaphore_mem>>) src(%arg5 : memref<640x32xf32, #tpu.memory_space<hbm>>) dst(%dma_wait3A_36 : memref<640x32xf32, #tpu.memory_space<vmem_shared>>)
      tpu.yield
    }) : () -> ()
    "tpu.region"() ({
      %run_scoped3A = tpu.sem_alloc : memref<!tpu.dma_semaphore, #tpu.memory_space<semaphore_mem>>
      %dma_start3A_33 = arith.constant 0 : i32
      %dma_start3A_34 = tpu.memref_slice %arg8[%mul3A_2, %dma_start3A_33] : memref<10240x32xf32, #tpu.memory_space<vmem_shared>> -> memref<640x32xf32, #tpu.memory_space<vmem_shared>>
      %dma_start3A_35 = arith.constant 0 : i32
      %dma_start3A_36 = tpu.memref_slice %arg2[%mul3A_2, %dma_start3A_35] : memref<10240x32xf32, #tpu.memory_space<hbm>> -> memref<640x32xf32, #tpu.memory_space<hbm>>
      tpu.enqueue_dma source(%dma_start3A_36 : memref<640x32xf32, #tpu.memory_space<hbm>>) target(%dma_start3A_34 : memref<640x32xf32, #tpu.memory_space<vmem_shared>>) target_semaphore(%run_scoped3A : memref<!tpu.dma_semaphore, #tpu.memory_space<semaphore_mem>>)
      %dma_wait3A_37 = arith.constant 0 : i32
      %dma_wait3A_38 = tpu.memref_slice %arg8[%mul3A_2, %dma_wait3A_37] : memref<10240x32xf32, #tpu.memory_space<vmem_shared>> -> memref<640x32xf32, #tpu.memory_space<vmem_shared>>
      %dma_wait3A_39 = arith.constant 0 : i32
      %dma_wait3A_40 = tpu.memref_slice %arg2[%mul3A_2, %dma_wait3A_39] : memref<10240x32xf32, #tpu.memory_space<hbm>> -> memref<640x32xf32, #tpu.memory_space<hbm>>
      tpu.wait_dma2 semaphore(%run_scoped3A : memref<!tpu.dma_semaphore, #tpu.memory_space<semaphore_mem>>) src(%dma_wait3A_40 : memref<640x32xf32, #tpu.memory_space<hbm>>) dst(%dma_wait3A_38 : memref<640x32xf32, #tpu.memory_space<vmem_shared>>)
      tpu.yield
    }) : () -> ()
    %mul3A_3 = arith.constant 80 : i32
    %mul3A_4 = arith.muli %add3A, %mul3A_3 : i32
    "tpu.region"() ({
      %run_scoped3A = tpu.sem_alloc : memref<!tpu.dma_semaphore, #tpu.memory_space<semaphore_mem>>
      %dma_start3A_33 = arith.constant 0 : i32
      %dma_start3A_34 = tpu.memref_slice %arg3[%mul3A_4, %dma_start3A_33] : memref<2560x128xi32, #tpu.memory_space<hbm>> -> memref<80x128xi32, #tpu.memory_space<hbm>>
      %dma_start3A_35 = arith.constant 0 : i32
      %dma_start3A_36 = tpu.memref_slice %arg3[%mul3A_4, %dma_start3A_35] : memref<2560x128xi32, #tpu.memory_space<hbm>> -> memref<80x128xi32, #tpu.memory_space<hbm>>
      tpu.enqueue_dma source(%dma_start3A_36 : memref<80x128xi32, #tpu.memory_space<hbm>>) target(%arg9 : memref<80x128xi32, #tpu.memory_space<vmem>>) target_semaphore(%run_scoped3A : memref<!tpu.dma_semaphore, #tpu.memory_space<semaphore_mem>>)
      %dma_wait3A_37 = arith.constant 0 : i32
      %dma_wait3A_38 = tpu.memref_slice %arg3[%mul3A_4, %dma_wait3A_37] : memref<2560x128xi32, #tpu.memory_space<hbm>> -> memref<80x128xi32, #tpu.memory_space<hbm>>
      %dma_wait3A_39 = arith.constant 0 : i32
      %dma_wait3A_40 = tpu.memref_slice %arg3[%mul3A_4, %dma_wait3A_39] : memref<2560x128xi32, #tpu.memory_space<hbm>> -> memref<80x128xi32, #tpu.memory_space<hbm>>
      tpu.wait_dma2 semaphore(%run_scoped3A : memref<!tpu.dma_semaphore, #tpu.memory_space<semaphore_mem>>) src(%dma_wait3A_40 : memref<80x128xi32, #tpu.memory_space<hbm>>) dst(%arg9 : memref<80x128xi32, #tpu.memory_space<vmem>>)
      tpu.yield
    }) : () -> ()
    "tpu.region"() ({
      %run_scoped3A = tpu.sem_alloc : memref<!tpu.dma_semaphore, #tpu.memory_space<semaphore_mem>>
      %dma_start3A_33 = arith.constant 0 : i32
      %dma_start3A_34 = tpu.memref_slice %arg4[%mul3A_4, %dma_start3A_33] : memref<2560x128xi32, #tpu.memory_space<hbm>> -> memref<80x128xi32, #tpu.memory_space<hbm>>
      %dma_start3A_35 = arith.constant 0 : i32
      %dma_start3A_36 = tpu.memref_slice %arg4[%mul3A_4, %dma_start3A_35] : memref<2560x128xi32, #tpu.memory_space<hbm>> -> memref<80x128xi32, #tpu.memory_space<hbm>>
      tpu.enqueue_dma source(%dma_start3A_36 : memref<80x128xi32, #tpu.memory_space<hbm>>) target(%arg10 : memref<80x128xi32, #tpu.memory_space<vmem>>) target_semaphore(%run_scoped3A : memref<!tpu.dma_semaphore, #tpu.memory_space<semaphore_mem>>)
      %dma_wait3A_37 = arith.constant 0 : i32
      %dma_wait3A_38 = tpu.memref_slice %arg4[%mul3A_4, %dma_wait3A_37] : memref<2560x128xi32, #tpu.memory_space<hbm>> -> memref<80x128xi32, #tpu.memory_space<hbm>>
      %dma_wait3A_39 = arith.constant 0 : i32
      %dma_wait3A_40 = tpu.memref_slice %arg4[%mul3A_4, %dma_wait3A_39] : memref<2560x128xi32, #tpu.memory_space<hbm>> -> memref<80x128xi32, #tpu.memory_space<hbm>>
      tpu.wait_dma2 semaphore(%run_scoped3A : memref<!tpu.dma_semaphore, #tpu.memory_space<semaphore_mem>>) src(%dma_wait3A_40 : memref<80x128xi32, #tpu.memory_space<hbm>>) dst(%arg10 : memref<80x128xi32, #tpu.memory_space<vmem>>)
      tpu.yield
    }) : () -> ()
    %barrier3A = arith.constant 0 : index
    tpu.barrier barrier_id(%barrier3A)
    %dma_start3A = arith.constant 0 : i32
    %dma_start3A_5 = arith.constant 0 : i32
    %dma_start3A_6 = arith.constant 0 : i32
    %dma_start3A_7 = arith.constant 0 : i32
    %dma_start3A_8 = tpu.memref_slice %arg11[%dma_start3A_5, %dma_start3A_6, %dma_start3A_7] : memref<4x128x32xf32, #tpu.memory_space<vmem>> -> memref<1x128x32xf32, #tpu.memory_space<vmem>>
    %dma_start3A_9 = tpu.memref_squeeze %dma_start3A_8 : memref<1x128x32xf32, #tpu.memory_space<vmem>> -> memref<128x32xf32, #tpu.memory_space<vmem>>
    %dma_start3A_10 = arith.constant 0 : i32
    %dma_start3A_11 = tpu.memref_slice %arg9[%dma_start3A, %dma_start3A_10] : memref<80x128xi32, #tpu.memory_space<vmem>> -> memref<1x128xi32, #tpu.memory_space<vmem>>
    %dma_start3A_12 = tpu.memref_squeeze %dma_start3A_11 : memref<1x128xi32, #tpu.memory_space<vmem>> -> memref<128xi32, #tpu.memory_space<vmem>>
    %dma_start3A_13 = arith.constant 0 : i32
    %dma_start3A_14 = arith.constant 0 : i32
    %dma_start3A_15 = tpu.memref_slice %arg8[%dma_start3A_13, %dma_start3A_14] : memref<10240x32xf32, #tpu.memory_space<vmem_shared>> -> memref<10240x32xf32, #tpu.memory_space<vmem_shared>>
    tpu.enqueue_indirect_dma source(%dma_start3A_15 : memref<10240x32xf32, #tpu.memory_space<vmem_shared>>) target(%dma_start3A_9 : memref<128x32xf32, #tpu.memory_space<vmem>>) offsets(%dma_start3A_12 : memref<128xi32, #tpu.memory_space<vmem>>) semaphore(%arg12 : memref<!tpu.dma_semaphore, #tpu.memory_space<semaphore_mem>>)
    %scan3A = arith.constant 0 : i32
    %scan3A_16 = arith.constant 0 : i32
    %scan3A_17 = arith.constant 40 : i32
    %scan3A_18 = arith.addi %scan3A_16, %scan3A_17 : i32
    %scan3A_19 = arith.constant 1 : i32
    scf.for %scan3A_33 = %scan3A_16 to %scan3A_18 step %scan3A_19  : i32 {
      %mul3A_34 = arith.constant 2 : i32
      %mul3A_35 = arith.muli %mul3A_34, %scan3A_33 : i32
      %dma_wait3A_36 = arith.constant 0 : i32
      %dma_wait3A_37 = arith.constant 0 : i32
      %dma_wait3A_38 = arith.constant 0 : i32
      %dma_wait3A_39 = arith.constant 0 : i32
      %dma_wait3A_40 = tpu.memref_slice %arg11[%dma_wait3A_37, %dma_wait3A_38, %dma_wait3A_39] : memref<4x128x32xf32, #tpu.memory_space<vmem>> -> memref<1x128x32xf32, #tpu.memory_space<vmem>>
      %dma_wait3A_41 = tpu.memref_squeeze %dma_wait3A_40 : memref<1x128x32xf32, #tpu.memory_space<vmem>> -> memref<128x32xf32, #tpu.memory_space<vmem>>
      %dma_wait3A_42 = arith.constant 0 : i32
      %dma_wait3A_43 = tpu.memref_slice %arg9[%dma_wait3A_36, %dma_wait3A_42] : memref<80x128xi32, #tpu.memory_space<vmem>> -> memref<1x128xi32, #tpu.memory_space<vmem>>
      %dma_wait3A_44 = tpu.memref_squeeze %dma_wait3A_43 : memref<1x128xi32, #tpu.memory_space<vmem>> -> memref<128xi32, #tpu.memory_space<vmem>>
      %dma_wait3A_45 = arith.constant 0 : i32
      %dma_wait3A_46 = arith.constant 0 : i32
      %dma_wait3A_47 = tpu.memref_slice %arg8[%dma_wait3A_45, %dma_wait3A_46] : memref<10240x32xf32, #tpu.memory_space<vmem_shared>> -> memref<10240x32xf32, #tpu.memory_space<vmem_shared>>
      tpu.wait_indirect_dma semaphore(%arg12 : memref<!tpu.dma_semaphore, #tpu.memory_space<semaphore_mem>>) src(%dma_wait3A_47 : memref<10240x32xf32, #tpu.memory_space<vmem_shared>>) dst(%dma_wait3A_41 : memref<128x32xf32, #tpu.memory_space<vmem>>)
      %gt3A = arith.constant 0 : i32
      %gt3A_48 = arith.cmpi sgt, %scan3A_33, %gt3A : i32
      %convert_element_type3A = arith.extui %gt3A_48 : i1 to i32
      %cond3A = arith.constant 0 : i32
      %cond3A_49 = arith.cmpi ne, %convert_element_type3A, %cond3A : i32
      scf.if %cond3A_49 {
        %dma_wait3A_115 = arith.constant 1 : i32
        %dma_wait3A_116 = arith.constant 0 : i32
        %dma_wait3A_117 = arith.constant 0 : i32
        %dma_wait3A_118 = arith.constant 0 : i32
        %dma_wait3A_119 = tpu.memref_slice %arg11[%dma_wait3A_115, %dma_wait3A_117, %dma_wait3A_118] : memref<4x128x32xf32, #tpu.memory_space<vmem>> -> memref<1x128x32xf32, #tpu.memory_space<vmem>>
        %dma_wait3A_120 = tpu.memref_squeeze %dma_wait3A_119 : memref<1x128x32xf32, #tpu.memory_space<vmem>> -> memref<128x32xf32, #tpu.memory_space<vmem>>
        %dma_wait3A_121 = arith.constant 0 : i32
        %dma_wait3A_122 = tpu.memref_slice %arg10[%dma_wait3A_116, %dma_wait3A_121] : memref<80x128xi32, #tpu.memory_space<vmem>> -> memref<1x128xi32, #tpu.memory_space<vmem>>
        %dma_wait3A_123 = tpu.memref_squeeze %dma_wait3A_122 : memref<1x128xi32, #tpu.memory_space<vmem>> -> memref<128xi32, #tpu.memory_space<vmem>>
        %dma_wait3A_124 = arith.constant 0 : i32
        %dma_wait3A_125 = arith.constant 0 : i32
        %dma_wait3A_126 = tpu.memref_slice %arg7[%dma_wait3A_124, %dma_wait3A_125] : memref<10240x32xf32, #tpu.memory_space<vmem_shared>> -> memref<10240x32xf32, #tpu.memory_space<vmem_shared>>
        tpu.wait_indirect_dma semaphore(%arg17 : memref<!tpu.dma_semaphore, #tpu.memory_space<semaphore_mem>>) src(%dma_wait3A_120 : memref<128x32xf32, #tpu.memory_space<vmem>>) dst(%dma_wait3A_126 : memref<10240x32xf32, #tpu.memory_space<vmem_shared>>)
      } else {
      }
      %add3A_50 = arith.constant 1 : i32
      %add3A_51 = arith.addi %mul3A_35, %add3A_50 : i32
      %dma_start3A_52 = arith.constant 1 : i32
      %dma_start3A_53 = arith.constant 0 : i32
      %dma_start3A_54 = arith.constant 0 : i32
      %dma_start3A_55 = tpu.memref_slice %arg11[%dma_start3A_52, %dma_start3A_53, %dma_start3A_54] : memref<4x128x32xf32, #tpu.memory_space<vmem>> -> memref<1x128x32xf32, #tpu.memory_space<vmem>>
      %dma_start3A_56 = tpu.memref_squeeze %dma_start3A_55 : memref<1x128x32xf32, #tpu.memory_space<vmem>> -> memref<128x32xf32, #tpu.memory_space<vmem>>
      %dma_start3A_57 = arith.constant 0 : i32
      %dma_start3A_58 = tpu.memref_slice %arg9[%add3A_51, %dma_start3A_57] : memref<80x128xi32, #tpu.memory_space<vmem>> -> memref<1x128xi32, #tpu.memory_space<vmem>>
      %dma_start3A_59 = tpu.memref_squeeze %dma_start3A_58 : memref<1x128xi32, #tpu.memory_space<vmem>> -> memref<128xi32, #tpu.memory_space<vmem>>
      %dma_start3A_60 = arith.constant 0 : i32
      %dma_start3A_61 = arith.constant 0 : i32
      %dma_start3A_62 = tpu.memref_slice %arg8[%dma_start3A_60, %dma_start3A_61] : memref<10240x32xf32, #tpu.memory_space<vmem_shared>> -> memref<10240x32xf32, #tpu.memory_space<vmem_shared>>
      tpu.enqueue_indirect_dma source(%dma_start3A_62 : memref<10240x32xf32, #tpu.memory_space<vmem_shared>>) target(%dma_start3A_56 : memref<128x32xf32, #tpu.memory_space<vmem>>) offsets(%dma_start3A_59 : memref<128xi32, #tpu.memory_space<vmem>>) semaphore(%arg13 : memref<!tpu.dma_semaphore, #tpu.memory_space<semaphore_mem>>)
      %dma_start3A_63 = arith.constant 0 : i32
      %dma_start3A_64 = arith.constant 0 : i32
      %dma_start3A_65 = arith.constant 0 : i32
      %dma_start3A_66 = tpu.memref_slice %arg11[%dma_start3A_63, %dma_start3A_64, %dma_start3A_65] : memref<4x128x32xf32, #tpu.memory_space<vmem>> -> memref<1x128x32xf32, #tpu.memory_space<vmem>>
      %dma_start3A_67 = tpu.memref_squeeze %dma_start3A_66 : memref<1x128x32xf32, #tpu.memory_space<vmem>> -> memref<128x32xf32, #tpu.memory_space<vmem>>
      %dma_start3A_68 = arith.constant 0 : i32
      %dma_start3A_69 = tpu.memref_slice %arg10[%mul3A_35, %dma_start3A_68] : memref<80x128xi32, #tpu.memory_space<vmem>> -> memref<1x128xi32, #tpu.memory_space<vmem>>
      %dma_start3A_70 = tpu.memref_squeeze %dma_start3A_69 : memref<1x128xi32, #tpu.memory_space<vmem>> -> memref<128xi32, #tpu.memory_space<vmem>>
      %dma_start3A_71 = arith.constant 0 : i32
      %dma_start3A_72 = arith.constant 0 : i32
      %dma_start3A_73 = tpu.memref_slice %arg7[%dma_start3A_71, %dma_start3A_72] : memref<10240x32xf32, #tpu.memory_space<vmem_shared>> -> memref<10240x32xf32, #tpu.memory_space<vmem_shared>>
      tpu.enqueue_indirect_dma source(%dma_start3A_67 : memref<128x32xf32, #tpu.memory_space<vmem>>) target(%dma_start3A_73 : memref<10240x32xf32, #tpu.memory_space<vmem_shared>>) offsets(%dma_start3A_70 : memref<128xi32, #tpu.memory_space<vmem>>) semaphore(%arg16 : memref<!tpu.dma_semaphore, #tpu.memory_space<semaphore_mem>>) {add = true}
      %dma_wait3A_74 = arith.constant 0 : i32
      %dma_wait3A_75 = arith.constant 1 : i32
      %dma_wait3A_76 = arith.constant 0 : i32
      %dma_wait3A_77 = arith.constant 0 : i32
      %dma_wait3A_78 = tpu.memref_slice %arg11[%dma_wait3A_75, %dma_wait3A_76, %dma_wait3A_77] : memref<4x128x32xf32, #tpu.memory_space<vmem>> -> memref<1x128x32xf32, #tpu.memory_space<vmem>>
      %dma_wait3A_79 = tpu.memref_squeeze %dma_wait3A_78 : memref<1x128x32xf32, #tpu.memory_space<vmem>> -> memref<128x32xf32, #tpu.memory_space<vmem>>
      %dma_wait3A_80 = arith.constant 0 : i32
      %dma_wait3A_81 = tpu.memref_slice %arg9[%dma_wait3A_74, %dma_wait3A_80] : memref<80x128xi32, #tpu.memory_space<vmem>> -> memref<1x128xi32, #tpu.memory_space<vmem>>
      %dma_wait3A_82 = tpu.memref_squeeze %dma_wait3A_81 : memref<1x128xi32, #tpu.memory_space<vmem>> -> memref<128xi32, #tpu.memory_space<vmem>>
      %dma_wait3A_83 = arith.constant 0 : i32
      %dma_wait3A_84 = arith.constant 0 : i32
      %dma_wait3A_85 = tpu.memref_slice %arg8[%dma_wait3A_83, %dma_wait3A_84] : memref<10240x32xf32, #tpu.memory_space<vmem_shared>> -> memref<10240x32xf32, #tpu.memory_space<vmem_shared>>
      tpu.wait_indirect_dma semaphore(%arg13 : memref<!tpu.dma_semaphore, #tpu.memory_space<semaphore_mem>>) src(%dma_wait3A_85 : memref<10240x32xf32, #tpu.memory_space<vmem_shared>>) dst(%dma_wait3A_79 : memref<128x32xf32, #tpu.memory_space<vmem>>)
      %dma_wait3A_86 = arith.constant 0 : i32
      %dma_wait3A_87 = arith.constant 0 : i32
      %dma_wait3A_88 = arith.constant 0 : i32
      %dma_wait3A_89 = arith.constant 0 : i32
      %dma_wait3A_90 = tpu.memref_slice %arg11[%dma_wait3A_86, %dma_wait3A_88, %dma_wait3A_89] : memref<4x128x32xf32, #tpu.memory_space<vmem>> -> memref<1x128x32xf32, #tpu.memory_space<vmem>>
      %dma_wait3A_91 = tpu.memref_squeeze %dma_wait3A_90 : memref<1x128x32xf32, #tpu.memory_space<vmem>> -> memref<128x32xf32, #tpu.memory_space<vmem>>
      %dma_wait3A_92 = arith.constant 0 : i32
      %dma_wait3A_93 = tpu.memref_slice %arg10[%dma_wait3A_87, %dma_wait3A_92] : memref<80x128xi32, #tpu.memory_space<vmem>> -> memref<1x128xi32, #tpu.memory_space<vmem>>
      %dma_wait3A_94 = tpu.memref_squeeze %dma_wait3A_93 : memref<1x128xi32, #tpu.memory_space<vmem>> -> memref<128xi32, #tpu.memory_space<vmem>>
      %dma_wait3A_95 = arith.constant 0 : i32
      %dma_wait3A_96 = arith.constant 0 : i32
      %dma_wait3A_97 = tpu.memref_slice %arg7[%dma_wait3A_95, %dma_wait3A_96] : memref<10240x32xf32, #tpu.memory_space<vmem_shared>> -> memref<10240x32xf32, #tpu.memory_space<vmem_shared>>
      tpu.wait_indirect_dma semaphore(%arg16 : memref<!tpu.dma_semaphore, #tpu.memory_space<semaphore_mem>>) src(%dma_wait3A_91 : memref<128x32xf32, #tpu.memory_space<vmem>>) dst(%dma_wait3A_97 : memref<10240x32xf32, #tpu.memory_space<vmem_shared>>)
      %lt3A = arith.constant 39 : i32
      %lt3A_98 = arith.cmpi slt, %scan3A_33, %lt3A : i32
      %convert_element_type3A_99 = arith.extui %lt3A_98 : i1 to i32
      %cond3A_100 = arith.constant 0 : i32
      %cond3A_101 = arith.cmpi ne, %convert_element_type3A_99, %cond3A_100 : i32
      scf.if %cond3A_101 {
        %add3A_115 = arith.constant 2 : i32
        %add3A_116 = arith.addi %mul3A_35, %add3A_115 : i32
        %dma_start3A_117 = arith.constant 0 : i32
        %dma_start3A_118 = arith.constant 0 : i32
        %dma_start3A_119 = arith.constant 0 : i32
        %dma_start3A_120 = tpu.memref_slice %arg11[%dma_start3A_117, %dma_start3A_118, %dma_start3A_119] : memref<4x128x32xf32, #tpu.memory_space<vmem>> -> memref<1x128x32xf32, #tpu.memory_space<vmem>>
        %dma_start3A_121 = tpu.memref_squeeze %dma_start3A_120 : memref<1x128x32xf32, #tpu.memory_space<vmem>> -> memref<128x32xf32, #tpu.memory_space<vmem>>
        %dma_start3A_122 = arith.constant 0 : i32
        %dma_start3A_123 = tpu.memref_slice %arg9[%add3A_116, %dma_start3A_122] : memref<80x128xi32, #tpu.memory_space<vmem>> -> memref<1x128xi32, #tpu.memory_space<vmem>>
        %dma_start3A_124 = tpu.memref_squeeze %dma_start3A_123 : memref<1x128xi32, #tpu.memory_space<vmem>> -> memref<128xi32, #tpu.memory_space<vmem>>
        %dma_start3A_125 = arith.constant 0 : i32
        %dma_start3A_126 = arith.constant 0 : i32
        %dma_start3A_127 = tpu.memref_slice %arg8[%dma_start3A_125, %dma_start3A_126] : memref<10240x32xf32, #tpu.memory_space<vmem_shared>> -> memref<10240x32xf32, #tpu.memory_space<vmem_shared>>
        tpu.enqueue_indirect_dma source(%dma_start3A_127 : memref<10240x32xf32, #tpu.memory_space<vmem_shared>>) target(%dma_start3A_121 : memref<128x32xf32, #tpu.memory_space<vmem>>) offsets(%dma_start3A_124 : memref<128xi32, #tpu.memory_space<vmem>>) semaphore(%arg12 : memref<!tpu.dma_semaphore, #tpu.memory_space<semaphore_mem>>)
      } else {
      }
      %add3A_102 = arith.constant 1 : i32
      %add3A_103 = arith.addi %mul3A_35, %add3A_102 : i32
      %dma_start3A_104 = arith.constant 1 : i32
      %dma_start3A_105 = arith.constant 0 : i32
      %dma_start3A_106 = arith.constant 0 : i32
      %dma_start3A_107 = tpu.memref_slice %arg11[%dma_start3A_104, %dma_start3A_105, %dma_start3A_106] : memref<4x128x32xf32, #tpu.memory_space<vmem>> -> memref<1x128x32xf32, #tpu.memory_space<vmem>>
      %dma_start3A_108 = tpu.memref_squeeze %dma_start3A_107 : memref<1x128x32xf32, #tpu.memory_space<vmem>> -> memref<128x32xf32, #tpu.memory_space<vmem>>
      %dma_start3A_109 = arith.constant 0 : i32
      %dma_start3A_110 = tpu.memref_slice %arg10[%add3A_103, %dma_start3A_109] : memref<80x128xi32, #tpu.memory_space<vmem>> -> memref<1x128xi32, #tpu.memory_space<vmem>>
      %dma_start3A_111 = tpu.memref_squeeze %dma_start3A_110 : memref<1x128xi32, #tpu.memory_space<vmem>> -> memref<128xi32, #tpu.memory_space<vmem>>
      %dma_start3A_112 = arith.constant 0 : i32
      %dma_start3A_113 = arith.constant 0 : i32
      %dma_start3A_114 = tpu.memref_slice %arg7[%dma_start3A_112, %dma_start3A_113] : memref<10240x32xf32, #tpu.memory_space<vmem_shared>> -> memref<10240x32xf32, #tpu.memory_space<vmem_shared>>
      tpu.enqueue_indirect_dma source(%dma_start3A_108 : memref<128x32xf32, #tpu.memory_space<vmem>>) target(%dma_start3A_114 : memref<10240x32xf32, #tpu.memory_space<vmem_shared>>) offsets(%dma_start3A_111 : memref<128xi32, #tpu.memory_space<vmem>>) semaphore(%arg17 : memref<!tpu.dma_semaphore, #tpu.memory_space<semaphore_mem>>) {add = true}
    }
    %scan3A_20 = arith.constant 40 : i32
    %dma_wait3A = arith.constant 1 : i32
    %dma_wait3A_21 = arith.constant 0 : i32
    %dma_wait3A_22 = arith.constant 0 : i32
    %dma_wait3A_23 = arith.constant 0 : i32
    %dma_wait3A_24 = tpu.memref_slice %arg11[%dma_wait3A, %dma_wait3A_22, %dma_wait3A_23] : memref<4x128x32xf32, #tpu.memory_space<vmem>> -> memref<1x128x32xf32, #tpu.memory_space<vmem>>
    %dma_wait3A_25 = tpu.memref_squeeze %dma_wait3A_24 : memref<1x128x32xf32, #tpu.memory_space<vmem>> -> memref<128x32xf32, #tpu.memory_space<vmem>>
    %dma_wait3A_26 = arith.constant 0 : i32
    %dma_wait3A_27 = tpu.memref_slice %arg10[%dma_wait3A_21, %dma_wait3A_26] : memref<80x128xi32, #tpu.memory_space<vmem>> -> memref<1x128xi32, #tpu.memory_space<vmem>>
    %dma_wait3A_28 = tpu.memref_squeeze %dma_wait3A_27 : memref<1x128xi32, #tpu.memory_space<vmem>> -> memref<128xi32, #tpu.memory_space<vmem>>
    %dma_wait3A_29 = arith.constant 0 : i32
    %dma_wait3A_30 = arith.constant 0 : i32
    %dma_wait3A_31 = tpu.memref_slice %arg7[%dma_wait3A_29, %dma_wait3A_30] : memref<10240x32xf32, #tpu.memory_space<vmem_shared>> -> memref<10240x32xf32, #tpu.memory_space<vmem_shared>>
    tpu.wait_indirect_dma semaphore(%arg17 : memref<!tpu.dma_semaphore, #tpu.memory_space<semaphore_mem>>) src(%dma_wait3A_25 : memref<128x32xf32, #tpu.memory_space<vmem>>) dst(%dma_wait3A_31 : memref<10240x32xf32, #tpu.memory_space<vmem_shared>>)
    %barrier3A_32 = arith.constant 0 : index
    tpu.barrier barrier_id(%barrier3A_32)
    "tpu.region"() ({
      %run_scoped3A = tpu.sem_alloc : memref<!tpu.dma_semaphore, #tpu.memory_space<semaphore_mem>>
      %dma_start3A_33 = arith.constant 0 : i32
      %dma_start3A_34 = tpu.memref_slice %arg6[%arg0, %mul3A_2, %dma_start3A_33] : memref<2x10240x32xf32, #tpu.memory_space<hbm>> -> memref<1x640x32xf32, #tpu.memory_space<hbm>>
      %dma_start3A_35 = tpu.memref_squeeze %dma_start3A_34 : memref<1x640x32xf32, #tpu.memory_space<hbm>> -> memref<640x32xf32, #tpu.memory_space<hbm>>
      %dma_start3A_36 = arith.constant 0 : i32
      %dma_start3A_37 = tpu.memref_slice %arg7[%mul3A_2, %dma_start3A_36] : memref<10240x32xf32, #tpu.memory_space<vmem_shared>> -> memref<640x32xf32, #tpu.memory_space<vmem_shared>>
      tpu.enqueue_dma source(%dma_start3A_37 : memref<640x32xf32, #tpu.memory_space<vmem_shared>>) target(%dma_start3A_35 : memref<640x32xf32, #tpu.memory_space<hbm>>) target_semaphore(%run_scoped3A : memref<!tpu.dma_semaphore, #tpu.memory_space<semaphore_mem>>)
      %dma_wait3A_38 = arith.constant 0 : i32
      %dma_wait3A_39 = tpu.memref_slice %arg6[%arg0, %mul3A_2, %dma_wait3A_38] : memref<2x10240x32xf32, #tpu.memory_space<hbm>> -> memref<1x640x32xf32, #tpu.memory_space<hbm>>
      %dma_wait3A_40 = tpu.memref_squeeze %dma_wait3A_39 : memref<1x640x32xf32, #tpu.memory_space<hbm>> -> memref<640x32xf32, #tpu.memory_space<hbm>>
      %dma_wait3A_41 = arith.constant 0 : i32
      %dma_wait3A_42 = tpu.memref_slice %arg7[%mul3A_2, %dma_wait3A_41] : memref<10240x32xf32, #tpu.memory_space<vmem_shared>> -> memref<640x32xf32, #tpu.memory_space<vmem_shared>>
      tpu.wait_dma2 semaphore(%run_scoped3A : memref<!tpu.dma_semaphore, #tpu.memory_space<semaphore_mem>>) src(%dma_wait3A_42 : memref<640x32xf32, #tpu.memory_space<vmem_shared>>) dst(%dma_wait3A_40 : memref<640x32xf32, #tpu.memory_space<hbm>>)
      tpu.yield
    }) : () -> ()
    return
  }
}

#map = affine_map<(d0, d1) -> (0, 0)>
#map1 = affine_map<(d0, d1) -> (0, 0, 0)>
module attributes {stable_mosaic.version = 14 : i64} {
  func.func @k(%arg0: i32, %arg1: i32, %arg2: memref<10240x32xf32, #tpu.memory_space<hbm>>, %arg3: memref<2560x128xi32, #tpu.memory_space<hbm>>, %arg4: memref<2560x128xi32, #tpu.memory_space<hbm>>, %arg5: memref<640x32xf32, #tpu.memory_space<hbm>>, %arg6: memref<640x16xf32, #tpu.memory_space<hbm>>, %arg7: memref<128x16xf32, #tpu.memory_space<hbm>>, %arg8: memref<2x10240x32xf32, #tpu.memory_space<hbm>>, %arg9: memref<2x10240x16xf32, #tpu.memory_space<hbm>>, %arg10: memref<10240x32xf32, #tpu.memory_space<vmem_shared>>, %arg11: memref<10240x32xf32, #tpu.memory_space<vmem_shared>>, %arg12: memref<80x128xi32, #tpu.memory_space<vmem>>, %arg13: memref<80x128xi32, #tpu.memory_space<vmem>>, %arg14: memref<4x128x32xf32, #tpu.memory_space<vmem>>, %arg15: memref<!tpu.dma_semaphore, #tpu.memory_space<semaphore_mem>>, %arg16: memref<!tpu.dma_semaphore, #tpu.memory_space<semaphore_mem>>, %arg17: memref<!tpu.dma_semaphore, #tpu.memory_space<semaphore_mem>>, %arg18: memref<!tpu.dma_semaphore, #tpu.memory_space<semaphore_mem>>, %arg19: memref<!tpu.dma_semaphore, #tpu.memory_space<semaphore_mem>>, %arg20: memref<!tpu.dma_semaphore, #tpu.memory_space<semaphore_mem>>, %arg21: memref<!tpu.dma_semaphore, #tpu.memory_space<semaphore_mem>>, %arg22: memref<!tpu.dma_semaphore, #tpu.memory_space<semaphore_mem>>, %arg23: memref<10240x16xf32, #tpu.memory_space<vmem_shared>>, %arg24: memref<128x16xf32, #tpu.memory_space<vmem>>, %arg25: memref<!tpu.dma_semaphore, #tpu.memory_space<semaphore_mem>>, %arg26: memref<!tpu.dma_semaphore, #tpu.memory_space<semaphore_mem>>, %arg27: memref<!tpu.dma_semaphore, #tpu.memory_space<semaphore_mem>>, %arg28: memref<!tpu.dma_semaphore, #tpu.memory_space<semaphore_mem>>) attributes {dimension_semantics = [#tpu.dimension_semantics<core_parallel>, #tpu.dimension_semantics<subcore_parallel>], iteration_bounds = array<i64: 2, 16>, scalar_prefetch = 0 : i64, scratch_operands = 19 : i64, tpu.core_type = #tpu.core_type<sc_vector_subcore>, window_params = [{transform_indices = #map}, {transform_indices = #map}, {transform_indices = #map}, {transform_indices = #map}, {transform_indices = #map}, {transform_indices = #map}, {transform_indices = #map1}, {transform_indices = #map1}]} {
    %mul3A = arith.constant 2 : i32
    %mul3A_0 = arith.muli %arg1, %mul3A : i32
    %add3A = arith.addi %mul3A_0, %arg0 : i32
    %mul3A_1 = arith.constant 640 : i32
    %mul3A_2 = arith.muli %arg1, %mul3A_1 : i32
    "tpu.region"() ({
      %run_scoped3A = tpu.sem_alloc : memref<!tpu.dma_semaphore, #tpu.memory_space<semaphore_mem>>
      %dma_start3A_47 = arith.constant 0 : i32
      %dma_start3A_48 = tpu.memref_slice %arg10[%mul3A_2, %dma_start3A_47] : memref<10240x32xf32, #tpu.memory_space<vmem_shared>> -> memref<640x32xf32, #tpu.memory_space<vmem_shared>>
      tpu.enqueue_dma source(%arg5 : memref<640x32xf32, #tpu.memory_space<hbm>>) target(%dma_start3A_48 : memref<640x32xf32, #tpu.memory_space<vmem_shared>>) target_semaphore(%run_scoped3A : memref<!tpu.dma_semaphore, #tpu.memory_space<semaphore_mem>>)
      %dma_wait3A_49 = arith.constant 0 : i32
      %dma_wait3A_50 = tpu.memref_slice %arg10[%mul3A_2, %dma_wait3A_49] : memref<10240x32xf32, #tpu.memory_space<vmem_shared>> -> memref<640x32xf32, #tpu.memory_space<vmem_shared>>
      tpu.wait_dma2 semaphore(%run_scoped3A : memref<!tpu.dma_semaphore, #tpu.memory_space<semaphore_mem>>) src(%arg5 : memref<640x32xf32, #tpu.memory_space<hbm>>) dst(%dma_wait3A_50 : memref<640x32xf32, #tpu.memory_space<vmem_shared>>)
      tpu.yield
    }) : () -> ()
    "tpu.region"() ({
      %run_scoped3A = tpu.sem_alloc : memref<!tpu.dma_semaphore, #tpu.memory_space<semaphore_mem>>
      %dma_start3A_47 = arith.constant 0 : i32
      %dma_start3A_48 = tpu.memref_slice %arg11[%mul3A_2, %dma_start3A_47] : memref<10240x32xf32, #tpu.memory_space<vmem_shared>> -> memref<640x32xf32, #tpu.memory_space<vmem_shared>>
      %dma_start3A_49 = arith.constant 0 : i32
      %dma_start3A_50 = tpu.memref_slice %arg2[%mul3A_2, %dma_start3A_49] : memref<10240x32xf32, #tpu.memory_space<hbm>> -> memref<640x32xf32, #tpu.memory_space<hbm>>
      tpu.enqueue_dma source(%dma_start3A_50 : memref<640x32xf32, #tpu.memory_space<hbm>>) target(%dma_start3A_48 : memref<640x32xf32, #tpu.memory_space<vmem_shared>>) target_semaphore(%run_scoped3A : memref<!tpu.dma_semaphore, #tpu.memory_space<semaphore_mem>>)
      %dma_wait3A_51 = arith.constant 0 : i32
      %dma_wait3A_52 = tpu.memref_slice %arg11[%mul3A_2, %dma_wait3A_51] : memref<10240x32xf32, #tpu.memory_space<vmem_shared>> -> memref<640x32xf32, #tpu.memory_space<vmem_shared>>
      %dma_wait3A_53 = arith.constant 0 : i32
      %dma_wait3A_54 = tpu.memref_slice %arg2[%mul3A_2, %dma_wait3A_53] : memref<10240x32xf32, #tpu.memory_space<hbm>> -> memref<640x32xf32, #tpu.memory_space<hbm>>
      tpu.wait_dma2 semaphore(%run_scoped3A : memref<!tpu.dma_semaphore, #tpu.memory_space<semaphore_mem>>) src(%dma_wait3A_54 : memref<640x32xf32, #tpu.memory_space<hbm>>) dst(%dma_wait3A_52 : memref<640x32xf32, #tpu.memory_space<vmem_shared>>)
      tpu.yield
    }) : () -> ()
    "tpu.region"() ({
      %run_scoped3A = tpu.sem_alloc : memref<!tpu.dma_semaphore, #tpu.memory_space<semaphore_mem>>
      %dma_start3A_47 = arith.constant 0 : i32
      %dma_start3A_48 = tpu.memref_slice %arg23[%mul3A_2, %dma_start3A_47] : memref<10240x16xf32, #tpu.memory_space<vmem_shared>> -> memref<640x16xf32, #tpu.memory_space<vmem_shared>>
      tpu.enqueue_dma source(%arg6 : memref<640x16xf32, #tpu.memory_space<hbm>>) target(%dma_start3A_48 : memref<640x16xf32, #tpu.memory_space<vmem_shared>>) target_semaphore(%run_scoped3A : memref<!tpu.dma_semaphore, #tpu.memory_space<semaphore_mem>>)
      %dma_wait3A_49 = arith.constant 0 : i32
      %dma_wait3A_50 = tpu.memref_slice %arg23[%mul3A_2, %dma_wait3A_49] : memref<10240x16xf32, #tpu.memory_space<vmem_shared>> -> memref<640x16xf32, #tpu.memory_space<vmem_shared>>
      tpu.wait_dma2 semaphore(%run_scoped3A : memref<!tpu.dma_semaphore, #tpu.memory_space<semaphore_mem>>) src(%arg6 : memref<640x16xf32, #tpu.memory_space<hbm>>) dst(%dma_wait3A_50 : memref<640x16xf32, #tpu.memory_space<vmem_shared>>)
      tpu.yield
    }) : () -> ()
    "tpu.region"() ({
      %run_scoped3A = tpu.sem_alloc : memref<!tpu.dma_semaphore, #tpu.memory_space<semaphore_mem>>
      tpu.enqueue_dma source(%arg7 : memref<128x16xf32, #tpu.memory_space<hbm>>) target(%arg24 : memref<128x16xf32, #tpu.memory_space<vmem>>) target_semaphore(%run_scoped3A : memref<!tpu.dma_semaphore, #tpu.memory_space<semaphore_mem>>)
      tpu.wait_dma2 semaphore(%run_scoped3A : memref<!tpu.dma_semaphore, #tpu.memory_space<semaphore_mem>>) src(%arg7 : memref<128x16xf32, #tpu.memory_space<hbm>>) dst(%arg24 : memref<128x16xf32, #tpu.memory_space<vmem>>)
      tpu.yield
    }) : () -> ()
    %mul3A_3 = arith.constant 80 : i32
    %mul3A_4 = arith.muli %add3A, %mul3A_3 : i32
    "tpu.region"() ({
      %run_scoped3A = tpu.sem_alloc : memref<!tpu.dma_semaphore, #tpu.memory_space<semaphore_mem>>
      %dma_start3A_47 = arith.constant 0 : i32
      %dma_start3A_48 = tpu.memref_slice %arg3[%mul3A_4, %dma_start3A_47] : memref<2560x128xi32, #tpu.memory_space<hbm>> -> memref<80x128xi32, #tpu.memory_space<hbm>>
      %dma_start3A_49 = arith.constant 0 : i32
      %dma_start3A_50 = tpu.memref_slice %arg3[%mul3A_4, %dma_start3A_49] : memref<2560x128xi32, #tpu.memory_space<hbm>> -> memref<80x128xi32, #tpu.memory_space<hbm>>
      tpu.enqueue_dma source(%dma_start3A_50 : memref<80x128xi32, #tpu.memory_space<hbm>>) target(%arg12 : memref<80x128xi32, #tpu.memory_space<vmem>>) target_semaphore(%run_scoped3A : memref<!tpu.dma_semaphore, #tpu.memory_space<semaphore_mem>>)
      %dma_wait3A_51 = arith.constant 0 : i32
      %dma_wait3A_52 = tpu.memref_slice %arg3[%mul3A_4, %dma_wait3A_51] : memref<2560x128xi32, #tpu.memory_space<hbm>> -> memref<80x128xi32, #tpu.memory_space<hbm>>
      %dma_wait3A_53 = arith.constant 0 : i32
      %dma_wait3A_54 = tpu.memref_slice %arg3[%mul3A_4, %dma_wait3A_53] : memref<2560x128xi32, #tpu.memory_space<hbm>> -> memref<80x128xi32, #tpu.memory_space<hbm>>
      tpu.wait_dma2 semaphore(%run_scoped3A : memref<!tpu.dma_semaphore, #tpu.memory_space<semaphore_mem>>) src(%dma_wait3A_54 : memref<80x128xi32, #tpu.memory_space<hbm>>) dst(%arg12 : memref<80x128xi32, #tpu.memory_space<vmem>>)
      tpu.yield
    }) : () -> ()
    "tpu.region"() ({
      %run_scoped3A = tpu.sem_alloc : memref<!tpu.dma_semaphore, #tpu.memory_space<semaphore_mem>>
      %dma_start3A_47 = arith.constant 0 : i32
      %dma_start3A_48 = tpu.memref_slice %arg4[%mul3A_4, %dma_start3A_47] : memref<2560x128xi32, #tpu.memory_space<hbm>> -> memref<80x128xi32, #tpu.memory_space<hbm>>
      %dma_start3A_49 = arith.constant 0 : i32
      %dma_start3A_50 = tpu.memref_slice %arg4[%mul3A_4, %dma_start3A_49] : memref<2560x128xi32, #tpu.memory_space<hbm>> -> memref<80x128xi32, #tpu.memory_space<hbm>>
      tpu.enqueue_dma source(%dma_start3A_50 : memref<80x128xi32, #tpu.memory_space<hbm>>) target(%arg13 : memref<80x128xi32, #tpu.memory_space<vmem>>) target_semaphore(%run_scoped3A : memref<!tpu.dma_semaphore, #tpu.memory_space<semaphore_mem>>)
      %dma_wait3A_51 = arith.constant 0 : i32
      %dma_wait3A_52 = tpu.memref_slice %arg4[%mul3A_4, %dma_wait3A_51] : memref<2560x128xi32, #tpu.memory_space<hbm>> -> memref<80x128xi32, #tpu.memory_space<hbm>>
      %dma_wait3A_53 = arith.constant 0 : i32
      %dma_wait3A_54 = tpu.memref_slice %arg4[%mul3A_4, %dma_wait3A_53] : memref<2560x128xi32, #tpu.memory_space<hbm>> -> memref<80x128xi32, #tpu.memory_space<hbm>>
      tpu.wait_dma2 semaphore(%run_scoped3A : memref<!tpu.dma_semaphore, #tpu.memory_space<semaphore_mem>>) src(%dma_wait3A_54 : memref<80x128xi32, #tpu.memory_space<hbm>>) dst(%arg13 : memref<80x128xi32, #tpu.memory_space<vmem>>)
      tpu.yield
    }) : () -> ()
    %barrier3A = arith.constant 0 : index
    tpu.barrier barrier_id(%barrier3A)
    %dma_start3A = arith.constant 0 : i32
    %dma_start3A_5 = arith.constant 0 : i32
    %dma_start3A_6 = arith.constant 0 : i32
    %dma_start3A_7 = arith.constant 0 : i32
    %dma_start3A_8 = tpu.memref_slice %arg14[%dma_start3A_5, %dma_start3A_6, %dma_start3A_7] : memref<4x128x32xf32, #tpu.memory_space<vmem>> -> memref<1x128x32xf32, #tpu.memory_space<vmem>>
    %dma_start3A_9 = tpu.memref_squeeze %dma_start3A_8 : memref<1x128x32xf32, #tpu.memory_space<vmem>> -> memref<128x32xf32, #tpu.memory_space<vmem>>
    %dma_start3A_10 = arith.constant 0 : i32
    %dma_start3A_11 = tpu.memref_slice %arg12[%dma_start3A, %dma_start3A_10] : memref<80x128xi32, #tpu.memory_space<vmem>> -> memref<1x128xi32, #tpu.memory_space<vmem>>
    %dma_start3A_12 = tpu.memref_squeeze %dma_start3A_11 : memref<1x128xi32, #tpu.memory_space<vmem>> -> memref<128xi32, #tpu.memory_space<vmem>>
    %dma_start3A_13 = arith.constant 0 : i32
    %dma_start3A_14 = arith.constant 0 : i32
    %dma_start3A_15 = tpu.memref_slice %arg11[%dma_start3A_13, %dma_start3A_14] : memref<10240x32xf32, #tpu.memory_space<vmem_shared>> -> memref<10240x32xf32, #tpu.memory_space<vmem_shared>>
    tpu.enqueue_indirect_dma source(%dma_start3A_15 : memref<10240x32xf32, #tpu.memory_space<vmem_shared>>) target(%dma_start3A_9 : memref<128x32xf32, #tpu.memory_space<vmem>>) offsets(%dma_start3A_12 : memref<128xi32, #tpu.memory_space<vmem>>) semaphore(%arg15 : memref<!tpu.dma_semaphore, #tpu.memory_space<semaphore_mem>>)
    %scan3A = arith.constant 0 : i32
    %scan3A_16 = arith.constant 0 : i32
    %scan3A_17 = arith.constant 40 : i32
    %scan3A_18 = arith.addi %scan3A_16, %scan3A_17 : i32
    %scan3A_19 = arith.constant 1 : i32
    scf.for %scan3A_47 = %scan3A_16 to %scan3A_18 step %scan3A_19  : i32 {
      %mul3A_48 = arith.constant 2 : i32
      %mul3A_49 = arith.muli %mul3A_48, %scan3A_47 : i32
      %dma_wait3A_50 = arith.constant 0 : i32
      %dma_wait3A_51 = arith.constant 0 : i32
      %dma_wait3A_52 = arith.constant 0 : i32
      %dma_wait3A_53 = arith.constant 0 : i32
      %dma_wait3A_54 = tpu.memref_slice %arg14[%dma_wait3A_51, %dma_wait3A_52, %dma_wait3A_53] : memref<4x128x32xf32, #tpu.memory_space<vmem>> -> memref<1x128x32xf32, #tpu.memory_space<vmem>>
      %dma_wait3A_55 = tpu.memref_squeeze %dma_wait3A_54 : memref<1x128x32xf32, #tpu.memory_space<vmem>> -> memref<128x32xf32, #tpu.memory_space<vmem>>
      %dma_wait3A_56 = arith.constant 0 : i32
      %dma_wait3A_57 = tpu.memref_slice %arg12[%dma_wait3A_50, %dma_wait3A_56] : memref<80x128xi32, #tpu.memory_space<vmem>> -> memref<1x128xi32, #tpu.memory_space<vmem>>
      %dma_wait3A_58 = tpu.memref_squeeze %dma_wait3A_57 : memref<1x128xi32, #tpu.memory_space<vmem>> -> memref<128xi32, #tpu.memory_space<vmem>>
      %dma_wait3A_59 = arith.constant 0 : i32
      %dma_wait3A_60 = arith.constant 0 : i32
      %dma_wait3A_61 = tpu.memref_slice %arg11[%dma_wait3A_59, %dma_wait3A_60] : memref<10240x32xf32, #tpu.memory_space<vmem_shared>> -> memref<10240x32xf32, #tpu.memory_space<vmem_shared>>
      tpu.wait_indirect_dma semaphore(%arg15 : memref<!tpu.dma_semaphore, #tpu.memory_space<semaphore_mem>>) src(%dma_wait3A_61 : memref<10240x32xf32, #tpu.memory_space<vmem_shared>>) dst(%dma_wait3A_55 : memref<128x32xf32, #tpu.memory_space<vmem>>)
      %gt3A = arith.constant 0 : i32
      %gt3A_62 = arith.cmpi sgt, %scan3A_47, %gt3A : i32
      %convert_element_type3A = arith.extui %gt3A_62 : i1 to i32
      %cond3A = arith.constant 0 : i32
      %cond3A_63 = arith.cmpi ne, %convert_element_type3A, %cond3A : i32
      scf.if %cond3A_63 {
        %dma_wait3A_148 = arith.constant 1 : i32
        %dma_wait3A_149 = arith.constant 0 : i32
        %dma_wait3A_150 = arith.constant 0 : i32
        %dma_wait3A_151 = arith.constant 0 : i32
        %dma_wait3A_152 = tpu.memref_slice %arg14[%dma_wait3A_148, %dma_wait3A_150, %dma_wait3A_151] : memref<4x128x32xf32, #tpu.memory_space<vmem>> -> memref<1x128x32xf32, #tpu.memory_space<vmem>>
        %dma_wait3A_153 = tpu.memref_squeeze %dma_wait3A_152 : memref<1x128x32xf32, #tpu.memory_space<vmem>> -> memref<128x32xf32, #tpu.memory_space<vmem>>
        %dma_wait3A_154 = arith.constant 0 : i32
        %dma_wait3A_155 = tpu.memref_slice %arg13[%dma_wait3A_149, %dma_wait3A_154] : memref<80x128xi32, #tpu.memory_space<vmem>> -> memref<1x128xi32, #tpu.memory_space<vmem>>
        %dma_wait3A_156 = tpu.memref_squeeze %dma_wait3A_155 : memref<1x128xi32, #tpu.memory_space<vmem>> -> memref<128xi32, #tpu.memory_space<vmem>>
        %dma_wait3A_157 = arith.constant 0 : i32
        %dma_wait3A_158 = arith.constant 0 : i32
        %dma_wait3A_159 = tpu.memref_slice %arg10[%dma_wait3A_157, %dma_wait3A_158] : memref<10240x32xf32, #tpu.memory_space<vmem_shared>> -> memref<10240x32xf32, #tpu.memory_space<vmem_shared>>
        tpu.wait_indirect_dma semaphore(%arg20 : memref<!tpu.dma_semaphore, #tpu.memory_space<semaphore_mem>>) src(%dma_wait3A_153 : memref<128x32xf32, #tpu.memory_space<vmem>>) dst(%dma_wait3A_159 : memref<10240x32xf32, #tpu.memory_space<vmem_shared>>)
        %dma_wait3A_160 = arith.constant 0 : i32
        %dma_wait3A_161 = arith.constant 0 : i32
        %dma_wait3A_162 = tpu.memref_slice %arg13[%dma_wait3A_160, %dma_wait3A_161] : memref<80x128xi32, #tpu.memory_space<vmem>> -> memref<1x128xi32, #tpu.memory_space<vmem>>
        %dma_wait3A_163 = tpu.memref_squeeze %dma_wait3A_162 : memref<1x128xi32, #tpu.memory_space<vmem>> -> memref<128xi32, #tpu.memory_space<vmem>>
        %dma_wait3A_164 = arith.constant 0 : i32
        %dma_wait3A_165 = arith.constant 0 : i32
        %dma_wait3A_166 = tpu.memref_slice %arg23[%dma_wait3A_164, %dma_wait3A_165] : memref<10240x16xf32, #tpu.memory_space<vmem_shared>> -> memref<10240x16xf32, #tpu.memory_space<vmem_shared>>
        tpu.wait_indirect_dma semaphore(%arg25 : memref<!tpu.dma_semaphore, #tpu.memory_space<semaphore_mem>>) src(%arg24 : memref<128x16xf32, #tpu.memory_space<vmem>>) dst(%dma_wait3A_166 : memref<10240x16xf32, #tpu.memory_space<vmem_shared>>)
      } else {
      }
      %add3A_64 = arith.constant 1 : i32
      %add3A_65 = arith.addi %mul3A_49, %add3A_64 : i32
      %dma_start3A_66 = arith.constant 1 : i32
      %dma_start3A_67 = arith.constant 0 : i32
      %dma_start3A_68 = arith.constant 0 : i32
      %dma_start3A_69 = tpu.memref_slice %arg14[%dma_start3A_66, %dma_start3A_67, %dma_start3A_68] : memref<4x128x32xf32, #tpu.memory_space<vmem>> -> memref<1x128x32xf32, #tpu.memory_space<vmem>>
      %dma_start3A_70 = tpu.memref_squeeze %dma_start3A_69 : memref<1x128x32xf32, #tpu.memory_space<vmem>> -> memref<128x32xf32, #tpu.memory_space<vmem>>
      %dma_start3A_71 = arith.constant 0 : i32
      %dma_start3A_72 = tpu.memref_slice %arg12[%add3A_65, %dma_start3A_71] : memref<80x128xi32, #tpu.memory_space<vmem>> -> memref<1x128xi32, #tpu.memory_space<vmem>>
      %dma_start3A_73 = tpu.memref_squeeze %dma_start3A_72 : memref<1x128xi32, #tpu.memory_space<vmem>> -> memref<128xi32, #tpu.memory_space<vmem>>
      %dma_start3A_74 = arith.constant 0 : i32
      %dma_start3A_75 = arith.constant 0 : i32
      %dma_start3A_76 = tpu.memref_slice %arg11[%dma_start3A_74, %dma_start3A_75] : memref<10240x32xf32, #tpu.memory_space<vmem_shared>> -> memref<10240x32xf32, #tpu.memory_space<vmem_shared>>
      tpu.enqueue_indirect_dma source(%dma_start3A_76 : memref<10240x32xf32, #tpu.memory_space<vmem_shared>>) target(%dma_start3A_70 : memref<128x32xf32, #tpu.memory_space<vmem>>) offsets(%dma_start3A_73 : memref<128xi32, #tpu.memory_space<vmem>>) semaphore(%arg16 : memref<!tpu.dma_semaphore, #tpu.memory_space<semaphore_mem>>)
      %dma_start3A_77 = arith.constant 0 : i32
      %dma_start3A_78 = arith.constant 0 : i32
      %dma_start3A_79 = arith.constant 0 : i32
      %dma_start3A_80 = tpu.memref_slice %arg14[%dma_start3A_77, %dma_start3A_78, %dma_start3A_79] : memref<4x128x32xf32, #tpu.memory_space<vmem>> -> memref<1x128x32xf32, #tpu.memory_space<vmem>>
      %dma_start3A_81 = tpu.memref_squeeze %dma_start3A_80 : memref<1x128x32xf32, #tpu.memory_space<vmem>> -> memref<128x32xf32, #tpu.memory_space<vmem>>
      %dma_start3A_82 = arith.constant 0 : i32
      %dma_start3A_83 = tpu.memref_slice %arg13[%mul3A_49, %dma_start3A_82] : memref<80x128xi32, #tpu.memory_space<vmem>> -> memref<1x128xi32, #tpu.memory_space<vmem>>
      %dma_start3A_84 = tpu.memref_squeeze %dma_start3A_83 : memref<1x128xi32, #tpu.memory_space<vmem>> -> memref<128xi32, #tpu.memory_space<vmem>>
      %dma_start3A_85 = arith.constant 0 : i32
      %dma_start3A_86 = arith.constant 0 : i32
      %dma_start3A_87 = tpu.memref_slice %arg10[%dma_start3A_85, %dma_start3A_86] : memref<10240x32xf32, #tpu.memory_space<vmem_shared>> -> memref<10240x32xf32, #tpu.memory_space<vmem_shared>>
      tpu.enqueue_indirect_dma source(%dma_start3A_81 : memref<128x32xf32, #tpu.memory_space<vmem>>) target(%dma_start3A_87 : memref<10240x32xf32, #tpu.memory_space<vmem_shared>>) offsets(%dma_start3A_84 : memref<128xi32, #tpu.memory_space<vmem>>) semaphore(%arg19 : memref<!tpu.dma_semaphore, #tpu.memory_space<semaphore_mem>>) {add = true}
      %dma_start3A_88 = arith.constant 0 : i32
      %dma_start3A_89 = tpu.memref_slice %arg13[%mul3A_49, %dma_start3A_88] : memref<80x128xi32, #tpu.memory_space<vmem>> -> memref<1x128xi32, #tpu.memory_space<vmem>>
      %dma_start3A_90 = tpu.memref_squeeze %dma_start3A_89 : memref<1x128xi32, #tpu.memory_space<vmem>> -> memref<128xi32, #tpu.memory_space<vmem>>
      %dma_start3A_91 = arith.constant 0 : i32
      %dma_start3A_92 = arith.constant 0 : i32
      %dma_start3A_93 = tpu.memref_slice %arg23[%dma_start3A_91, %dma_start3A_92] : memref<10240x16xf32, #tpu.memory_space<vmem_shared>> -> memref<10240x16xf32, #tpu.memory_space<vmem_shared>>
      tpu.enqueue_indirect_dma source(%arg24 : memref<128x16xf32, #tpu.memory_space<vmem>>) target(%dma_start3A_93 : memref<10240x16xf32, #tpu.memory_space<vmem_shared>>) offsets(%dma_start3A_90 : memref<128xi32, #tpu.memory_space<vmem>>) semaphore(%arg25 : memref<!tpu.dma_semaphore, #tpu.memory_space<semaphore_mem>>) {add = true}
      %dma_wait3A_94 = arith.constant 0 : i32
      %dma_wait3A_95 = arith.constant 1 : i32
      %dma_wait3A_96 = arith.constant 0 : i32
      %dma_wait3A_97 = arith.constant 0 : i32
      %dma_wait3A_98 = tpu.memref_slice %arg14[%dma_wait3A_95, %dma_wait3A_96, %dma_wait3A_97] : memref<4x128x32xf32, #tpu.memory_space<vmem>> -> memref<1x128x32xf32, #tpu.memory_space<vmem>>
      %dma_wait3A_99 = tpu.memref_squeeze %dma_wait3A_98 : memref<1x128x32xf32, #tpu.memory_space<vmem>> -> memref<128x32xf32, #tpu.memory_space<vmem>>
      %dma_wait3A_100 = arith.constant 0 : i32
      %dma_wait3A_101 = tpu.memref_slice %arg12[%dma_wait3A_94, %dma_wait3A_100] : memref<80x128xi32, #tpu.memory_space<vmem>> -> memref<1x128xi32, #tpu.memory_space<vmem>>
      %dma_wait3A_102 = tpu.memref_squeeze %dma_wait3A_101 : memref<1x128xi32, #tpu.memory_space<vmem>> -> memref<128xi32, #tpu.memory_space<vmem>>
      %dma_wait3A_103 = arith.constant 0 : i32
      %dma_wait3A_104 = arith.constant 0 : i32
      %dma_wait3A_105 = tpu.memref_slice %arg11[%dma_wait3A_103, %dma_wait3A_104] : memref<10240x32xf32, #tpu.memory_space<vmem_shared>> -> memref<10240x32xf32, #tpu.memory_space<vmem_shared>>
      tpu.wait_indirect_dma semaphore(%arg16 : memref<!tpu.dma_semaphore, #tpu.memory_space<semaphore_mem>>) src(%dma_wait3A_105 : memref<10240x32xf32, #tpu.memory_space<vmem_shared>>) dst(%dma_wait3A_99 : memref<128x32xf32, #tpu.memory_space<vmem>>)
      %dma_wait3A_106 = arith.constant 0 : i32
      %dma_wait3A_107 = arith.constant 0 : i32
      %dma_wait3A_108 = arith.constant 0 : i32
      %dma_wait3A_109 = arith.constant 0 : i32
      %dma_wait3A_110 = tpu.memref_slice %arg14[%dma_wait3A_106, %dma_wait3A_108, %dma_wait3A_109] : memref<4x128x32xf32, #tpu.memory_space<vmem>> -> memref<1x128x32xf32, #tpu.memory_space<vmem>>
      %dma_wait3A_111 = tpu.memref_squeeze %dma_wait3A_110 : memref<1x128x32xf32, #tpu.memory_space<vmem>> -> memref<128x32xf32, #tpu.memory_space<vmem>>
      %dma_wait3A_112 = arith.constant 0 : i32
      %dma_wait3A_113 = tpu.memref_slice %arg13[%dma_wait3A_107, %dma_wait3A_112] : memref<80x128xi32, #tpu.memory_space<vmem>> -> memref<1x128xi32, #tpu.memory_space<vmem>>
      %dma_wait3A_114 = tpu.memref_squeeze %dma_wait3A_113 : memref<1x128xi32, #tpu.memory_space<vmem>> -> memref<128xi32, #tpu.memory_space<vmem>>
      %dma_wait3A_115 = arith.constant 0 : i32
      %dma_wait3A_116 = arith.constant 0 : i32
      %dma_wait3A_117 = tpu.memref_slice %arg10[%dma_wait3A_115, %dma_wait3A_116] : memref<10240x32xf32, #tpu.memory_space<vmem_shared>> -> memref<10240x32xf32, #tpu.memory_space<vmem_shared>>
      tpu.wait_indirect_dma semaphore(%arg19 : memref<!tpu.dma_semaphore, #tpu.memory_space<semaphore_mem>>) src(%dma_wait3A_111 : memref<128x32xf32, #tpu.memory_space<vmem>>) dst(%dma_wait3A_117 : memref<10240x32xf32, #tpu.memory_space<vmem_shared>>)
      %gt3A_118 = arith.constant 0 : i32
      %gt3A_119 = arith.cmpi sgt, %scan3A_47, %gt3A_118 : i32
      %convert_element_type3A_120 = arith.extui %gt3A_119 : i1 to i32
      %cond3A_121 = arith.constant 0 : i32
      %cond3A_122 = arith.cmpi ne, %convert_element_type3A_120, %cond3A_121 : i32
      scf.if %cond3A_122 {
        %dma_wait3A_148 = arith.constant 0 : i32
        %dma_wait3A_149 = arith.constant 0 : i32
        %dma_wait3A_150 = tpu.memref_slice %arg13[%dma_wait3A_148, %dma_wait3A_149] : memref<80x128xi32, #tpu.memory_space<vmem>> -> memref<1x128xi32, #tpu.memory_space<vmem>>
        %dma_wait3A_151 = tpu.memref_squeeze %dma_wait3A_150 : memref<1x128xi32, #tpu.memory_space<vmem>> -> memref<128xi32, #tpu.memory_space<vmem>>
        %dma_wait3A_152 = arith.constant 0 : i32
        %dma_wait3A_153 = arith.constant 0 : i32
        %dma_wait3A_154 = tpu.memref_slice %arg23[%dma_wait3A_152, %dma_wait3A_153] : memref<10240x16xf32, #tpu.memory_space<vmem_shared>> -> memref<10240x16xf32, #tpu.memory_space<vmem_shared>>
        tpu.wait_indirect_dma semaphore(%arg26 : memref<!tpu.dma_semaphore, #tpu.memory_space<semaphore_mem>>) src(%arg24 : memref<128x16xf32, #tpu.memory_space<vmem>>) dst(%dma_wait3A_154 : memref<10240x16xf32, #tpu.memory_space<vmem_shared>>)
      } else {
      }
      %lt3A = arith.constant 39 : i32
      %lt3A_123 = arith.cmpi slt, %scan3A_47, %lt3A : i32
      %convert_element_type3A_124 = arith.extui %lt3A_123 : i1 to i32
      %cond3A_125 = arith.constant 0 : i32
      %cond3A_126 = arith.cmpi ne, %convert_element_type3A_124, %cond3A_125 : i32
      scf.if %cond3A_126 {
        %add3A_148 = arith.constant 2 : i32
        %add3A_149 = arith.addi %mul3A_49, %add3A_148 : i32
        %dma_start3A_150 = arith.constant 0 : i32
        %dma_start3A_151 = arith.constant 0 : i32
        %dma_start3A_152 = arith.constant 0 : i32
        %dma_start3A_153 = tpu.memref_slice %arg14[%dma_start3A_150, %dma_start3A_151, %dma_start3A_152] : memref<4x128x32xf32, #tpu.memory_space<vmem>> -> memref<1x128x32xf32, #tpu.memory_space<vmem>>
        %dma_start3A_154 = tpu.memref_squeeze %dma_start3A_153 : memref<1x128x32xf32, #tpu.memory_space<vmem>> -> memref<128x32xf32, #tpu.memory_space<vmem>>
        %dma_start3A_155 = arith.constant 0 : i32
        %dma_start3A_156 = tpu.memref_slice %arg12[%add3A_149, %dma_start3A_155] : memref<80x128xi32, #tpu.memory_space<vmem>> -> memref<1x128xi32, #tpu.memory_space<vmem>>
        %dma_start3A_157 = tpu.memref_squeeze %dma_start3A_156 : memref<1x128xi32, #tpu.memory_space<vmem>> -> memref<128xi32, #tpu.memory_space<vmem>>
        %dma_start3A_158 = arith.constant 0 : i32
        %dma_start3A_159 = arith.constant 0 : i32
        %dma_start3A_160 = tpu.memref_slice %arg11[%dma_start3A_158, %dma_start3A_159] : memref<10240x32xf32, #tpu.memory_space<vmem_shared>> -> memref<10240x32xf32, #tpu.memory_space<vmem_shared>>
        tpu.enqueue_indirect_dma source(%dma_start3A_160 : memref<10240x32xf32, #tpu.memory_space<vmem_shared>>) target(%dma_start3A_154 : memref<128x32xf32, #tpu.memory_space<vmem>>) offsets(%dma_start3A_157 : memref<128xi32, #tpu.memory_space<vmem>>) semaphore(%arg15 : memref<!tpu.dma_semaphore, #tpu.memory_space<semaphore_mem>>)
      } else {
      }
      %add3A_127 = arith.constant 1 : i32
      %add3A_128 = arith.addi %mul3A_49, %add3A_127 : i32
      %dma_start3A_129 = arith.constant 1 : i32
      %dma_start3A_130 = arith.constant 0 : i32
      %dma_start3A_131 = arith.constant 0 : i32
      %dma_start3A_132 = tpu.memref_slice %arg14[%dma_start3A_129, %dma_start3A_130, %dma_start3A_131] : memref<4x128x32xf32, #tpu.memory_space<vmem>> -> memref<1x128x32xf32, #tpu.memory_space<vmem>>
      %dma_start3A_133 = tpu.memref_squeeze %dma_start3A_132 : memref<1x128x32xf32, #tpu.memory_space<vmem>> -> memref<128x32xf32, #tpu.memory_space<vmem>>
      %dma_start3A_134 = arith.constant 0 : i32
      %dma_start3A_135 = tpu.memref_slice %arg13[%add3A_128, %dma_start3A_134] : memref<80x128xi32, #tpu.memory_space<vmem>> -> memref<1x128xi32, #tpu.memory_space<vmem>>
      %dma_start3A_136 = tpu.memref_squeeze %dma_start3A_135 : memref<1x128xi32, #tpu.memory_space<vmem>> -> memref<128xi32, #tpu.memory_space<vmem>>
      %dma_start3A_137 = arith.constant 0 : i32
      %dma_start3A_138 = arith.constant 0 : i32
      %dma_start3A_139 = tpu.memref_slice %arg10[%dma_start3A_137, %dma_start3A_138] : memref<10240x32xf32, #tpu.memory_space<vmem_shared>> -> memref<10240x32xf32, #tpu.memory_space<vmem_shared>>
      tpu.enqueue_indirect_dma source(%dma_start3A_133 : memref<128x32xf32, #tpu.memory_space<vmem>>) target(%dma_start3A_139 : memref<10240x32xf32, #tpu.memory_space<vmem_shared>>) offsets(%dma_start3A_136 : memref<128xi32, #tpu.memory_space<vmem>>) semaphore(%arg20 : memref<!tpu.dma_semaphore, #tpu.memory_space<semaphore_mem>>) {add = true}
      %add3A_140 = arith.constant 1 : i32
      %add3A_141 = arith.addi %mul3A_49, %add3A_140 : i32
      %dma_start3A_142 = arith.constant 0 : i32
      %dma_start3A_143 = tpu.memref_slice %arg13[%add3A_141, %dma_start3A_142] : memref<80x128xi32, #tpu.memory_space<vmem>> -> memref<1x128xi32, #tpu.memory_space<vmem>>
      %dma_start3A_144 = tpu.memref_squeeze %dma_start3A_143 : memref<1x128xi32, #tpu.memory_space<vmem>> -> memref<128xi32, #tpu.memory_space<vmem>>
      %dma_start3A_145 = arith.constant 0 : i32
      %dma_start3A_146 = arith.constant 0 : i32
      %dma_start3A_147 = tpu.memref_slice %arg23[%dma_start3A_145, %dma_start3A_146] : memref<10240x16xf32, #tpu.memory_space<vmem_shared>> -> memref<10240x16xf32, #tpu.memory_space<vmem_shared>>
      tpu.enqueue_indirect_dma source(%arg24 : memref<128x16xf32, #tpu.memory_space<vmem>>) target(%dma_start3A_147 : memref<10240x16xf32, #tpu.memory_space<vmem_shared>>) offsets(%dma_start3A_144 : memref<128xi32, #tpu.memory_space<vmem>>) semaphore(%arg26 : memref<!tpu.dma_semaphore, #tpu.memory_space<semaphore_mem>>) {add = true}
    }
    %scan3A_20 = arith.constant 40 : i32
    %dma_wait3A = arith.constant 1 : i32
    %dma_wait3A_21 = arith.constant 0 : i32
    %dma_wait3A_22 = arith.constant 0 : i32
    %dma_wait3A_23 = arith.constant 0 : i32
    %dma_wait3A_24 = tpu.memref_slice %arg14[%dma_wait3A, %dma_wait3A_22, %dma_wait3A_23] : memref<4x128x32xf32, #tpu.memory_space<vmem>> -> memref<1x128x32xf32, #tpu.memory_space<vmem>>
    %dma_wait3A_25 = tpu.memref_squeeze %dma_wait3A_24 : memref<1x128x32xf32, #tpu.memory_space<vmem>> -> memref<128x32xf32, #tpu.memory_space<vmem>>
    %dma_wait3A_26 = arith.constant 0 : i32
    %dma_wait3A_27 = tpu.memref_slice %arg13[%dma_wait3A_21, %dma_wait3A_26] : memref<80x128xi32, #tpu.memory_space<vmem>> -> memref<1x128xi32, #tpu.memory_space<vmem>>
    %dma_wait3A_28 = tpu.memref_squeeze %dma_wait3A_27 : memref<1x128xi32, #tpu.memory_space<vmem>> -> memref<128xi32, #tpu.memory_space<vmem>>
    %dma_wait3A_29 = arith.constant 0 : i32
    %dma_wait3A_30 = arith.constant 0 : i32
    %dma_wait3A_31 = tpu.memref_slice %arg10[%dma_wait3A_29, %dma_wait3A_30] : memref<10240x32xf32, #tpu.memory_space<vmem_shared>> -> memref<10240x32xf32, #tpu.memory_space<vmem_shared>>
    tpu.wait_indirect_dma semaphore(%arg20 : memref<!tpu.dma_semaphore, #tpu.memory_space<semaphore_mem>>) src(%dma_wait3A_25 : memref<128x32xf32, #tpu.memory_space<vmem>>) dst(%dma_wait3A_31 : memref<10240x32xf32, #tpu.memory_space<vmem_shared>>)
    %dma_wait3A_32 = arith.constant 0 : i32
    %dma_wait3A_33 = arith.constant 0 : i32
    %dma_wait3A_34 = tpu.memref_slice %arg13[%dma_wait3A_32, %dma_wait3A_33] : memref<80x128xi32, #tpu.memory_space<vmem>> -> memref<1x128xi32, #tpu.memory_space<vmem>>
    %dma_wait3A_35 = tpu.memref_squeeze %dma_wait3A_34 : memref<1x128xi32, #tpu.memory_space<vmem>> -> memref<128xi32, #tpu.memory_space<vmem>>
    %dma_wait3A_36 = arith.constant 0 : i32
    %dma_wait3A_37 = arith.constant 0 : i32
    %dma_wait3A_38 = tpu.memref_slice %arg23[%dma_wait3A_36, %dma_wait3A_37] : memref<10240x16xf32, #tpu.memory_space<vmem_shared>> -> memref<10240x16xf32, #tpu.memory_space<vmem_shared>>
    tpu.wait_indirect_dma semaphore(%arg25 : memref<!tpu.dma_semaphore, #tpu.memory_space<semaphore_mem>>) src(%arg24 : memref<128x16xf32, #tpu.memory_space<vmem>>) dst(%dma_wait3A_38 : memref<10240x16xf32, #tpu.memory_space<vmem_shared>>)
    %dma_wait3A_39 = arith.constant 0 : i32
    %dma_wait3A_40 = arith.constant 0 : i32
    %dma_wait3A_41 = tpu.memref_slice %arg13[%dma_wait3A_39, %dma_wait3A_40] : memref<80x128xi32, #tpu.memory_space<vmem>> -> memref<1x128xi32, #tpu.memory_space<vmem>>
    %dma_wait3A_42 = tpu.memref_squeeze %dma_wait3A_41 : memref<1x128xi32, #tpu.memory_space<vmem>> -> memref<128xi32, #tpu.memory_space<vmem>>
    %dma_wait3A_43 = arith.constant 0 : i32
    %dma_wait3A_44 = arith.constant 0 : i32
    %dma_wait3A_45 = tpu.memref_slice %arg23[%dma_wait3A_43, %dma_wait3A_44] : memref<10240x16xf32, #tpu.memory_space<vmem_shared>> -> memref<10240x16xf32, #tpu.memory_space<vmem_shared>>
    tpu.wait_indirect_dma semaphore(%arg26 : memref<!tpu.dma_semaphore, #tpu.memory_space<semaphore_mem>>) src(%arg24 : memref<128x16xf32, #tpu.memory_space<vmem>>) dst(%dma_wait3A_45 : memref<10240x16xf32, #tpu.memory_space<vmem_shared>>)
    %barrier3A_46 = arith.constant 0 : index
    tpu.barrier barrier_id(%barrier3A_46)
    "tpu.region"() ({
      %run_scoped3A = tpu.sem_alloc : memref<!tpu.dma_semaphore, #tpu.memory_space<semaphore_mem>>
      %dma_start3A_47 = arith.constant 0 : i32
      %dma_start3A_48 = tpu.memref_slice %arg8[%arg0, %mul3A_2, %dma_start3A_47] : memref<2x10240x32xf32, #tpu.memory_space<hbm>> -> memref<1x640x32xf32, #tpu.memory_space<hbm>>
      %dma_start3A_49 = tpu.memref_squeeze %dma_start3A_48 : memref<1x640x32xf32, #tpu.memory_space<hbm>> -> memref<640x32xf32, #tpu.memory_space<hbm>>
      %dma_start3A_50 = arith.constant 0 : i32
      %dma_start3A_51 = tpu.memref_slice %arg10[%mul3A_2, %dma_start3A_50] : memref<10240x32xf32, #tpu.memory_space<vmem_shared>> -> memref<640x32xf32, #tpu.memory_space<vmem_shared>>
      tpu.enqueue_dma source(%dma_start3A_51 : memref<640x32xf32, #tpu.memory_space<vmem_shared>>) target(%dma_start3A_49 : memref<640x32xf32, #tpu.memory_space<hbm>>) target_semaphore(%run_scoped3A : memref<!tpu.dma_semaphore, #tpu.memory_space<semaphore_mem>>)
      %dma_wait3A_52 = arith.constant 0 : i32
      %dma_wait3A_53 = tpu.memref_slice %arg8[%arg0, %mul3A_2, %dma_wait3A_52] : memref<2x10240x32xf32, #tpu.memory_space<hbm>> -> memref<1x640x32xf32, #tpu.memory_space<hbm>>
      %dma_wait3A_54 = tpu.memref_squeeze %dma_wait3A_53 : memref<1x640x32xf32, #tpu.memory_space<hbm>> -> memref<640x32xf32, #tpu.memory_space<hbm>>
      %dma_wait3A_55 = arith.constant 0 : i32
      %dma_wait3A_56 = tpu.memref_slice %arg10[%mul3A_2, %dma_wait3A_55] : memref<10240x32xf32, #tpu.memory_space<vmem_shared>> -> memref<640x32xf32, #tpu.memory_space<vmem_shared>>
      tpu.wait_dma2 semaphore(%run_scoped3A : memref<!tpu.dma_semaphore, #tpu.memory_space<semaphore_mem>>) src(%dma_wait3A_56 : memref<640x32xf32, #tpu.memory_space<vmem_shared>>) dst(%dma_wait3A_54 : memref<640x32xf32, #tpu.memory_space<hbm>>)
      tpu.yield
    }) : () -> ()
    "tpu.region"() ({
      %run_scoped3A = tpu.sem_alloc : memref<!tpu.dma_semaphore, #tpu.memory_space<semaphore_mem>>
      %dma_start3A_47 = arith.constant 0 : i32
      %dma_start3A_48 = tpu.memref_slice %arg9[%arg0, %mul3A_2, %dma_start3A_47] : memref<2x10240x16xf32, #tpu.memory_space<hbm>> -> memref<1x640x16xf32, #tpu.memory_space<hbm>>
      %dma_start3A_49 = tpu.memref_squeeze %dma_start3A_48 : memref<1x640x16xf32, #tpu.memory_space<hbm>> -> memref<640x16xf32, #tpu.memory_space<hbm>>
      %dma_start3A_50 = arith.constant 0 : i32
      %dma_start3A_51 = tpu.memref_slice %arg23[%mul3A_2, %dma_start3A_50] : memref<10240x16xf32, #tpu.memory_space<vmem_shared>> -> memref<640x16xf32, #tpu.memory_space<vmem_shared>>
      tpu.enqueue_dma source(%dma_start3A_51 : memref<640x16xf32, #tpu.memory_space<vmem_shared>>) target(%dma_start3A_49 : memref<640x16xf32, #tpu.memory_space<hbm>>) target_semaphore(%run_scoped3A : memref<!tpu.dma_semaphore, #tpu.memory_space<semaphore_mem>>)
      %dma_wait3A_52 = arith.constant 0 : i32
      %dma_wait3A_53 = tpu.memref_slice %arg9[%arg0, %mul3A_2, %dma_wait3A_52] : memref<2x10240x16xf32, #tpu.memory_space<hbm>> -> memref<1x640x16xf32, #tpu.memory_space<hbm>>
      %dma_wait3A_54 = tpu.memref_squeeze %dma_wait3A_53 : memref<1x640x16xf32, #tpu.memory_space<hbm>> -> memref<640x16xf32, #tpu.memory_space<hbm>>
      %dma_wait3A_55 = arith.constant 0 : i32
      %dma_wait3A_56 = tpu.memref_slice %arg23[%mul3A_2, %dma_wait3A_55] : memref<10240x16xf32, #tpu.memory_space<vmem_shared>> -> memref<640x16xf32, #tpu.memory_space<vmem_shared>>
      tpu.wait_dma2 semaphore(%run_scoped3A : memref<!tpu.dma_semaphore, #tpu.memory_space<semaphore_mem>>) src(%dma_wait3A_56 : memref<640x16xf32, #tpu.memory_space<vmem_shared>>) dst(%dma_wait3A_54 : memref<640x16xf32, #tpu.memory_space<hbm>>)
      tpu.yield
    }) : () -> ()
    return
  }
}

#map = affine_map<(d0, d1) -> (0, 0)>
#map1 = affine_map<(d0, d1) -> (0, 0, 0)>
module attributes {stable_mosaic.version = 14 : i64} {
  func.func @k(%arg0: i32, %arg1: i32, %arg2: memref<10240x32xf32, #tpu.memory_space<hbm>>, %arg3: memref<2560x128xi32, #tpu.memory_space<hbm>>, %arg4: memref<2560x128xi32, #tpu.memory_space<hbm>>, %arg5: memref<640x32xf32, #tpu.memory_space<hbm>>, %arg6: memref<640x16xf32, #tpu.memory_space<hbm>>, %arg7: memref<128x16xf32, #tpu.memory_space<hbm>>, %arg8: memref<2x10240x32xf32, #tpu.memory_space<hbm>>, %arg9: memref<2x10240x16xf32, #tpu.memory_space<hbm>>, %arg10: memref<10240x32xf32, #tpu.memory_space<vmem_shared>>, %arg11: memref<10240x32xf32, #tpu.memory_space<vmem_shared>>, %arg12: memref<80x128xi32, #tpu.memory_space<vmem>>, %arg13: memref<80x128xi32, #tpu.memory_space<vmem>>, %arg14: memref<4x128x32xf32, #tpu.memory_space<vmem>>, %arg15: memref<!tpu.dma_semaphore, #tpu.memory_space<semaphore_mem>>, %arg16: memref<!tpu.dma_semaphore, #tpu.memory_space<semaphore_mem>>, %arg17: memref<!tpu.dma_semaphore, #tpu.memory_space<semaphore_mem>>, %arg18: memref<!tpu.dma_semaphore, #tpu.memory_space<semaphore_mem>>, %arg19: memref<!tpu.dma_semaphore, #tpu.memory_space<semaphore_mem>>, %arg20: memref<!tpu.dma_semaphore, #tpu.memory_space<semaphore_mem>>, %arg21: memref<!tpu.dma_semaphore, #tpu.memory_space<semaphore_mem>>, %arg22: memref<!tpu.dma_semaphore, #tpu.memory_space<semaphore_mem>>, %arg23: memref<10240x16xf32, #tpu.memory_space<vmem_shared>>, %arg24: memref<128x16xf32, #tpu.memory_space<vmem>>, %arg25: memref<!tpu.dma_semaphore, #tpu.memory_space<semaphore_mem>>, %arg26: memref<!tpu.dma_semaphore, #tpu.memory_space<semaphore_mem>>, %arg27: memref<!tpu.dma_semaphore, #tpu.memory_space<semaphore_mem>>, %arg28: memref<!tpu.dma_semaphore, #tpu.memory_space<semaphore_mem>>) attributes {dimension_semantics = [#tpu.dimension_semantics<core_parallel>, #tpu.dimension_semantics<subcore_parallel>], iteration_bounds = array<i64: 2, 16>, scalar_prefetch = 0 : i64, scratch_operands = 19 : i64, tpu.core_type = #tpu.core_type<sc_vector_subcore>, window_params = [{transform_indices = #map}, {transform_indices = #map}, {transform_indices = #map}, {transform_indices = #map}, {transform_indices = #map}, {transform_indices = #map}, {transform_indices = #map1}, {transform_indices = #map1}]} {
    %mul3A = arith.constant 2 : i32
    %mul3A_0 = arith.muli %arg1, %mul3A : i32
    %add3A = arith.addi %mul3A_0, %arg0 : i32
    %mul3A_1 = arith.constant 640 : i32
    %mul3A_2 = arith.muli %arg1, %mul3A_1 : i32
    "tpu.region"() ({
      %run_scoped3A = tpu.sem_alloc : memref<!tpu.dma_semaphore, #tpu.memory_space<semaphore_mem>>
      %dma_start3A_47 = arith.constant 0 : i32
      %dma_start3A_48 = tpu.memref_slice %arg10[%mul3A_2, %dma_start3A_47] : memref<10240x32xf32, #tpu.memory_space<vmem_shared>> -> memref<640x32xf32, #tpu.memory_space<vmem_shared>>
      tpu.enqueue_dma source(%arg5 : memref<640x32xf32, #tpu.memory_space<hbm>>) target(%dma_start3A_48 : memref<640x32xf32, #tpu.memory_space<vmem_shared>>) target_semaphore(%run_scoped3A : memref<!tpu.dma_semaphore, #tpu.memory_space<semaphore_mem>>)
      %dma_wait3A_49 = arith.constant 0 : i32
      %dma_wait3A_50 = tpu.memref_slice %arg10[%mul3A_2, %dma_wait3A_49] : memref<10240x32xf32, #tpu.memory_space<vmem_shared>> -> memref<640x32xf32, #tpu.memory_space<vmem_shared>>
      tpu.wait_dma2 semaphore(%run_scoped3A : memref<!tpu.dma_semaphore, #tpu.memory_space<semaphore_mem>>) src(%arg5 : memref<640x32xf32, #tpu.memory_space<hbm>>) dst(%dma_wait3A_50 : memref<640x32xf32, #tpu.memory_space<vmem_shared>>)
      tpu.yield
    }) : () -> ()
    "tpu.region"() ({
      %run_scoped3A = tpu.sem_alloc : memref<!tpu.dma_semaphore, #tpu.memory_space<semaphore_mem>>
      %dma_start3A_47 = arith.constant 0 : i32
      %dma_start3A_48 = tpu.memref_slice %arg11[%mul3A_2, %dma_start3A_47] : memref<10240x32xf32, #tpu.memory_space<vmem_shared>> -> memref<640x32xf32, #tpu.memory_space<vmem_shared>>
      %dma_start3A_49 = arith.constant 0 : i32
      %dma_start3A_50 = tpu.memref_slice %arg2[%mul3A_2, %dma_start3A_49] : memref<10240x32xf32, #tpu.memory_space<hbm>> -> memref<640x32xf32, #tpu.memory_space<hbm>>
      tpu.enqueue_dma source(%dma_start3A_50 : memref<640x32xf32, #tpu.memory_space<hbm>>) target(%dma_start3A_48 : memref<640x32xf32, #tpu.memory_space<vmem_shared>>) target_semaphore(%run_scoped3A : memref<!tpu.dma_semaphore, #tpu.memory_space<semaphore_mem>>)
      %dma_wait3A_51 = arith.constant 0 : i32
      %dma_wait3A_52 = tpu.memref_slice %arg11[%mul3A_2, %dma_wait3A_51] : memref<10240x32xf32, #tpu.memory_space<vmem_shared>> -> memref<640x32xf32, #tpu.memory_space<vmem_shared>>
      %dma_wait3A_53 = arith.constant 0 : i32
      %dma_wait3A_54 = tpu.memref_slice %arg2[%mul3A_2, %dma_wait3A_53] : memref<10240x32xf32, #tpu.memory_space<hbm>> -> memref<640x32xf32, #tpu.memory_space<hbm>>
      tpu.wait_dma2 semaphore(%run_scoped3A : memref<!tpu.dma_semaphore, #tpu.memory_space<semaphore_mem>>) src(%dma_wait3A_54 : memref<640x32xf32, #tpu.memory_space<hbm>>) dst(%dma_wait3A_52 : memref<640x32xf32, #tpu.memory_space<vmem_shared>>)
      tpu.yield
    }) : () -> ()
    "tpu.region"() ({
      %run_scoped3A = tpu.sem_alloc : memref<!tpu.dma_semaphore, #tpu.memory_space<semaphore_mem>>
      %dma_start3A_47 = arith.constant 0 : i32
      %dma_start3A_48 = tpu.memref_slice %arg23[%mul3A_2, %dma_start3A_47] : memref<10240x16xf32, #tpu.memory_space<vmem_shared>> -> memref<640x16xf32, #tpu.memory_space<vmem_shared>>
      tpu.enqueue_dma source(%arg6 : memref<640x16xf32, #tpu.memory_space<hbm>>) target(%dma_start3A_48 : memref<640x16xf32, #tpu.memory_space<vmem_shared>>) target_semaphore(%run_scoped3A : memref<!tpu.dma_semaphore, #tpu.memory_space<semaphore_mem>>)
      %dma_wait3A_49 = arith.constant 0 : i32
      %dma_wait3A_50 = tpu.memref_slice %arg23[%mul3A_2, %dma_wait3A_49] : memref<10240x16xf32, #tpu.memory_space<vmem_shared>> -> memref<640x16xf32, #tpu.memory_space<vmem_shared>>
      tpu.wait_dma2 semaphore(%run_scoped3A : memref<!tpu.dma_semaphore, #tpu.memory_space<semaphore_mem>>) src(%arg6 : memref<640x16xf32, #tpu.memory_space<hbm>>) dst(%dma_wait3A_50 : memref<640x16xf32, #tpu.memory_space<vmem_shared>>)
      tpu.yield
    }) : () -> ()
    "tpu.region"() ({
      %run_scoped3A = tpu.sem_alloc : memref<!tpu.dma_semaphore, #tpu.memory_space<semaphore_mem>>
      tpu.enqueue_dma source(%arg7 : memref<128x16xf32, #tpu.memory_space<hbm>>) target(%arg24 : memref<128x16xf32, #tpu.memory_space<vmem>>) target_semaphore(%run_scoped3A : memref<!tpu.dma_semaphore, #tpu.memory_space<semaphore_mem>>)
      tpu.wait_dma2 semaphore(%run_scoped3A : memref<!tpu.dma_semaphore, #tpu.memory_space<semaphore_mem>>) src(%arg7 : memref<128x16xf32, #tpu.memory_space<hbm>>) dst(%arg24 : memref<128x16xf32, #tpu.memory_space<vmem>>)
      tpu.yield
    }) : () -> ()
    %mul3A_3 = arith.constant 80 : i32
    %mul3A_4 = arith.muli %add3A, %mul3A_3 : i32
    "tpu.region"() ({
      %run_scoped3A = tpu.sem_alloc : memref<!tpu.dma_semaphore, #tpu.memory_space<semaphore_mem>>
      %dma_start3A_47 = arith.constant 0 : i32
      %dma_start3A_48 = tpu.memref_slice %arg3[%mul3A_4, %dma_start3A_47] : memref<2560x128xi32, #tpu.memory_space<hbm>> -> memref<80x128xi32, #tpu.memory_space<hbm>>
      %dma_start3A_49 = arith.constant 0 : i32
      %dma_start3A_50 = tpu.memref_slice %arg3[%mul3A_4, %dma_start3A_49] : memref<2560x128xi32, #tpu.memory_space<hbm>> -> memref<80x128xi32, #tpu.memory_space<hbm>>
      tpu.enqueue_dma source(%dma_start3A_50 : memref<80x128xi32, #tpu.memory_space<hbm>>) target(%arg12 : memref<80x128xi32, #tpu.memory_space<vmem>>) target_semaphore(%run_scoped3A : memref<!tpu.dma_semaphore, #tpu.memory_space<semaphore_mem>>)
      %dma_wait3A_51 = arith.constant 0 : i32
      %dma_wait3A_52 = tpu.memref_slice %arg3[%mul3A_4, %dma_wait3A_51] : memref<2560x128xi32, #tpu.memory_space<hbm>> -> memref<80x128xi32, #tpu.memory_space<hbm>>
      %dma_wait3A_53 = arith.constant 0 : i32
      %dma_wait3A_54 = tpu.memref_slice %arg3[%mul3A_4, %dma_wait3A_53] : memref<2560x128xi32, #tpu.memory_space<hbm>> -> memref<80x128xi32, #tpu.memory_space<hbm>>
      tpu.wait_dma2 semaphore(%run_scoped3A : memref<!tpu.dma_semaphore, #tpu.memory_space<semaphore_mem>>) src(%dma_wait3A_54 : memref<80x128xi32, #tpu.memory_space<hbm>>) dst(%arg12 : memref<80x128xi32, #tpu.memory_space<vmem>>)
      tpu.yield
    }) : () -> ()
    "tpu.region"() ({
      %run_scoped3A = tpu.sem_alloc : memref<!tpu.dma_semaphore, #tpu.memory_space<semaphore_mem>>
      %dma_start3A_47 = arith.constant 0 : i32
      %dma_start3A_48 = tpu.memref_slice %arg4[%mul3A_4, %dma_start3A_47] : memref<2560x128xi32, #tpu.memory_space<hbm>> -> memref<80x128xi32, #tpu.memory_space<hbm>>
      %dma_start3A_49 = arith.constant 0 : i32
      %dma_start3A_50 = tpu.memref_slice %arg4[%mul3A_4, %dma_start3A_49] : memref<2560x128xi32, #tpu.memory_space<hbm>> -> memref<80x128xi32, #tpu.memory_space<hbm>>
      tpu.enqueue_dma source(%dma_start3A_50 : memref<80x128xi32, #tpu.memory_space<hbm>>) target(%arg13 : memref<80x128xi32, #tpu.memory_space<vmem>>) target_semaphore(%run_scoped3A : memref<!tpu.dma_semaphore, #tpu.memory_space<semaphore_mem>>)
      %dma_wait3A_51 = arith.constant 0 : i32
      %dma_wait3A_52 = tpu.memref_slice %arg4[%mul3A_4, %dma_wait3A_51] : memref<2560x128xi32, #tpu.memory_space<hbm>> -> memref<80x128xi32, #tpu.memory_space<hbm>>
      %dma_wait3A_53 = arith.constant 0 : i32
      %dma_wait3A_54 = tpu.memref_slice %arg4[%mul3A_4, %dma_wait3A_53] : memref<2560x128xi32, #tpu.memory_space<hbm>> -> memref<80x128xi32, #tpu.memory_space<hbm>>
      tpu.wait_dma2 semaphore(%run_scoped3A : memref<!tpu.dma_semaphore, #tpu.memory_space<semaphore_mem>>) src(%dma_wait3A_54 : memref<80x128xi32, #tpu.memory_space<hbm>>) dst(%arg13 : memref<80x128xi32, #tpu.memory_space<vmem>>)
      tpu.yield
    }) : () -> ()
    %barrier3A = arith.constant 0 : index
    tpu.barrier barrier_id(%barrier3A)
    %dma_start3A = arith.constant 0 : i32
    %dma_start3A_5 = arith.constant 0 : i32
    %dma_start3A_6 = arith.constant 0 : i32
    %dma_start3A_7 = arith.constant 0 : i32
    %dma_start3A_8 = tpu.memref_slice %arg14[%dma_start3A_5, %dma_start3A_6, %dma_start3A_7] : memref<4x128x32xf32, #tpu.memory_space<vmem>> -> memref<1x128x32xf32, #tpu.memory_space<vmem>>
    %dma_start3A_9 = tpu.memref_squeeze %dma_start3A_8 : memref<1x128x32xf32, #tpu.memory_space<vmem>> -> memref<128x32xf32, #tpu.memory_space<vmem>>
    %dma_start3A_10 = arith.constant 0 : i32
    %dma_start3A_11 = tpu.memref_slice %arg12[%dma_start3A, %dma_start3A_10] : memref<80x128xi32, #tpu.memory_space<vmem>> -> memref<1x128xi32, #tpu.memory_space<vmem>>
    %dma_start3A_12 = tpu.memref_squeeze %dma_start3A_11 : memref<1x128xi32, #tpu.memory_space<vmem>> -> memref<128xi32, #tpu.memory_space<vmem>>
    %dma_start3A_13 = arith.constant 0 : i32
    %dma_start3A_14 = arith.constant 0 : i32
    %dma_start3A_15 = tpu.memref_slice %arg11[%dma_start3A_13, %dma_start3A_14] : memref<10240x32xf32, #tpu.memory_space<vmem_shared>> -> memref<10240x32xf32, #tpu.memory_space<vmem_shared>>
    tpu.enqueue_indirect_dma source(%dma_start3A_15 : memref<10240x32xf32, #tpu.memory_space<vmem_shared>>) target(%dma_start3A_9 : memref<128x32xf32, #tpu.memory_space<vmem>>) offsets(%dma_start3A_12 : memref<128xi32, #tpu.memory_space<vmem>>) semaphore(%arg15 : memref<!tpu.dma_semaphore, #tpu.memory_space<semaphore_mem>>)
    %scan3A = arith.constant 0 : i32
    %scan3A_16 = arith.constant 0 : i32
    %scan3A_17 = arith.constant 40 : i32
    %scan3A_18 = arith.addi %scan3A_16, %scan3A_17 : i32
    %scan3A_19 = arith.constant 1 : i32
    scf.for %scan3A_47 = %scan3A_16 to %scan3A_18 step %scan3A_19  : i32 {
      %mul3A_48 = arith.constant 2 : i32
      %mul3A_49 = arith.muli %mul3A_48, %scan3A_47 : i32
      %dma_wait3A_50 = arith.constant 0 : i32
      %dma_wait3A_51 = arith.constant 0 : i32
      %dma_wait3A_52 = arith.constant 0 : i32
      %dma_wait3A_53 = arith.constant 0 : i32
      %dma_wait3A_54 = tpu.memref_slice %arg14[%dma_wait3A_51, %dma_wait3A_52, %dma_wait3A_53] : memref<4x128x32xf32, #tpu.memory_space<vmem>> -> memref<1x128x32xf32, #tpu.memory_space<vmem>>
      %dma_wait3A_55 = tpu.memref_squeeze %dma_wait3A_54 : memref<1x128x32xf32, #tpu.memory_space<vmem>> -> memref<128x32xf32, #tpu.memory_space<vmem>>
      %dma_wait3A_56 = arith.constant 0 : i32
      %dma_wait3A_57 = tpu.memref_slice %arg12[%dma_wait3A_50, %dma_wait3A_56] : memref<80x128xi32, #tpu.memory_space<vmem>> -> memref<1x128xi32, #tpu.memory_space<vmem>>
      %dma_wait3A_58 = tpu.memref_squeeze %dma_wait3A_57 : memref<1x128xi32, #tpu.memory_space<vmem>> -> memref<128xi32, #tpu.memory_space<vmem>>
      %dma_wait3A_59 = arith.constant 0 : i32
      %dma_wait3A_60 = arith.constant 0 : i32
      %dma_wait3A_61 = tpu.memref_slice %arg11[%dma_wait3A_59, %dma_wait3A_60] : memref<10240x32xf32, #tpu.memory_space<vmem_shared>> -> memref<10240x32xf32, #tpu.memory_space<vmem_shared>>
      tpu.wait_indirect_dma semaphore(%arg15 : memref<!tpu.dma_semaphore, #tpu.memory_space<semaphore_mem>>) src(%dma_wait3A_61 : memref<10240x32xf32, #tpu.memory_space<vmem_shared>>) dst(%dma_wait3A_55 : memref<128x32xf32, #tpu.memory_space<vmem>>)
      %gt3A = arith.constant 0 : i32
      %gt3A_62 = arith.cmpi sgt, %scan3A_47, %gt3A : i32
      %convert_element_type3A = arith.extui %gt3A_62 : i1 to i32
      %cond3A = arith.constant 0 : i32
      %cond3A_63 = arith.cmpi ne, %convert_element_type3A, %cond3A : i32
      scf.if %cond3A_63 {
        %dma_wait3A_148 = arith.constant 1 : i32
        %dma_wait3A_149 = arith.constant 0 : i32
        %dma_wait3A_150 = arith.constant 0 : i32
        %dma_wait3A_151 = arith.constant 0 : i32
        %dma_wait3A_152 = tpu.memref_slice %arg14[%dma_wait3A_148, %dma_wait3A_150, %dma_wait3A_151] : memref<4x128x32xf32, #tpu.memory_space<vmem>> -> memref<1x128x32xf32, #tpu.memory_space<vmem>>
        %dma_wait3A_153 = tpu.memref_squeeze %dma_wait3A_152 : memref<1x128x32xf32, #tpu.memory_space<vmem>> -> memref<128x32xf32, #tpu.memory_space<vmem>>
        %dma_wait3A_154 = arith.constant 0 : i32
        %dma_wait3A_155 = tpu.memref_slice %arg13[%dma_wait3A_149, %dma_wait3A_154] : memref<80x128xi32, #tpu.memory_space<vmem>> -> memref<1x128xi32, #tpu.memory_space<vmem>>
        %dma_wait3A_156 = tpu.memref_squeeze %dma_wait3A_155 : memref<1x128xi32, #tpu.memory_space<vmem>> -> memref<128xi32, #tpu.memory_space<vmem>>
        %dma_wait3A_157 = arith.constant 0 : i32
        %dma_wait3A_158 = arith.constant 0 : i32
        %dma_wait3A_159 = tpu.memref_slice %arg10[%dma_wait3A_157, %dma_wait3A_158] : memref<10240x32xf32, #tpu.memory_space<vmem_shared>> -> memref<10240x32xf32, #tpu.memory_space<vmem_shared>>
        tpu.wait_indirect_dma semaphore(%arg20 : memref<!tpu.dma_semaphore, #tpu.memory_space<semaphore_mem>>) src(%dma_wait3A_153 : memref<128x32xf32, #tpu.memory_space<vmem>>) dst(%dma_wait3A_159 : memref<10240x32xf32, #tpu.memory_space<vmem_shared>>)
        %dma_wait3A_160 = arith.constant 0 : i32
        %dma_wait3A_161 = arith.constant 0 : i32
        %dma_wait3A_162 = tpu.memref_slice %arg13[%dma_wait3A_160, %dma_wait3A_161] : memref<80x128xi32, #tpu.memory_space<vmem>> -> memref<1x128xi32, #tpu.memory_space<vmem>>
        %dma_wait3A_163 = tpu.memref_squeeze %dma_wait3A_162 : memref<1x128xi32, #tpu.memory_space<vmem>> -> memref<128xi32, #tpu.memory_space<vmem>>
        %dma_wait3A_164 = arith.constant 0 : i32
        %dma_wait3A_165 = arith.constant 0 : i32
        %dma_wait3A_166 = tpu.memref_slice %arg23[%dma_wait3A_164, %dma_wait3A_165] : memref<10240x16xf32, #tpu.memory_space<vmem_shared>> -> memref<10240x16xf32, #tpu.memory_space<vmem_shared>>
        tpu.wait_indirect_dma semaphore(%arg25 : memref<!tpu.dma_semaphore, #tpu.memory_space<semaphore_mem>>) src(%arg24 : memref<128x16xf32, #tpu.memory_space<vmem>>) dst(%dma_wait3A_166 : memref<10240x16xf32, #tpu.memory_space<vmem_shared>>)
      } else {
      }
      %add3A_64 = arith.constant 1 : i32
      %add3A_65 = arith.addi %mul3A_49, %add3A_64 : i32
      %dma_start3A_66 = arith.constant 1 : i32
      %dma_start3A_67 = arith.constant 0 : i32
      %dma_start3A_68 = arith.constant 0 : i32
      %dma_start3A_69 = tpu.memref_slice %arg14[%dma_start3A_66, %dma_start3A_67, %dma_start3A_68] : memref<4x128x32xf32, #tpu.memory_space<vmem>> -> memref<1x128x32xf32, #tpu.memory_space<vmem>>
      %dma_start3A_70 = tpu.memref_squeeze %dma_start3A_69 : memref<1x128x32xf32, #tpu.memory_space<vmem>> -> memref<128x32xf32, #tpu.memory_space<vmem>>
      %dma_start3A_71 = arith.constant 0 : i32
      %dma_start3A_72 = tpu.memref_slice %arg12[%add3A_65, %dma_start3A_71] : memref<80x128xi32, #tpu.memory_space<vmem>> -> memref<1x128xi32, #tpu.memory_space<vmem>>
      %dma_start3A_73 = tpu.memref_squeeze %dma_start3A_72 : memref<1x128xi32, #tpu.memory_space<vmem>> -> memref<128xi32, #tpu.memory_space<vmem>>
      %dma_start3A_74 = arith.constant 0 : i32
      %dma_start3A_75 = arith.constant 0 : i32
      %dma_start3A_76 = tpu.memref_slice %arg11[%dma_start3A_74, %dma_start3A_75] : memref<10240x32xf32, #tpu.memory_space<vmem_shared>> -> memref<10240x32xf32, #tpu.memory_space<vmem_shared>>
      tpu.enqueue_indirect_dma source(%dma_start3A_76 : memref<10240x32xf32, #tpu.memory_space<vmem_shared>>) target(%dma_start3A_70 : memref<128x32xf32, #tpu.memory_space<vmem>>) offsets(%dma_start3A_73 : memref<128xi32, #tpu.memory_space<vmem>>) semaphore(%arg16 : memref<!tpu.dma_semaphore, #tpu.memory_space<semaphore_mem>>)
      %dma_start3A_77 = arith.constant 0 : i32
      %dma_start3A_78 = arith.constant 0 : i32
      %dma_start3A_79 = arith.constant 0 : i32
      %dma_start3A_80 = tpu.memref_slice %arg14[%dma_start3A_77, %dma_start3A_78, %dma_start3A_79] : memref<4x128x32xf32, #tpu.memory_space<vmem>> -> memref<1x128x32xf32, #tpu.memory_space<vmem>>
      %dma_start3A_81 = tpu.memref_squeeze %dma_start3A_80 : memref<1x128x32xf32, #tpu.memory_space<vmem>> -> memref<128x32xf32, #tpu.memory_space<vmem>>
      %dma_start3A_82 = arith.constant 0 : i32
      %dma_start3A_83 = tpu.memref_slice %arg13[%mul3A_49, %dma_start3A_82] : memref<80x128xi32, #tpu.memory_space<vmem>> -> memref<1x128xi32, #tpu.memory_space<vmem>>
      %dma_start3A_84 = tpu.memref_squeeze %dma_start3A_83 : memref<1x128xi32, #tpu.memory_space<vmem>> -> memref<128xi32, #tpu.memory_space<vmem>>
      %dma_start3A_85 = arith.constant 0 : i32
      %dma_start3A_86 = arith.constant 0 : i32
      %dma_start3A_87 = tpu.memref_slice %arg10[%dma_start3A_85, %dma_start3A_86] : memref<10240x32xf32, #tpu.memory_space<vmem_shared>> -> memref<10240x32xf32, #tpu.memory_space<vmem_shared>>
      tpu.enqueue_indirect_dma source(%dma_start3A_81 : memref<128x32xf32, #tpu.memory_space<vmem>>) target(%dma_start3A_87 : memref<10240x32xf32, #tpu.memory_space<vmem_shared>>) offsets(%dma_start3A_84 : memref<128xi32, #tpu.memory_space<vmem>>) semaphore(%arg19 : memref<!tpu.dma_semaphore, #tpu.memory_space<semaphore_mem>>) {add = true}
      %dma_start3A_88 = arith.constant 0 : i32
      %dma_start3A_89 = tpu.memref_slice %arg13[%mul3A_49, %dma_start3A_88] : memref<80x128xi32, #tpu.memory_space<vmem>> -> memref<1x128xi32, #tpu.memory_space<vmem>>
      %dma_start3A_90 = tpu.memref_squeeze %dma_start3A_89 : memref<1x128xi32, #tpu.memory_space<vmem>> -> memref<128xi32, #tpu.memory_space<vmem>>
      %dma_start3A_91 = arith.constant 0 : i32
      %dma_start3A_92 = arith.constant 0 : i32
      %dma_start3A_93 = tpu.memref_slice %arg23[%dma_start3A_91, %dma_start3A_92] : memref<10240x16xf32, #tpu.memory_space<vmem_shared>> -> memref<10240x16xf32, #tpu.memory_space<vmem_shared>>
      tpu.enqueue_indirect_dma source(%arg24 : memref<128x16xf32, #tpu.memory_space<vmem>>) target(%dma_start3A_93 : memref<10240x16xf32, #tpu.memory_space<vmem_shared>>) offsets(%dma_start3A_90 : memref<128xi32, #tpu.memory_space<vmem>>) semaphore(%arg25 : memref<!tpu.dma_semaphore, #tpu.memory_space<semaphore_mem>>) {add = true}
      %dma_wait3A_94 = arith.constant 0 : i32
      %dma_wait3A_95 = arith.constant 1 : i32
      %dma_wait3A_96 = arith.constant 0 : i32
      %dma_wait3A_97 = arith.constant 0 : i32
      %dma_wait3A_98 = tpu.memref_slice %arg14[%dma_wait3A_95, %dma_wait3A_96, %dma_wait3A_97] : memref<4x128x32xf32, #tpu.memory_space<vmem>> -> memref<1x128x32xf32, #tpu.memory_space<vmem>>
      %dma_wait3A_99 = tpu.memref_squeeze %dma_wait3A_98 : memref<1x128x32xf32, #tpu.memory_space<vmem>> -> memref<128x32xf32, #tpu.memory_space<vmem>>
      %dma_wait3A_100 = arith.constant 0 : i32
      %dma_wait3A_101 = tpu.memref_slice %arg12[%dma_wait3A_94, %dma_wait3A_100] : memref<80x128xi32, #tpu.memory_space<vmem>> -> memref<1x128xi32, #tpu.memory_space<vmem>>
      %dma_wait3A_102 = tpu.memref_squeeze %dma_wait3A_101 : memref<1x128xi32, #tpu.memory_space<vmem>> -> memref<128xi32, #tpu.memory_space<vmem>>
      %dma_wait3A_103 = arith.constant 0 : i32
      %dma_wait3A_104 = arith.constant 0 : i32
      %dma_wait3A_105 = tpu.memref_slice %arg11[%dma_wait3A_103, %dma_wait3A_104] : memref<10240x32xf32, #tpu.memory_space<vmem_shared>> -> memref<10240x32xf32, #tpu.memory_space<vmem_shared>>
      tpu.wait_indirect_dma semaphore(%arg16 : memref<!tpu.dma_semaphore, #tpu.memory_space<semaphore_mem>>) src(%dma_wait3A_105 : memref<10240x32xf32, #tpu.memory_space<vmem_shared>>) dst(%dma_wait3A_99 : memref<128x32xf32, #tpu.memory_space<vmem>>)
      %dma_wait3A_106 = arith.constant 0 : i32
      %dma_wait3A_107 = arith.constant 0 : i32
      %dma_wait3A_108 = arith.constant 0 : i32
      %dma_wait3A_109 = arith.constant 0 : i32
      %dma_wait3A_110 = tpu.memref_slice %arg14[%dma_wait3A_106, %dma_wait3A_108, %dma_wait3A_109] : memref<4x128x32xf32, #tpu.memory_space<vmem>> -> memref<1x128x32xf32, #tpu.memory_space<vmem>>
      %dma_wait3A_111 = tpu.memref_squeeze %dma_wait3A_110 : memref<1x128x32xf32, #tpu.memory_space<vmem>> -> memref<128x32xf32, #tpu.memory_space<vmem>>
      %dma_wait3A_112 = arith.constant 0 : i32
      %dma_wait3A_113 = tpu.memref_slice %arg13[%dma_wait3A_107, %dma_wait3A_112] : memref<80x128xi32, #tpu.memory_space<vmem>> -> memref<1x128xi32, #tpu.memory_space<vmem>>
      %dma_wait3A_114 = tpu.memref_squeeze %dma_wait3A_113 : memref<1x128xi32, #tpu.memory_space<vmem>> -> memref<128xi32, #tpu.memory_space<vmem>>
      %dma_wait3A_115 = arith.constant 0 : i32
      %dma_wait3A_116 = arith.constant 0 : i32
      %dma_wait3A_117 = tpu.memref_slice %arg10[%dma_wait3A_115, %dma_wait3A_116] : memref<10240x32xf32, #tpu.memory_space<vmem_shared>> -> memref<10240x32xf32, #tpu.memory_space<vmem_shared>>
      tpu.wait_indirect_dma semaphore(%arg19 : memref<!tpu.dma_semaphore, #tpu.memory_space<semaphore_mem>>) src(%dma_wait3A_111 : memref<128x32xf32, #tpu.memory_space<vmem>>) dst(%dma_wait3A_117 : memref<10240x32xf32, #tpu.memory_space<vmem_shared>>)
      %gt3A_118 = arith.constant 0 : i32
      %gt3A_119 = arith.cmpi sgt, %scan3A_47, %gt3A_118 : i32
      %convert_element_type3A_120 = arith.extui %gt3A_119 : i1 to i32
      %cond3A_121 = arith.constant 0 : i32
      %cond3A_122 = arith.cmpi ne, %convert_element_type3A_120, %cond3A_121 : i32
      scf.if %cond3A_122 {
        %dma_wait3A_148 = arith.constant 0 : i32
        %dma_wait3A_149 = arith.constant 0 : i32
        %dma_wait3A_150 = tpu.memref_slice %arg13[%dma_wait3A_148, %dma_wait3A_149] : memref<80x128xi32, #tpu.memory_space<vmem>> -> memref<1x128xi32, #tpu.memory_space<vmem>>
        %dma_wait3A_151 = tpu.memref_squeeze %dma_wait3A_150 : memref<1x128xi32, #tpu.memory_space<vmem>> -> memref<128xi32, #tpu.memory_space<vmem>>
        %dma_wait3A_152 = arith.constant 0 : i32
        %dma_wait3A_153 = arith.constant 0 : i32
        %dma_wait3A_154 = tpu.memref_slice %arg23[%dma_wait3A_152, %dma_wait3A_153] : memref<10240x16xf32, #tpu.memory_space<vmem_shared>> -> memref<10240x16xf32, #tpu.memory_space<vmem_shared>>
        tpu.wait_indirect_dma semaphore(%arg26 : memref<!tpu.dma_semaphore, #tpu.memory_space<semaphore_mem>>) src(%arg24 : memref<128x16xf32, #tpu.memory_space<vmem>>) dst(%dma_wait3A_154 : memref<10240x16xf32, #tpu.memory_space<vmem_shared>>)
      } else {
      }
      %lt3A = arith.constant 39 : i32
      %lt3A_123 = arith.cmpi slt, %scan3A_47, %lt3A : i32
      %convert_element_type3A_124 = arith.extui %lt3A_123 : i1 to i32
      %cond3A_125 = arith.constant 0 : i32
      %cond3A_126 = arith.cmpi ne, %convert_element_type3A_124, %cond3A_125 : i32
      scf.if %cond3A_126 {
        %add3A_148 = arith.constant 2 : i32
        %add3A_149 = arith.addi %mul3A_49, %add3A_148 : i32
        %dma_start3A_150 = arith.constant 0 : i32
        %dma_start3A_151 = arith.constant 0 : i32
        %dma_start3A_152 = arith.constant 0 : i32
        %dma_start3A_153 = tpu.memref_slice %arg14[%dma_start3A_150, %dma_start3A_151, %dma_start3A_152] : memref<4x128x32xf32, #tpu.memory_space<vmem>> -> memref<1x128x32xf32, #tpu.memory_space<vmem>>
        %dma_start3A_154 = tpu.memref_squeeze %dma_start3A_153 : memref<1x128x32xf32, #tpu.memory_space<vmem>> -> memref<128x32xf32, #tpu.memory_space<vmem>>
        %dma_start3A_155 = arith.constant 0 : i32
        %dma_start3A_156 = tpu.memref_slice %arg12[%add3A_149, %dma_start3A_155] : memref<80x128xi32, #tpu.memory_space<vmem>> -> memref<1x128xi32, #tpu.memory_space<vmem>>
        %dma_start3A_157 = tpu.memref_squeeze %dma_start3A_156 : memref<1x128xi32, #tpu.memory_space<vmem>> -> memref<128xi32, #tpu.memory_space<vmem>>
        %dma_start3A_158 = arith.constant 0 : i32
        %dma_start3A_159 = arith.constant 0 : i32
        %dma_start3A_160 = tpu.memref_slice %arg11[%dma_start3A_158, %dma_start3A_159] : memref<10240x32xf32, #tpu.memory_space<vmem_shared>> -> memref<10240x32xf32, #tpu.memory_space<vmem_shared>>
        tpu.enqueue_indirect_dma source(%dma_start3A_160 : memref<10240x32xf32, #tpu.memory_space<vmem_shared>>) target(%dma_start3A_154 : memref<128x32xf32, #tpu.memory_space<vmem>>) offsets(%dma_start3A_157 : memref<128xi32, #tpu.memory_space<vmem>>) semaphore(%arg15 : memref<!tpu.dma_semaphore, #tpu.memory_space<semaphore_mem>>)
      } else {
      }
      %add3A_127 = arith.constant 1 : i32
      %add3A_128 = arith.addi %mul3A_49, %add3A_127 : i32
      %dma_start3A_129 = arith.constant 1 : i32
      %dma_start3A_130 = arith.constant 0 : i32
      %dma_start3A_131 = arith.constant 0 : i32
      %dma_start3A_132 = tpu.memref_slice %arg14[%dma_start3A_129, %dma_start3A_130, %dma_start3A_131] : memref<4x128x32xf32, #tpu.memory_space<vmem>> -> memref<1x128x32xf32, #tpu.memory_space<vmem>>
      %dma_start3A_133 = tpu.memref_squeeze %dma_start3A_132 : memref<1x128x32xf32, #tpu.memory_space<vmem>> -> memref<128x32xf32, #tpu.memory_space<vmem>>
      %dma_start3A_134 = arith.constant 0 : i32
      %dma_start3A_135 = tpu.memref_slice %arg13[%add3A_128, %dma_start3A_134] : memref<80x128xi32, #tpu.memory_space<vmem>> -> memref<1x128xi32, #tpu.memory_space<vmem>>
      %dma_start3A_136 = tpu.memref_squeeze %dma_start3A_135 : memref<1x128xi32, #tpu.memory_space<vmem>> -> memref<128xi32, #tpu.memory_space<vmem>>
      %dma_start3A_137 = arith.constant 0 : i32
      %dma_start3A_138 = arith.constant 0 : i32
      %dma_start3A_139 = tpu.memref_slice %arg10[%dma_start3A_137, %dma_start3A_138] : memref<10240x32xf32, #tpu.memory_space<vmem_shared>> -> memref<10240x32xf32, #tpu.memory_space<vmem_shared>>
      tpu.enqueue_indirect_dma source(%dma_start3A_133 : memref<128x32xf32, #tpu.memory_space<vmem>>) target(%dma_start3A_139 : memref<10240x32xf32, #tpu.memory_space<vmem_shared>>) offsets(%dma_start3A_136 : memref<128xi32, #tpu.memory_space<vmem>>) semaphore(%arg20 : memref<!tpu.dma_semaphore, #tpu.memory_space<semaphore_mem>>) {add = true}
      %add3A_140 = arith.constant 1 : i32
      %add3A_141 = arith.addi %mul3A_49, %add3A_140 : i32
      %dma_start3A_142 = arith.constant 0 : i32
      %dma_start3A_143 = tpu.memref_slice %arg13[%add3A_141, %dma_start3A_142] : memref<80x128xi32, #tpu.memory_space<vmem>> -> memref<1x128xi32, #tpu.memory_space<vmem>>
      %dma_start3A_144 = tpu.memref_squeeze %dma_start3A_143 : memref<1x128xi32, #tpu.memory_space<vmem>> -> memref<128xi32, #tpu.memory_space<vmem>>
      %dma_start3A_145 = arith.constant 0 : i32
      %dma_start3A_146 = arith.constant 0 : i32
      %dma_start3A_147 = tpu.memref_slice %arg23[%dma_start3A_145, %dma_start3A_146] : memref<10240x16xf32, #tpu.memory_space<vmem_shared>> -> memref<10240x16xf32, #tpu.memory_space<vmem_shared>>
      tpu.enqueue_indirect_dma source(%arg24 : memref<128x16xf32, #tpu.memory_space<vmem>>) target(%dma_start3A_147 : memref<10240x16xf32, #tpu.memory_space<vmem_shared>>) offsets(%dma_start3A_144 : memref<128xi32, #tpu.memory_space<vmem>>) semaphore(%arg26 : memref<!tpu.dma_semaphore, #tpu.memory_space<semaphore_mem>>) {add = true}
    }
    %scan3A_20 = arith.constant 40 : i32
    %dma_wait3A = arith.constant 1 : i32
    %dma_wait3A_21 = arith.constant 0 : i32
    %dma_wait3A_22 = arith.constant 0 : i32
    %dma_wait3A_23 = arith.constant 0 : i32
    %dma_wait3A_24 = tpu.memref_slice %arg14[%dma_wait3A, %dma_wait3A_22, %dma_wait3A_23] : memref<4x128x32xf32, #tpu.memory_space<vmem>> -> memref<1x128x32xf32, #tpu.memory_space<vmem>>
    %dma_wait3A_25 = tpu.memref_squeeze %dma_wait3A_24 : memref<1x128x32xf32, #tpu.memory_space<vmem>> -> memref<128x32xf32, #tpu.memory_space<vmem>>
    %dma_wait3A_26 = arith.constant 0 : i32
    %dma_wait3A_27 = tpu.memref_slice %arg13[%dma_wait3A_21, %dma_wait3A_26] : memref<80x128xi32, #tpu.memory_space<vmem>> -> memref<1x128xi32, #tpu.memory_space<vmem>>
    %dma_wait3A_28 = tpu.memref_squeeze %dma_wait3A_27 : memref<1x128xi32, #tpu.memory_space<vmem>> -> memref<128xi32, #tpu.memory_space<vmem>>
    %dma_wait3A_29 = arith.constant 0 : i32
    %dma_wait3A_30 = arith.constant 0 : i32
    %dma_wait3A_31 = tpu.memref_slice %arg10[%dma_wait3A_29, %dma_wait3A_30] : memref<10240x32xf32, #tpu.memory_space<vmem_shared>> -> memref<10240x32xf32, #tpu.memory_space<vmem_shared>>
    tpu.wait_indirect_dma semaphore(%arg20 : memref<!tpu.dma_semaphore, #tpu.memory_space<semaphore_mem>>) src(%dma_wait3A_25 : memref<128x32xf32, #tpu.memory_space<vmem>>) dst(%dma_wait3A_31 : memref<10240x32xf32, #tpu.memory_space<vmem_shared>>)
    %dma_wait3A_32 = arith.constant 0 : i32
    %dma_wait3A_33 = arith.constant 0 : i32
    %dma_wait3A_34 = tpu.memref_slice %arg13[%dma_wait3A_32, %dma_wait3A_33] : memref<80x128xi32, #tpu.memory_space<vmem>> -> memref<1x128xi32, #tpu.memory_space<vmem>>
    %dma_wait3A_35 = tpu.memref_squeeze %dma_wait3A_34 : memref<1x128xi32, #tpu.memory_space<vmem>> -> memref<128xi32, #tpu.memory_space<vmem>>
    %dma_wait3A_36 = arith.constant 0 : i32
    %dma_wait3A_37 = arith.constant 0 : i32
    %dma_wait3A_38 = tpu.memref_slice %arg23[%dma_wait3A_36, %dma_wait3A_37] : memref<10240x16xf32, #tpu.memory_space<vmem_shared>> -> memref<10240x16xf32, #tpu.memory_space<vmem_shared>>
    tpu.wait_indirect_dma semaphore(%arg25 : memref<!tpu.dma_semaphore, #tpu.memory_space<semaphore_mem>>) src(%arg24 : memref<128x16xf32, #tpu.memory_space<vmem>>) dst(%dma_wait3A_38 : memref<10240x16xf32, #tpu.memory_space<vmem_shared>>)
    %dma_wait3A_39 = arith.constant 0 : i32
    %dma_wait3A_40 = arith.constant 0 : i32
    %dma_wait3A_41 = tpu.memref_slice %arg13[%dma_wait3A_39, %dma_wait3A_40] : memref<80x128xi32, #tpu.memory_space<vmem>> -> memref<1x128xi32, #tpu.memory_space<vmem>>
    %dma_wait3A_42 = tpu.memref_squeeze %dma_wait3A_41 : memref<1x128xi32, #tpu.memory_space<vmem>> -> memref<128xi32, #tpu.memory_space<vmem>>
    %dma_wait3A_43 = arith.constant 0 : i32
    %dma_wait3A_44 = arith.constant 0 : i32
    %dma_wait3A_45 = tpu.memref_slice %arg23[%dma_wait3A_43, %dma_wait3A_44] : memref<10240x16xf32, #tpu.memory_space<vmem_shared>> -> memref<10240x16xf32, #tpu.memory_space<vmem_shared>>
    tpu.wait_indirect_dma semaphore(%arg26 : memref<!tpu.dma_semaphore, #tpu.memory_space<semaphore_mem>>) src(%arg24 : memref<128x16xf32, #tpu.memory_space<vmem>>) dst(%dma_wait3A_45 : memref<10240x16xf32, #tpu.memory_space<vmem_shared>>)
    %barrier3A_46 = arith.constant 0 : index
    tpu.barrier barrier_id(%barrier3A_46)
    "tpu.region"() ({
      %run_scoped3A = tpu.sem_alloc : memref<!tpu.dma_semaphore, #tpu.memory_space<semaphore_mem>>
      %dma_start3A_47 = arith.constant 0 : i32
      %dma_start3A_48 = tpu.memref_slice %arg8[%arg0, %mul3A_2, %dma_start3A_47] : memref<2x10240x32xf32, #tpu.memory_space<hbm>> -> memref<1x640x32xf32, #tpu.memory_space<hbm>>
      %dma_start3A_49 = tpu.memref_squeeze %dma_start3A_48 : memref<1x640x32xf32, #tpu.memory_space<hbm>> -> memref<640x32xf32, #tpu.memory_space<hbm>>
      %dma_start3A_50 = arith.constant 0 : i32
      %dma_start3A_51 = tpu.memref_slice %arg10[%mul3A_2, %dma_start3A_50] : memref<10240x32xf32, #tpu.memory_space<vmem_shared>> -> memref<640x32xf32, #tpu.memory_space<vmem_shared>>
      tpu.enqueue_dma source(%dma_start3A_51 : memref<640x32xf32, #tpu.memory_space<vmem_shared>>) target(%dma_start3A_49 : memref<640x32xf32, #tpu.memory_space<hbm>>) target_semaphore(%run_scoped3A : memref<!tpu.dma_semaphore, #tpu.memory_space<semaphore_mem>>)
      %dma_wait3A_52 = arith.constant 0 : i32
      %dma_wait3A_53 = tpu.memref_slice %arg8[%arg0, %mul3A_2, %dma_wait3A_52] : memref<2x10240x32xf32, #tpu.memory_space<hbm>> -> memref<1x640x32xf32, #tpu.memory_space<hbm>>
      %dma_wait3A_54 = tpu.memref_squeeze %dma_wait3A_53 : memref<1x640x32xf32, #tpu.memory_space<hbm>> -> memref<640x32xf32, #tpu.memory_space<hbm>>
      %dma_wait3A_55 = arith.constant 0 : i32
      %dma_wait3A_56 = tpu.memref_slice %arg10[%mul3A_2, %dma_wait3A_55] : memref<10240x32xf32, #tpu.memory_space<vmem_shared>> -> memref<640x32xf32, #tpu.memory_space<vmem_shared>>
      tpu.wait_dma2 semaphore(%run_scoped3A : memref<!tpu.dma_semaphore, #tpu.memory_space<semaphore_mem>>) src(%dma_wait3A_56 : memref<640x32xf32, #tpu.memory_space<vmem_shared>>) dst(%dma_wait3A_54 : memref<640x32xf32, #tpu.memory_space<hbm>>)
      tpu.yield
    }) : () -> ()
    "tpu.region"() ({
      %run_scoped3A = tpu.sem_alloc : memref<!tpu.dma_semaphore, #tpu.memory_space<semaphore_mem>>
      %dma_start3A_47 = arith.constant 0 : i32
      %dma_start3A_48 = tpu.memref_slice %arg9[%arg0, %mul3A_2, %dma_start3A_47] : memref<2x10240x16xf32, #tpu.memory_space<hbm>> -> memref<1x640x16xf32, #tpu.memory_space<hbm>>
      %dma_start3A_49 = tpu.memref_squeeze %dma_start3A_48 : memref<1x640x16xf32, #tpu.memory_space<hbm>> -> memref<640x16xf32, #tpu.memory_space<hbm>>
      %dma_start3A_50 = arith.constant 0 : i32
      %dma_start3A_51 = tpu.memref_slice %arg23[%mul3A_2, %dma_start3A_50] : memref<10240x16xf32, #tpu.memory_space<vmem_shared>> -> memref<640x16xf32, #tpu.memory_space<vmem_shared>>
      tpu.enqueue_dma source(%dma_start3A_51 : memref<640x16xf32, #tpu.memory_space<vmem_shared>>) target(%dma_start3A_49 : memref<640x16xf32, #tpu.memory_space<hbm>>) target_semaphore(%run_scoped3A : memref<!tpu.dma_semaphore, #tpu.memory_space<semaphore_mem>>)
      %dma_wait3A_52 = arith.constant 0 : i32
      %dma_wait3A_53 = tpu.memref_slice %arg9[%arg0, %mul3A_2, %dma_wait3A_52] : memref<2x10240x16xf32, #tpu.memory_space<hbm>> -> memref<1x640x16xf32, #tpu.memory_space<hbm>>
      %dma_wait3A_54 = tpu.memref_squeeze %dma_wait3A_53 : memref<1x640x16xf32, #tpu.memory_space<hbm>> -> memref<640x16xf32, #tpu.memory_space<hbm>>
      %dma_wait3A_55 = arith.constant 0 : i32
      %dma_wait3A_56 = tpu.memref_slice %arg23[%mul3A_2, %dma_wait3A_55] : memref<10240x16xf32, #tpu.memory_space<vmem_shared>> -> memref<640x16xf32, #tpu.memory_space<vmem_shared>>
      tpu.wait_dma2 semaphore(%run_scoped3A : memref<!tpu.dma_semaphore, #tpu.memory_space<semaphore_mem>>) src(%dma_wait3A_56 : memref<640x16xf32, #tpu.memory_space<vmem_shared>>) dst(%dma_wait3A_54 : memref<640x16xf32, #tpu.memory_space<hbm>>)
      tpu.yield
    }) : () -> ()
    return
  }
}

#map = affine_map<(d0, d1) -> (0, 0)>
#map1 = affine_map<(d0, d1) -> (0, 0, 0)>
module attributes {stable_mosaic.version = 14 : i64} {
  func.func @k(%arg0: i32, %arg1: i32, %arg2: memref<10240x32xf32, #tpu.memory_space<hbm>>, %arg3: memref<2560x128xi32, #tpu.memory_space<hbm>>, %arg4: memref<2560x128xi32, #tpu.memory_space<hbm>>, %arg5: memref<640x32xf32, #tpu.memory_space<hbm>>, %arg6: memref<2x10240x32xf32, #tpu.memory_space<hbm>>, %arg7: memref<10240x32xf32, #tpu.memory_space<vmem_shared>>, %arg8: memref<10240x32xf32, #tpu.memory_space<vmem_shared>>, %arg9: memref<80x128xi32, #tpu.memory_space<vmem>>, %arg10: memref<80x128xi32, #tpu.memory_space<vmem>>, %arg11: memref<4x128x32xf32, #tpu.memory_space<vmem>>, %arg12: memref<!tpu.dma_semaphore, #tpu.memory_space<semaphore_mem>>, %arg13: memref<!tpu.dma_semaphore, #tpu.memory_space<semaphore_mem>>, %arg14: memref<!tpu.dma_semaphore, #tpu.memory_space<semaphore_mem>>, %arg15: memref<!tpu.dma_semaphore, #tpu.memory_space<semaphore_mem>>, %arg16: memref<!tpu.dma_semaphore, #tpu.memory_space<semaphore_mem>>, %arg17: memref<!tpu.dma_semaphore, #tpu.memory_space<semaphore_mem>>, %arg18: memref<!tpu.dma_semaphore, #tpu.memory_space<semaphore_mem>>, %arg19: memref<!tpu.dma_semaphore, #tpu.memory_space<semaphore_mem>>) attributes {dimension_semantics = [#tpu.dimension_semantics<core_parallel>, #tpu.dimension_semantics<subcore_parallel>], iteration_bounds = array<i64: 2, 16>, scalar_prefetch = 0 : i64, scratch_operands = 13 : i64, tpu.core_type = #tpu.core_type<sc_vector_subcore>, window_params = [{transform_indices = #map}, {transform_indices = #map}, {transform_indices = #map}, {transform_indices = #map}, {transform_indices = #map1}]} {
    %mul3A = arith.constant 2 : i32
    %mul3A_0 = arith.muli %arg1, %mul3A : i32
    %add3A = arith.addi %mul3A_0, %arg0 : i32
    %mul3A_1 = arith.constant 640 : i32
    %mul3A_2 = arith.muli %arg1, %mul3A_1 : i32
    "tpu.region"() ({
      %run_scoped3A = tpu.sem_alloc : memref<!tpu.dma_semaphore, #tpu.memory_space<semaphore_mem>>
      %dma_start3A_33 = arith.constant 0 : i32
      %dma_start3A_34 = tpu.memref_slice %arg7[%mul3A_2, %dma_start3A_33] : memref<10240x32xf32, #tpu.memory_space<vmem_shared>> -> memref<640x32xf32, #tpu.memory_space<vmem_shared>>
      tpu.enqueue_dma source(%arg5 : memref<640x32xf32, #tpu.memory_space<hbm>>) target(%dma_start3A_34 : memref<640x32xf32, #tpu.memory_space<vmem_shared>>) target_semaphore(%run_scoped3A : memref<!tpu.dma_semaphore, #tpu.memory_space<semaphore_mem>>)
      %dma_wait3A_35 = arith.constant 0 : i32
      %dma_wait3A_36 = tpu.memref_slice %arg7[%mul3A_2, %dma_wait3A_35] : memref<10240x32xf32, #tpu.memory_space<vmem_shared>> -> memref<640x32xf32, #tpu.memory_space<vmem_shared>>
      tpu.wait_dma2 semaphore(%run_scoped3A : memref<!tpu.dma_semaphore, #tpu.memory_space<semaphore_mem>>) src(%arg5 : memref<640x32xf32, #tpu.memory_space<hbm>>) dst(%dma_wait3A_36 : memref<640x32xf32, #tpu.memory_space<vmem_shared>>)
      tpu.yield
    }) : () -> ()
    "tpu.region"() ({
      %run_scoped3A = tpu.sem_alloc : memref<!tpu.dma_semaphore, #tpu.memory_space<semaphore_mem>>
      %dma_start3A_33 = arith.constant 0 : i32
      %dma_start3A_34 = tpu.memref_slice %arg8[%mul3A_2, %dma_start3A_33] : memref<10240x32xf32, #tpu.memory_space<vmem_shared>> -> memref<640x32xf32, #tpu.memory_space<vmem_shared>>
      %dma_start3A_35 = arith.constant 0 : i32
      %dma_start3A_36 = tpu.memref_slice %arg2[%mul3A_2, %dma_start3A_35] : memref<10240x32xf32, #tpu.memory_space<hbm>> -> memref<640x32xf32, #tpu.memory_space<hbm>>
      tpu.enqueue_dma source(%dma_start3A_36 : memref<640x32xf32, #tpu.memory_space<hbm>>) target(%dma_start3A_34 : memref<640x32xf32, #tpu.memory_space<vmem_shared>>) target_semaphore(%run_scoped3A : memref<!tpu.dma_semaphore, #tpu.memory_space<semaphore_mem>>)
      %dma_wait3A_37 = arith.constant 0 : i32
      %dma_wait3A_38 = tpu.memref_slice %arg8[%mul3A_2, %dma_wait3A_37] : memref<10240x32xf32, #tpu.memory_space<vmem_shared>> -> memref<640x32xf32, #tpu.memory_space<vmem_shared>>
      %dma_wait3A_39 = arith.constant 0 : i32
      %dma_wait3A_40 = tpu.memref_slice %arg2[%mul3A_2, %dma_wait3A_39] : memref<10240x32xf32, #tpu.memory_space<hbm>> -> memref<640x32xf32, #tpu.memory_space<hbm>>
      tpu.wait_dma2 semaphore(%run_scoped3A : memref<!tpu.dma_semaphore, #tpu.memory_space<semaphore_mem>>) src(%dma_wait3A_40 : memref<640x32xf32, #tpu.memory_space<hbm>>) dst(%dma_wait3A_38 : memref<640x32xf32, #tpu.memory_space<vmem_shared>>)
      tpu.yield
    }) : () -> ()
    %mul3A_3 = arith.constant 80 : i32
    %mul3A_4 = arith.muli %add3A, %mul3A_3 : i32
    "tpu.region"() ({
      %run_scoped3A = tpu.sem_alloc : memref<!tpu.dma_semaphore, #tpu.memory_space<semaphore_mem>>
      %dma_start3A_33 = arith.constant 0 : i32
      %dma_start3A_34 = tpu.memref_slice %arg3[%mul3A_4, %dma_start3A_33] : memref<2560x128xi32, #tpu.memory_space<hbm>> -> memref<80x128xi32, #tpu.memory_space<hbm>>
      %dma_start3A_35 = arith.constant 0 : i32
      %dma_start3A_36 = tpu.memref_slice %arg3[%mul3A_4, %dma_start3A_35] : memref<2560x128xi32, #tpu.memory_space<hbm>> -> memref<80x128xi32, #tpu.memory_space<hbm>>
      tpu.enqueue_dma source(%dma_start3A_36 : memref<80x128xi32, #tpu.memory_space<hbm>>) target(%arg9 : memref<80x128xi32, #tpu.memory_space<vmem>>) target_semaphore(%run_scoped3A : memref<!tpu.dma_semaphore, #tpu.memory_space<semaphore_mem>>)
      %dma_wait3A_37 = arith.constant 0 : i32
      %dma_wait3A_38 = tpu.memref_slice %arg3[%mul3A_4, %dma_wait3A_37] : memref<2560x128xi32, #tpu.memory_space<hbm>> -> memref<80x128xi32, #tpu.memory_space<hbm>>
      %dma_wait3A_39 = arith.constant 0 : i32
      %dma_wait3A_40 = tpu.memref_slice %arg3[%mul3A_4, %dma_wait3A_39] : memref<2560x128xi32, #tpu.memory_space<hbm>> -> memref<80x128xi32, #tpu.memory_space<hbm>>
      tpu.wait_dma2 semaphore(%run_scoped3A : memref<!tpu.dma_semaphore, #tpu.memory_space<semaphore_mem>>) src(%dma_wait3A_40 : memref<80x128xi32, #tpu.memory_space<hbm>>) dst(%arg9 : memref<80x128xi32, #tpu.memory_space<vmem>>)
      tpu.yield
    }) : () -> ()
    "tpu.region"() ({
      %run_scoped3A = tpu.sem_alloc : memref<!tpu.dma_semaphore, #tpu.memory_space<semaphore_mem>>
      %dma_start3A_33 = arith.constant 0 : i32
      %dma_start3A_34 = tpu.memref_slice %arg4[%mul3A_4, %dma_start3A_33] : memref<2560x128xi32, #tpu.memory_space<hbm>> -> memref<80x128xi32, #tpu.memory_space<hbm>>
      %dma_start3A_35 = arith.constant 0 : i32
      %dma_start3A_36 = tpu.memref_slice %arg4[%mul3A_4, %dma_start3A_35] : memref<2560x128xi32, #tpu.memory_space<hbm>> -> memref<80x128xi32, #tpu.memory_space<hbm>>
      tpu.enqueue_dma source(%dma_start3A_36 : memref<80x128xi32, #tpu.memory_space<hbm>>) target(%arg10 : memref<80x128xi32, #tpu.memory_space<vmem>>) target_semaphore(%run_scoped3A : memref<!tpu.dma_semaphore, #tpu.memory_space<semaphore_mem>>)
      %dma_wait3A_37 = arith.constant 0 : i32
      %dma_wait3A_38 = tpu.memref_slice %arg4[%mul3A_4, %dma_wait3A_37] : memref<2560x128xi32, #tpu.memory_space<hbm>> -> memref<80x128xi32, #tpu.memory_space<hbm>>
      %dma_wait3A_39 = arith.constant 0 : i32
      %dma_wait3A_40 = tpu.memref_slice %arg4[%mul3A_4, %dma_wait3A_39] : memref<2560x128xi32, #tpu.memory_space<hbm>> -> memref<80x128xi32, #tpu.memory_space<hbm>>
      tpu.wait_dma2 semaphore(%run_scoped3A : memref<!tpu.dma_semaphore, #tpu.memory_space<semaphore_mem>>) src(%dma_wait3A_40 : memref<80x128xi32, #tpu.memory_space<hbm>>) dst(%arg10 : memref<80x128xi32, #tpu.memory_space<vmem>>)
      tpu.yield
    }) : () -> ()
    %barrier3A = arith.constant 0 : index
    tpu.barrier barrier_id(%barrier3A)
    %dma_start3A = arith.constant 0 : i32
    %dma_start3A_5 = arith.constant 0 : i32
    %dma_start3A_6 = arith.constant 0 : i32
    %dma_start3A_7 = arith.constant 0 : i32
    %dma_start3A_8 = tpu.memref_slice %arg11[%dma_start3A_5, %dma_start3A_6, %dma_start3A_7] : memref<4x128x32xf32, #tpu.memory_space<vmem>> -> memref<1x128x32xf32, #tpu.memory_space<vmem>>
    %dma_start3A_9 = tpu.memref_squeeze %dma_start3A_8 : memref<1x128x32xf32, #tpu.memory_space<vmem>> -> memref<128x32xf32, #tpu.memory_space<vmem>>
    %dma_start3A_10 = arith.constant 0 : i32
    %dma_start3A_11 = tpu.memref_slice %arg9[%dma_start3A, %dma_start3A_10] : memref<80x128xi32, #tpu.memory_space<vmem>> -> memref<1x128xi32, #tpu.memory_space<vmem>>
    %dma_start3A_12 = tpu.memref_squeeze %dma_start3A_11 : memref<1x128xi32, #tpu.memory_space<vmem>> -> memref<128xi32, #tpu.memory_space<vmem>>
    %dma_start3A_13 = arith.constant 0 : i32
    %dma_start3A_14 = arith.constant 0 : i32
    %dma_start3A_15 = tpu.memref_slice %arg8[%dma_start3A_13, %dma_start3A_14] : memref<10240x32xf32, #tpu.memory_space<vmem_shared>> -> memref<10240x32xf32, #tpu.memory_space<vmem_shared>>
    tpu.enqueue_indirect_dma source(%dma_start3A_15 : memref<10240x32xf32, #tpu.memory_space<vmem_shared>>) target(%dma_start3A_9 : memref<128x32xf32, #tpu.memory_space<vmem>>) offsets(%dma_start3A_12 : memref<128xi32, #tpu.memory_space<vmem>>) semaphore(%arg12 : memref<!tpu.dma_semaphore, #tpu.memory_space<semaphore_mem>>)
    %scan3A = arith.constant 0 : i32
    %scan3A_16 = arith.constant 0 : i32
    %scan3A_17 = arith.constant 40 : i32
    %scan3A_18 = arith.addi %scan3A_16, %scan3A_17 : i32
    %scan3A_19 = arith.constant 1 : i32
    scf.for %scan3A_33 = %scan3A_16 to %scan3A_18 step %scan3A_19  : i32 {
      %mul3A_34 = arith.constant 2 : i32
      %mul3A_35 = arith.muli %mul3A_34, %scan3A_33 : i32
      %dma_wait3A_36 = arith.constant 0 : i32
      %dma_wait3A_37 = arith.constant 0 : i32
      %dma_wait3A_38 = arith.constant 0 : i32
      %dma_wait3A_39 = arith.constant 0 : i32
      %dma_wait3A_40 = tpu.memref_slice %arg11[%dma_wait3A_37, %dma_wait3A_38, %dma_wait3A_39] : memref<4x128x32xf32, #tpu.memory_space<vmem>> -> memref<1x128x32xf32, #tpu.memory_space<vmem>>
      %dma_wait3A_41 = tpu.memref_squeeze %dma_wait3A_40 : memref<1x128x32xf32, #tpu.memory_space<vmem>> -> memref<128x32xf32, #tpu.memory_space<vmem>>
      %dma_wait3A_42 = arith.constant 0 : i32
      %dma_wait3A_43 = tpu.memref_slice %arg9[%dma_wait3A_36, %dma_wait3A_42] : memref<80x128xi32, #tpu.memory_space<vmem>> -> memref<1x128xi32, #tpu.memory_space<vmem>>
      %dma_wait3A_44 = tpu.memref_squeeze %dma_wait3A_43 : memref<1x128xi32, #tpu.memory_space<vmem>> -> memref<128xi32, #tpu.memory_space<vmem>>
      %dma_wait3A_45 = arith.constant 0 : i32
      %dma_wait3A_46 = arith.constant 0 : i32
      %dma_wait3A_47 = tpu.memref_slice %arg8[%dma_wait3A_45, %dma_wait3A_46] : memref<10240x32xf32, #tpu.memory_space<vmem_shared>> -> memref<10240x32xf32, #tpu.memory_space<vmem_shared>>
      tpu.wait_indirect_dma semaphore(%arg12 : memref<!tpu.dma_semaphore, #tpu.memory_space<semaphore_mem>>) src(%dma_wait3A_47 : memref<10240x32xf32, #tpu.memory_space<vmem_shared>>) dst(%dma_wait3A_41 : memref<128x32xf32, #tpu.memory_space<vmem>>)
      %gt3A = arith.constant 0 : i32
      %gt3A_48 = arith.cmpi sgt, %scan3A_33, %gt3A : i32
      %convert_element_type3A = arith.extui %gt3A_48 : i1 to i32
      %cond3A = arith.constant 0 : i32
      %cond3A_49 = arith.cmpi ne, %convert_element_type3A, %cond3A : i32
      scf.if %cond3A_49 {
        %dma_wait3A_115 = arith.constant 1 : i32
        %dma_wait3A_116 = arith.constant 0 : i32
        %dma_wait3A_117 = arith.constant 0 : i32
        %dma_wait3A_118 = arith.constant 0 : i32
        %dma_wait3A_119 = tpu.memref_slice %arg11[%dma_wait3A_115, %dma_wait3A_117, %dma_wait3A_118] : memref<4x128x32xf32, #tpu.memory_space<vmem>> -> memref<1x128x32xf32, #tpu.memory_space<vmem>>
        %dma_wait3A_120 = tpu.memref_squeeze %dma_wait3A_119 : memref<1x128x32xf32, #tpu.memory_space<vmem>> -> memref<128x32xf32, #tpu.memory_space<vmem>>
        %dma_wait3A_121 = arith.constant 0 : i32
        %dma_wait3A_122 = tpu.memref_slice %arg10[%dma_wait3A_116, %dma_wait3A_121] : memref<80x128xi32, #tpu.memory_space<vmem>> -> memref<1x128xi32, #tpu.memory_space<vmem>>
        %dma_wait3A_123 = tpu.memref_squeeze %dma_wait3A_122 : memref<1x128xi32, #tpu.memory_space<vmem>> -> memref<128xi32, #tpu.memory_space<vmem>>
        %dma_wait3A_124 = arith.constant 0 : i32
        %dma_wait3A_125 = arith.constant 0 : i32
        %dma_wait3A_126 = tpu.memref_slice %arg7[%dma_wait3A_124, %dma_wait3A_125] : memref<10240x32xf32, #tpu.memory_space<vmem_shared>> -> memref<10240x32xf32, #tpu.memory_space<vmem_shared>>
        tpu.wait_indirect_dma semaphore(%arg17 : memref<!tpu.dma_semaphore, #tpu.memory_space<semaphore_mem>>) src(%dma_wait3A_120 : memref<128x32xf32, #tpu.memory_space<vmem>>) dst(%dma_wait3A_126 : memref<10240x32xf32, #tpu.memory_space<vmem_shared>>)
      } else {
      }
      %add3A_50 = arith.constant 1 : i32
      %add3A_51 = arith.addi %mul3A_35, %add3A_50 : i32
      %dma_start3A_52 = arith.constant 1 : i32
      %dma_start3A_53 = arith.constant 0 : i32
      %dma_start3A_54 = arith.constant 0 : i32
      %dma_start3A_55 = tpu.memref_slice %arg11[%dma_start3A_52, %dma_start3A_53, %dma_start3A_54] : memref<4x128x32xf32, #tpu.memory_space<vmem>> -> memref<1x128x32xf32, #tpu.memory_space<vmem>>
      %dma_start3A_56 = tpu.memref_squeeze %dma_start3A_55 : memref<1x128x32xf32, #tpu.memory_space<vmem>> -> memref<128x32xf32, #tpu.memory_space<vmem>>
      %dma_start3A_57 = arith.constant 0 : i32
      %dma_start3A_58 = tpu.memref_slice %arg9[%add3A_51, %dma_start3A_57] : memref<80x128xi32, #tpu.memory_space<vmem>> -> memref<1x128xi32, #tpu.memory_space<vmem>>
      %dma_start3A_59 = tpu.memref_squeeze %dma_start3A_58 : memref<1x128xi32, #tpu.memory_space<vmem>> -> memref<128xi32, #tpu.memory_space<vmem>>
      %dma_start3A_60 = arith.constant 0 : i32
      %dma_start3A_61 = arith.constant 0 : i32
      %dma_start3A_62 = tpu.memref_slice %arg8[%dma_start3A_60, %dma_start3A_61] : memref<10240x32xf32, #tpu.memory_space<vmem_shared>> -> memref<10240x32xf32, #tpu.memory_space<vmem_shared>>
      tpu.enqueue_indirect_dma source(%dma_start3A_62 : memref<10240x32xf32, #tpu.memory_space<vmem_shared>>) target(%dma_start3A_56 : memref<128x32xf32, #tpu.memory_space<vmem>>) offsets(%dma_start3A_59 : memref<128xi32, #tpu.memory_space<vmem>>) semaphore(%arg13 : memref<!tpu.dma_semaphore, #tpu.memory_space<semaphore_mem>>)
      %dma_start3A_63 = arith.constant 0 : i32
      %dma_start3A_64 = arith.constant 0 : i32
      %dma_start3A_65 = arith.constant 0 : i32
      %dma_start3A_66 = tpu.memref_slice %arg11[%dma_start3A_63, %dma_start3A_64, %dma_start3A_65] : memref<4x128x32xf32, #tpu.memory_space<vmem>> -> memref<1x128x32xf32, #tpu.memory_space<vmem>>
      %dma_start3A_67 = tpu.memref_squeeze %dma_start3A_66 : memref<1x128x32xf32, #tpu.memory_space<vmem>> -> memref<128x32xf32, #tpu.memory_space<vmem>>
      %dma_start3A_68 = arith.constant 0 : i32
      %dma_start3A_69 = tpu.memref_slice %arg10[%mul3A_35, %dma_start3A_68] : memref<80x128xi32, #tpu.memory_space<vmem>> -> memref<1x128xi32, #tpu.memory_space<vmem>>
      %dma_start3A_70 = tpu.memref_squeeze %dma_start3A_69 : memref<1x128xi32, #tpu.memory_space<vmem>> -> memref<128xi32, #tpu.memory_space<vmem>>
      %dma_start3A_71 = arith.constant 0 : i32
      %dma_start3A_72 = arith.constant 0 : i32
      %dma_start3A_73 = tpu.memref_slice %arg7[%dma_start3A_71, %dma_start3A_72] : memref<10240x32xf32, #tpu.memory_space<vmem_shared>> -> memref<10240x32xf32, #tpu.memory_space<vmem_shared>>
      tpu.enqueue_indirect_dma source(%dma_start3A_67 : memref<128x32xf32, #tpu.memory_space<vmem>>) target(%dma_start3A_73 : memref<10240x32xf32, #tpu.memory_space<vmem_shared>>) offsets(%dma_start3A_70 : memref<128xi32, #tpu.memory_space<vmem>>) semaphore(%arg16 : memref<!tpu.dma_semaphore, #tpu.memory_space<semaphore_mem>>) {add = true}
      %dma_wait3A_74 = arith.constant 0 : i32
      %dma_wait3A_75 = arith.constant 1 : i32
      %dma_wait3A_76 = arith.constant 0 : i32
      %dma_wait3A_77 = arith.constant 0 : i32
      %dma_wait3A_78 = tpu.memref_slice %arg11[%dma_wait3A_75, %dma_wait3A_76, %dma_wait3A_77] : memref<4x128x32xf32, #tpu.memory_space<vmem>> -> memref<1x128x32xf32, #tpu.memory_space<vmem>>
      %dma_wait3A_79 = tpu.memref_squeeze %dma_wait3A_78 : memref<1x128x32xf32, #tpu.memory_space<vmem>> -> memref<128x32xf32, #tpu.memory_space<vmem>>
      %dma_wait3A_80 = arith.constant 0 : i32
      %dma_wait3A_81 = tpu.memref_slice %arg9[%dma_wait3A_74, %dma_wait3A_80] : memref<80x128xi32, #tpu.memory_space<vmem>> -> memref<1x128xi32, #tpu.memory_space<vmem>>
      %dma_wait3A_82 = tpu.memref_squeeze %dma_wait3A_81 : memref<1x128xi32, #tpu.memory_space<vmem>> -> memref<128xi32, #tpu.memory_space<vmem>>
      %dma_wait3A_83 = arith.constant 0 : i32
      %dma_wait3A_84 = arith.constant 0 : i32
      %dma_wait3A_85 = tpu.memref_slice %arg8[%dma_wait3A_83, %dma_wait3A_84] : memref<10240x32xf32, #tpu.memory_space<vmem_shared>> -> memref<10240x32xf32, #tpu.memory_space<vmem_shared>>
      tpu.wait_indirect_dma semaphore(%arg13 : memref<!tpu.dma_semaphore, #tpu.memory_space<semaphore_mem>>) src(%dma_wait3A_85 : memref<10240x32xf32, #tpu.memory_space<vmem_shared>>) dst(%dma_wait3A_79 : memref<128x32xf32, #tpu.memory_space<vmem>>)
      %dma_wait3A_86 = arith.constant 0 : i32
      %dma_wait3A_87 = arith.constant 0 : i32
      %dma_wait3A_88 = arith.constant 0 : i32
      %dma_wait3A_89 = arith.constant 0 : i32
      %dma_wait3A_90 = tpu.memref_slice %arg11[%dma_wait3A_86, %dma_wait3A_88, %dma_wait3A_89] : memref<4x128x32xf32, #tpu.memory_space<vmem>> -> memref<1x128x32xf32, #tpu.memory_space<vmem>>
      %dma_wait3A_91 = tpu.memref_squeeze %dma_wait3A_90 : memref<1x128x32xf32, #tpu.memory_space<vmem>> -> memref<128x32xf32, #tpu.memory_space<vmem>>
      %dma_wait3A_92 = arith.constant 0 : i32
      %dma_wait3A_93 = tpu.memref_slice %arg10[%dma_wait3A_87, %dma_wait3A_92] : memref<80x128xi32, #tpu.memory_space<vmem>> -> memref<1x128xi32, #tpu.memory_space<vmem>>
      %dma_wait3A_94 = tpu.memref_squeeze %dma_wait3A_93 : memref<1x128xi32, #tpu.memory_space<vmem>> -> memref<128xi32, #tpu.memory_space<vmem>>
      %dma_wait3A_95 = arith.constant 0 : i32
      %dma_wait3A_96 = arith.constant 0 : i32
      %dma_wait3A_97 = tpu.memref_slice %arg7[%dma_wait3A_95, %dma_wait3A_96] : memref<10240x32xf32, #tpu.memory_space<vmem_shared>> -> memref<10240x32xf32, #tpu.memory_space<vmem_shared>>
      tpu.wait_indirect_dma semaphore(%arg16 : memref<!tpu.dma_semaphore, #tpu.memory_space<semaphore_mem>>) src(%dma_wait3A_91 : memref<128x32xf32, #tpu.memory_space<vmem>>) dst(%dma_wait3A_97 : memref<10240x32xf32, #tpu.memory_space<vmem_shared>>)
      %lt3A = arith.constant 39 : i32
      %lt3A_98 = arith.cmpi slt, %scan3A_33, %lt3A : i32
      %convert_element_type3A_99 = arith.extui %lt3A_98 : i1 to i32
      %cond3A_100 = arith.constant 0 : i32
      %cond3A_101 = arith.cmpi ne, %convert_element_type3A_99, %cond3A_100 : i32
      scf.if %cond3A_101 {
        %add3A_115 = arith.constant 2 : i32
        %add3A_116 = arith.addi %mul3A_35, %add3A_115 : i32
        %dma_start3A_117 = arith.constant 0 : i32
        %dma_start3A_118 = arith.constant 0 : i32
        %dma_start3A_119 = arith.constant 0 : i32
        %dma_start3A_120 = tpu.memref_slice %arg11[%dma_start3A_117, %dma_start3A_118, %dma_start3A_119] : memref<4x128x32xf32, #tpu.memory_space<vmem>> -> memref<1x128x32xf32, #tpu.memory_space<vmem>>
        %dma_start3A_121 = tpu.memref_squeeze %dma_start3A_120 : memref<1x128x32xf32, #tpu.memory_space<vmem>> -> memref<128x32xf32, #tpu.memory_space<vmem>>
        %dma_start3A_122 = arith.constant 0 : i32
        %dma_start3A_123 = tpu.memref_slice %arg9[%add3A_116, %dma_start3A_122] : memref<80x128xi32, #tpu.memory_space<vmem>> -> memref<1x128xi32, #tpu.memory_space<vmem>>
        %dma_start3A_124 = tpu.memref_squeeze %dma_start3A_123 : memref<1x128xi32, #tpu.memory_space<vmem>> -> memref<128xi32, #tpu.memory_space<vmem>>
        %dma_start3A_125 = arith.constant 0 : i32
        %dma_start3A_126 = arith.constant 0 : i32
        %dma_start3A_127 = tpu.memref_slice %arg8[%dma_start3A_125, %dma_start3A_126] : memref<10240x32xf32, #tpu.memory_space<vmem_shared>> -> memref<10240x32xf32, #tpu.memory_space<vmem_shared>>
        tpu.enqueue_indirect_dma source(%dma_start3A_127 : memref<10240x32xf32, #tpu.memory_space<vmem_shared>>) target(%dma_start3A_121 : memref<128x32xf32, #tpu.memory_space<vmem>>) offsets(%dma_start3A_124 : memref<128xi32, #tpu.memory_space<vmem>>) semaphore(%arg12 : memref<!tpu.dma_semaphore, #tpu.memory_space<semaphore_mem>>)
      } else {
      }
      %add3A_102 = arith.constant 1 : i32
      %add3A_103 = arith.addi %mul3A_35, %add3A_102 : i32
      %dma_start3A_104 = arith.constant 1 : i32
      %dma_start3A_105 = arith.constant 0 : i32
      %dma_start3A_106 = arith.constant 0 : i32
      %dma_start3A_107 = tpu.memref_slice %arg11[%dma_start3A_104, %dma_start3A_105, %dma_start3A_106] : memref<4x128x32xf32, #tpu.memory_space<vmem>> -> memref<1x128x32xf32, #tpu.memory_space<vmem>>
      %dma_start3A_108 = tpu.memref_squeeze %dma_start3A_107 : memref<1x128x32xf32, #tpu.memory_space<vmem>> -> memref<128x32xf32, #tpu.memory_space<vmem>>
      %dma_start3A_109 = arith.constant 0 : i32
      %dma_start3A_110 = tpu.memref_slice %arg10[%add3A_103, %dma_start3A_109] : memref<80x128xi32, #tpu.memory_space<vmem>> -> memref<1x128xi32, #tpu.memory_space<vmem>>
      %dma_start3A_111 = tpu.memref_squeeze %dma_start3A_110 : memref<1x128xi32, #tpu.memory_space<vmem>> -> memref<128xi32, #tpu.memory_space<vmem>>
      %dma_start3A_112 = arith.constant 0 : i32
      %dma_start3A_113 = arith.constant 0 : i32
      %dma_start3A_114 = tpu.memref_slice %arg7[%dma_start3A_112, %dma_start3A_113] : memref<10240x32xf32, #tpu.memory_space<vmem_shared>> -> memref<10240x32xf32, #tpu.memory_space<vmem_shared>>
      tpu.enqueue_indirect_dma source(%dma_start3A_108 : memref<128x32xf32, #tpu.memory_space<vmem>>) target(%dma_start3A_114 : memref<10240x32xf32, #tpu.memory_space<vmem_shared>>) offsets(%dma_start3A_111 : memref<128xi32, #tpu.memory_space<vmem>>) semaphore(%arg17 : memref<!tpu.dma_semaphore, #tpu.memory_space<semaphore_mem>>) {add = true}
    }
    %scan3A_20 = arith.constant 40 : i32
    %dma_wait3A = arith.constant 1 : i32
    %dma_wait3A_21 = arith.constant 0 : i32
    %dma_wait3A_22 = arith.constant 0 : i32
    %dma_wait3A_23 = arith.constant 0 : i32
    %dma_wait3A_24 = tpu.memref_slice %arg11[%dma_wait3A, %dma_wait3A_22, %dma_wait3A_23] : memref<4x128x32xf32, #tpu.memory_space<vmem>> -> memref<1x128x32xf32, #tpu.memory_space<vmem>>
    %dma_wait3A_25 = tpu.memref_squeeze %dma_wait3A_24 : memref<1x128x32xf32, #tpu.memory_space<vmem>> -> memref<128x32xf32, #tpu.memory_space<vmem>>
    %dma_wait3A_26 = arith.constant 0 : i32
    %dma_wait3A_27 = tpu.memref_slice %arg10[%dma_wait3A_21, %dma_wait3A_26] : memref<80x128xi32, #tpu.memory_space<vmem>> -> memref<1x128xi32, #tpu.memory_space<vmem>>
    %dma_wait3A_28 = tpu.memref_squeeze %dma_wait3A_27 : memref<1x128xi32, #tpu.memory_space<vmem>> -> memref<128xi32, #tpu.memory_space<vmem>>
    %dma_wait3A_29 = arith.constant 0 : i32
    %dma_wait3A_30 = arith.constant 0 : i32
    %dma_wait3A_31 = tpu.memref_slice %arg7[%dma_wait3A_29, %dma_wait3A_30] : memref<10240x32xf32, #tpu.memory_space<vmem_shared>> -> memref<10240x32xf32, #tpu.memory_space<vmem_shared>>
    tpu.wait_indirect_dma semaphore(%arg17 : memref<!tpu.dma_semaphore, #tpu.memory_space<semaphore_mem>>) src(%dma_wait3A_25 : memref<128x32xf32, #tpu.memory_space<vmem>>) dst(%dma_wait3A_31 : memref<10240x32xf32, #tpu.memory_space<vmem_shared>>)
    %barrier3A_32 = arith.constant 0 : index
    tpu.barrier barrier_id(%barrier3A_32)
    "tpu.region"() ({
      %run_scoped3A = tpu.sem_alloc : memref<!tpu.dma_semaphore, #tpu.memory_space<semaphore_mem>>
      %dma_start3A_33 = arith.constant 0 : i32
      %dma_start3A_34 = tpu.memref_slice %arg6[%arg0, %mul3A_2, %dma_start3A_33] : memref<2x10240x32xf32, #tpu.memory_space<hbm>> -> memref<1x640x32xf32, #tpu.memory_space<hbm>>
      %dma_start3A_35 = tpu.memref_squeeze %dma_start3A_34 : memref<1x640x32xf32, #tpu.memory_space<hbm>> -> memref<640x32xf32, #tpu.memory_space<hbm>>
      %dma_start3A_36 = arith.constant 0 : i32
      %dma_start3A_37 = tpu.memref_slice %arg7[%mul3A_2, %dma_start3A_36] : memref<10240x32xf32, #tpu.memory_space<vmem_shared>> -> memref<640x32xf32, #tpu.memory_space<vmem_shared>>
      tpu.enqueue_dma source(%dma_start3A_37 : memref<640x32xf32, #tpu.memory_space<vmem_shared>>) target(%dma_start3A_35 : memref<640x32xf32, #tpu.memory_space<hbm>>) target_semaphore(%run_scoped3A : memref<!tpu.dma_semaphore, #tpu.memory_space<semaphore_mem>>)
      %dma_wait3A_38 = arith.constant 0 : i32
      %dma_wait3A_39 = tpu.memref_slice %arg6[%arg0, %mul3A_2, %dma_wait3A_38] : memref<2x10240x32xf32, #tpu.memory_space<hbm>> -> memref<1x640x32xf32, #tpu.memory_space<hbm>>
      %dma_wait3A_40 = tpu.memref_squeeze %dma_wait3A_39 : memref<1x640x32xf32, #tpu.memory_space<hbm>> -> memref<640x32xf32, #tpu.memory_space<hbm>>
      %dma_wait3A_41 = arith.constant 0 : i32
      %dma_wait3A_42 = tpu.memref_slice %arg7[%mul3A_2, %dma_wait3A_41] : memref<10240x32xf32, #tpu.memory_space<vmem_shared>> -> memref<640x32xf32, #tpu.memory_space<vmem_shared>>
      tpu.wait_dma2 semaphore(%run_scoped3A : memref<!tpu.dma_semaphore, #tpu.memory_space<semaphore_mem>>) src(%dma_wait3A_42 : memref<640x32xf32, #tpu.memory_space<vmem_shared>>) dst(%dma_wait3A_40 : memref<640x32xf32, #tpu.memory_space<hbm>>)
      tpu.yield
    }) : () -> ()
    return
  }
}

module attributes {stable_mosaic.version = 14 : i64} {
  func.func @_proj4_body(%arg0: memref<10240x128xf32, #tpu.memory_space<vmem>>, %arg1: memref<10240x128xf32, #tpu.memory_space<vmem>>, %arg2: memref<128x32xf32, #tpu.memory_space<vmem>>, %arg3: memref<128x32xf32, #tpu.memory_space<vmem>>, %arg4: memref<128x32xf32, #tpu.memory_space<vmem>>, %arg5: memref<128x32xf32, #tpu.memory_space<vmem>>, %arg6: memref<10240x32xf32, #tpu.memory_space<vmem>>, %arg7: memref<10240x32xf32, #tpu.memory_space<vmem>>, %arg8: memref<10240x32xf32, #tpu.memory_space<vmem>>, %arg9: memref<10240x32xf32, #tpu.memory_space<vmem>>) attributes {dimension_semantics = [], scalar_prefetch = 0 : i64, scratch_operands = 0 : i64, tpu.core_type = #tpu.core_type<tc>} {
    %get3A = arith.constant 0 : index
    %get3A_0 = arith.constant 0 : index
    %get3A_1 = vector.load %arg0[%get3A, %get3A_0] : memref<10240x128xf32, #tpu.memory_space<vmem>>, vector<10240x128xf32>
    %get3A_2 = arith.constant 0 : index
    %get3A_3 = arith.constant 0 : index
    %get3A_4 = vector.load %arg2[%get3A_2, %get3A_3] : memref<128x32xf32, #tpu.memory_space<vmem>>, vector<128x32xf32>
    %dot_general3A = arith.constant dense<0.000000e+00> : vector<10240x32xf32>
    %dot_general3A_5 = tpu.matmul %get3A_1, %get3A_4, %dot_general3A {dimension_numbers = #tpu.dot_dimension_numbers<[1], [0], [0], [1], [0, 0, 1, 1], [], []>, transpose_lhs_hint = false} : vector<10240x128xf32>, vector<128x32xf32>, vector<10240x32xf32> -> vector<10240x32xf32>
    %swap3A = arith.constant 0 : index
    %swap3A_6 = arith.constant 0 : index
    %swap3A_7 = vector.load %arg6[%swap3A, %swap3A_6] : memref<10240x32xf32, #tpu.memory_space<vmem>>, vector<10240x32xf32>
    tpu.vector_store %arg6[%swap3A, %swap3A_6], %dot_general3A_5 {strides = array<i32>} : memref<10240x32xf32, #tpu.memory_space<vmem>>, vector<10240x32xf32>,
    %get3A_8 = arith.constant 0 : index
    %get3A_9 = arith.constant 0 : index
    %get3A_10 = vector.load %arg0[%get3A_8, %get3A_9] : memref<10240x128xf32, #tpu.memory_space<vmem>>, vector<10240x128xf32>
    %get3A_11 = arith.constant 0 : index
    %get3A_12 = arith.constant 0 : index
    %get3A_13 = vector.load %arg3[%get3A_11, %get3A_12] : memref<128x32xf32, #tpu.memory_space<vmem>>, vector<128x32xf32>
    %dot_general3A_14 = arith.constant dense<0.000000e+00> : vector<10240x32xf32>
    %dot_general3A_15 = tpu.matmul %get3A_10, %get3A_13, %dot_general3A_14 {dimension_numbers = #tpu.dot_dimension_numbers<[1], [0], [0], [1], [0, 0, 1, 1], [], []>, transpose_lhs_hint = false} : vector<10240x128xf32>, vector<128x32xf32>, vector<10240x32xf32> -> vector<10240x32xf32>
    %swap3A_16 = arith.constant 0 : index
    %swap3A_17 = arith.constant 0 : index
    %swap3A_18 = vector.load %arg7[%swap3A_16, %swap3A_17] : memref<10240x32xf32, #tpu.memory_space<vmem>>, vector<10240x32xf32>
    tpu.vector_store %arg7[%swap3A_16, %swap3A_17], %dot_general3A_15 {strides = array<i32>} : memref<10240x32xf32, #tpu.memory_space<vmem>>, vector<10240x32xf32>,
    %get3A_19 = arith.constant 0 : index
    %get3A_20 = arith.constant 0 : index
    %get3A_21 = vector.load %arg1[%get3A_19, %get3A_20] : memref<10240x128xf32, #tpu.memory_space<vmem>>, vector<10240x128xf32>
    %get3A_22 = arith.constant 0 : index
    %get3A_23 = arith.constant 0 : index
    %get3A_24 = vector.load %arg4[%get3A_22, %get3A_23] : memref<128x32xf32, #tpu.memory_space<vmem>>, vector<128x32xf32>
    %dot_general3A_25 = arith.constant dense<0.000000e+00> : vector<10240x32xf32>
    %dot_general3A_26 = tpu.matmul %get3A_21, %get3A_24, %dot_general3A_25 {dimension_numbers = #tpu.dot_dimension_numbers<[1], [0], [0], [1], [0, 0, 1, 1], [], []>, transpose_lhs_hint = false} : vector<10240x128xf32>, vector<128x32xf32>, vector<10240x32xf32> -> vector<10240x32xf32>
    %swap3A_27 = arith.constant 0 : index
    %swap3A_28 = arith.constant 0 : index
    %swap3A_29 = vector.load %arg8[%swap3A_27, %swap3A_28] : memref<10240x32xf32, #tpu.memory_space<vmem>>, vector<10240x32xf32>
    tpu.vector_store %arg8[%swap3A_27, %swap3A_28], %dot_general3A_26 {strides = array<i32>} : memref<10240x32xf32, #tpu.memory_space<vmem>>, vector<10240x32xf32>,
    %get3A_30 = arith.constant 0 : index
    %get3A_31 = arith.constant 0 : index
    %get3A_32 = vector.load %arg1[%get3A_30, %get3A_31] : memref<10240x128xf32, #tpu.memory_space<vmem>>, vector<10240x128xf32>
    %get3A_33 = arith.constant 0 : index
    %get3A_34 = arith.constant 0 : index
    %get3A_35 = vector.load %arg5[%get3A_33, %get3A_34] : memref<128x32xf32, #tpu.memory_space<vmem>>, vector<128x32xf32>
    %dot_general3A_36 = arith.constant dense<0.000000e+00> : vector<10240x32xf32>
    %dot_general3A_37 = tpu.matmul %get3A_32, %get3A_35, %dot_general3A_36 {dimension_numbers = #tpu.dot_dimension_numbers<[1], [0], [0], [1], [0, 0, 1, 1], [], []>, transpose_lhs_hint = false} : vector<10240x128xf32>, vector<128x32xf32>, vector<10240x32xf32> -> vector<10240x32xf32>
    %swap3A_38 = arith.constant 0 : index
    %swap3A_39 = arith.constant 0 : index
    %swap3A_40 = vector.load %arg9[%swap3A_38, %swap3A_39] : memref<10240x32xf32, #tpu.memory_space<vmem>>, vector<10240x32xf32>
    tpu.vector_store %arg9[%swap3A_38, %swap3A_39], %dot_general3A_37 {strides = array<i32>} : memref<10240x32xf32, #tpu.memory_space<vmem>>, vector<10240x32xf32>,
    return
  }
}

module attributes {stable_mosaic.version = 14 : i64} {
  func.func @_mid_body(%arg0: memref<2x10240x32xf32, #tpu.memory_space<vmem>>, %arg1: memref<2x10240x16xf32, #tpu.memory_space<vmem>>, %arg2: memref<10240x32xf32, #tpu.memory_space<vmem>>, %arg3: memref<1x32xf32, #tpu.memory_space<vmem>>, %arg4: memref<32x32xf32, #tpu.memory_space<vmem>>, %arg5: memref<32x32xf32, #tpu.memory_space<vmem>>, %arg6: memref<10240x32xf32, #tpu.memory_space<vmem>>, %arg7: memref<10240x32xf32, #tpu.memory_space<vmem>>) attributes {dimension_semantics = [], scalar_prefetch = 0 : i64, scratch_operands = 0 : i64, tpu.core_type = #tpu.core_type<tc>} {
    %get3A = arith.constant 0 : index
    %get3A_0 = arith.constant 0 : index
    %get3A_1 = arith.constant 0 : index
    %get3A_2 = vector.load %arg0[%get3A, %get3A_0, %get3A_1] : memref<2x10240x32xf32, #tpu.memory_space<vmem>>, vector<1x10240x32xf32>
    %get3A_3 = vector.shape_cast %get3A_2 : vector<1x10240x32xf32> to vector<10240x32xf32>
    %get3A_4 = arith.constant 1 : index
    %get3A_5 = arith.constant 0 : index
    %get3A_6 = arith.constant 0 : index
    %get3A_7 = vector.load %arg0[%get3A_4, %get3A_5, %get3A_6] : memref<2x10240x32xf32, #tpu.memory_space<vmem>>, vector<1x10240x32xf32>
    %get3A_8 = vector.shape_cast %get3A_7 : vector<1x10240x32xf32> to vector<10240x32xf32>
    %add3A = arith.addf %get3A_3, %get3A_8 : vector<10240x32xf32>
    %get3A_9 = arith.constant 0 : index
    %get3A_10 = arith.constant 0 : index
    %get3A_11 = arith.constant 0 : index
    %get3A_12 = vector.load %arg1[%get3A_9, %get3A_10, %get3A_11] : memref<2x10240x16xf32, #tpu.memory_space<vmem>>, vector<1x10240x1xf32>
    %get3A_13 = vector.shape_cast %get3A_12 : vector<1x10240x1xf32> to vector<10240x1xf32>
    %get3A_14 = arith.constant 1 : index
    %get3A_15 = arith.constant 0 : index
    %get3A_16 = arith.constant 0 : index
    %get3A_17 = vector.load %arg1[%get3A_14, %get3A_15, %get3A_16] : memref<2x10240x16xf32, #tpu.memory_space<vmem>>, vector<1x10240x1xf32>
    %get3A_18 = vector.shape_cast %get3A_17 : vector<1x10240x1xf32> to vector<10240x1xf32>
    %add3A_19 = arith.addf %get3A_13, %get3A_18 : vector<10240x1xf32>
    %max3A = arith.constant 1.000000e+00 : f32
    %max3A_20 = vector.broadcast %max3A : f32 to vector<10240x1xf32>
    %max3A_21 = arith.maximumf %add3A_19, %max3A_20 : vector<10240x1xf32>
    %div3A = vector.broadcast %max3A_21 : vector<10240x1xf32> to vector<10240x32xf32>
    %div3A_22 = arith.divf %add3A, %div3A : vector<10240x32xf32>
    %get3A_23 = arith.constant 0 : index
    %get3A_24 = arith.constant 0 : index
    %get3A_25 = vector.load %arg3[%get3A_23, %get3A_24] : memref<1x32xf32, #tpu.memory_space<vmem>>, vector<1x32xf32>
    %add3A_26 = vector.broadcast %get3A_25 : vector<1x32xf32> to vector<10240x32xf32>
    %add3A_27 = arith.addf %div3A_22, %add3A_26 : vector<10240x32xf32>
    %get3A_28 = arith.constant 0 : index
    %get3A_29 = arith.constant 0 : index
    %get3A_30 = vector.load %arg2[%get3A_28, %get3A_29] : memref<10240x32xf32, #tpu.memory_space<vmem>>, vector<10240x32xf32>
    %add3A_31 = arith.addf %add3A_27, %get3A_30 : vector<10240x32xf32>
    %max3A_32 = arith.constant 0.000000e+00 : f32
    %max3A_33 = vector.broadcast %max3A_32 : f32 to vector<10240x32xf32>
    %max3A_34 = arith.maximumf %add3A_31, %max3A_33 : vector<10240x32xf32>
    %get3A_35 = arith.constant 0 : index
    %get3A_36 = arith.constant 0 : index
    %get3A_37 = vector.load %arg4[%get3A_35, %get3A_36] : memref<32x32xf32, #tpu.memory_space<vmem>>, vector<32x32xf32>
    %dot_general3A = arith.constant dense<0.000000e+00> : vector<10240x32xf32>
    %dot_general3A_38 = tpu.matmul %max3A_34, %get3A_37, %dot_general3A {dimension_numbers = #tpu.dot_dimension_numbers<[1], [0], [0], [1], [0, 0, 1, 1], [], []>, transpose_lhs_hint = false} : vector<10240x32xf32>, vector<32x32xf32>, vector<10240x32xf32> -> vector<10240x32xf32>
    %swap3A = arith.constant 0 : index
    %swap3A_39 = arith.constant 0 : index
    %swap3A_40 = vector.load %arg6[%swap3A, %swap3A_39] : memref<10240x32xf32, #tpu.memory_space<vmem>>, vector<10240x32xf32>
    tpu.vector_store %arg6[%swap3A, %swap3A_39], %dot_general3A_38 {strides = array<i32>} : memref<10240x32xf32, #tpu.memory_space<vmem>>, vector<10240x32xf32>,
    %get3A_41 = arith.constant 0 : index
    %get3A_42 = arith.constant 0 : index
    %get3A_43 = vector.load %arg5[%get3A_41, %get3A_42] : memref<32x32xf32, #tpu.memory_space<vmem>>, vector<32x32xf32>
    %dot_general3A_44 = arith.constant dense<0.000000e+00> : vector<10240x32xf32>
    %dot_general3A_45 = tpu.matmul %max3A_34, %get3A_43, %dot_general3A_44 {dimension_numbers = #tpu.dot_dimension_numbers<[1], [0], [0], [1], [0, 0, 1, 1], [], []>, transpose_lhs_hint = false} : vector<10240x32xf32>, vector<32x32xf32>, vector<10240x32xf32> -> vector<10240x32xf32>
    %swap3A_46 = arith.constant 0 : index
    %swap3A_47 = arith.constant 0 : index
    %swap3A_48 = vector.load %arg7[%swap3A_46, %swap3A_47] : memref<10240x32xf32, #tpu.memory_space<vmem>>, vector<10240x32xf32>
    tpu.vector_store %arg7[%swap3A_46, %swap3A_47], %dot_general3A_45 {strides = array<i32>} : memref<10240x32xf32, #tpu.memory_space<vmem>>, vector<10240x32xf32>,
    return
  }
}

module attributes {stable_mosaic.version = 14 : i64} {
  func.func @_fin_body(%arg0: memref<2x10240x32xf32, #tpu.memory_space<vmem>>, %arg1: memref<2x10240x16xf32, #tpu.memory_space<vmem>>, %arg2: memref<10240x32xf32, #tpu.memory_space<vmem>>, %arg3: memref<1x32xf32, #tpu.memory_space<vmem>>, %arg4: memref<10000x32xf32, #tpu.memory_space<vmem>>) attributes {dimension_semantics = [], scalar_prefetch = 0 : i64, scratch_operands = 0 : i64, tpu.core_type = #tpu.core_type<tc>} {
    %get3A = arith.constant 0 : index
    %get3A_0 = arith.constant 0 : index
    %get3A_1 = arith.constant 0 : index
    %get3A_2 = vector.load %arg0[%get3A, %get3A_0, %get3A_1] : memref<2x10240x32xf32, #tpu.memory_space<vmem>>, vector<1x10240x32xf32>
    %get3A_3 = vector.shape_cast %get3A_2 : vector<1x10240x32xf32> to vector<10240x32xf32>
    %get3A_4 = arith.constant 1 : index
    %get3A_5 = arith.constant 0 : index
    %get3A_6 = arith.constant 0 : index
    %get3A_7 = vector.load %arg0[%get3A_4, %get3A_5, %get3A_6] : memref<2x10240x32xf32, #tpu.memory_space<vmem>>, vector<1x10240x32xf32>
    %get3A_8 = vector.shape_cast %get3A_7 : vector<1x10240x32xf32> to vector<10240x32xf32>
    %add3A = arith.addf %get3A_3, %get3A_8 : vector<10240x32xf32>
    %get3A_9 = arith.constant 0 : index
    %get3A_10 = arith.constant 0 : index
    %get3A_11 = arith.constant 0 : index
    %get3A_12 = vector.load %arg1[%get3A_9, %get3A_10, %get3A_11] : memref<2x10240x16xf32, #tpu.memory_space<vmem>>, vector<1x10240x1xf32>
    %get3A_13 = vector.shape_cast %get3A_12 : vector<1x10240x1xf32> to vector<10240x1xf32>
    %get3A_14 = arith.constant 1 : index
    %get3A_15 = arith.constant 0 : index
    %get3A_16 = arith.constant 0 : index
    %get3A_17 = vector.load %arg1[%get3A_14, %get3A_15, %get3A_16] : memref<2x10240x16xf32, #tpu.memory_space<vmem>>, vector<1x10240x1xf32>
    %get3A_18 = vector.shape_cast %get3A_17 : vector<1x10240x1xf32> to vector<10240x1xf32>
    %add3A_19 = arith.addf %get3A_13, %get3A_18 : vector<10240x1xf32>
    %max3A = arith.constant 1.000000e+00 : f32
    %max3A_20 = vector.broadcast %max3A : f32 to vector<10240x1xf32>
    %max3A_21 = arith.maximumf %add3A_19, %max3A_20 : vector<10240x1xf32>
    %div3A = vector.broadcast %max3A_21 : vector<10240x1xf32> to vector<10240x32xf32>
    %div3A_22 = arith.divf %add3A, %div3A : vector<10240x32xf32>
    %get3A_23 = arith.constant 0 : index
    %get3A_24 = arith.constant 0 : index
    %get3A_25 = vector.load %arg3[%get3A_23, %get3A_24] : memref<1x32xf32, #tpu.memory_space<vmem>>, vector<1x32xf32>
    %add3A_26 = vector.broadcast %get3A_25 : vector<1x32xf32> to vector<10240x32xf32>
    %add3A_27 = arith.addf %div3A_22, %add3A_26 : vector<10240x32xf32>
    %get3A_28 = arith.constant 0 : index
    %get3A_29 = arith.constant 0 : index
    %get3A_30 = vector.load %arg2[%get3A_28, %get3A_29] : memref<10240x32xf32, #tpu.memory_space<vmem>>, vector<10240x32xf32>
    %add3A_31 = arith.addf %add3A_27, %get3A_30 : vector<10240x32xf32>
    %max3A_32 = arith.constant 0.000000e+00 : f32
    %max3A_33 = vector.broadcast %max3A_32 : f32 to vector<10240x32xf32>
    %max3A_34 = arith.maximumf %add3A_31, %max3A_33 : vector<10240x32xf32>
    %slice3A = vector.extract_strided_slice %max3A_34 {offsets = [0, 0], sizes = [10000, 32], strides = [1, 1]} : vector<10240x32xf32> to vector<10000x32xf32>
    %swap3A = arith.constant 0 : index
    %swap3A_35 = arith.constant 0 : index
    %swap3A_36 = vector.load %arg4[%swap3A, %swap3A_35] : memref<10000x32xf32, #tpu.memory_space<vmem>>, vector<10000x32xf32>
    tpu.vector_store %arg4[%swap3A, %swap3A_35], %slice3A {strides = array<i32>} : memref<10000x32xf32, #tpu.memory_space<vmem>>, vector<10000x32xf32>,
    return
  }
}

</mosaic_0001>

<sc_bundles>
// kernel: kernel.11.cloned.1.call-start
scs
__scs_entry_jumppad:
0x0: {  	(pc) =	sbr.rel $0x88, $3  }
0x1: {  	(tag) =	ssettag $0x0;
	lr =	simm.s32 $0x1  }
0x2: {  	[smem:$0x3F91] =	sst lr;
	_ =	strace $0xD0000000  }
0x3: {  	_ = 	snop  }
0x4: {  	_ = 	snop  }
0x5: {  	_ = 	snop  }
0x6: {  	_ = 	snop  }
0x7: {  	_ = 	snop  }
__scs_overlays_trampoline_lowered:
0x8: {  	[smem:$0x3FA0] =	sst s0  }
0x9: {  	[smem:$0x3FA1] =	sst s1  }
0xa: {  	[smem:$0x3FA2] =	sst s2  }
0xb: {  	[smem:$0x3FA3] =	sst s3  }
0xc: {  	[smem:$0x3FA4] =	sst s4  }
0xd: {  	[smem:$0x3FA5] =	sst s5  }
0xe: {  	[smem:$0x3FA6] =	sst s6  }
0xf: {  	[smem:$0x3FA7] =	sst s7  }
0x10: {  	[smem:$0x3FA8] =	sst s8  }
0x11: {  	[smem:$0x3FA9] =	sst s9;
	s0 =	simm.s32 @!p0 $0x0  }
0x12: {  	s1 =	sld [smem:$0x3F8F];
	s0 =	simm.s32 @p0 $0x1  }
0x13: {  	[smem:$0x3FAA] =	sst s0;
	s0 =	simm.s32 @!p1 $0x0  }
0x14: {  	s2 =	sld [smem:$0x3F8E];
	s0 =	simm.s32 @p1 $0x1  }
0x15: {  	[smem:$0x3FAB] =	sst s0;
	s0 =	simm.s32 @!p2 $0x0  }
0x16: {  	s3 =	sld [smem:$0x3FDB];
	s0 =	simm.s32 @p2 $0x1  }
0x17: {  	s4 =	simm.s32 $0x1BF5;
	[smem:$0x3FAD] =	sst s0  }
0x18: {  	s0 =	sld [smem:$0x3F90];
	_ =	swait.ge [sflag:s4], $0x0  }
0x19: {  	s7 =	sld [smem:$0x3F91]  }
0x1a: {  	s8 =	sadd.s32 $0xFFFFE003, lr  }
0x1b: {  	s9 =	sadd.s32 $0xFFFFFEF7, lr;
	s5 =	simm.s32 $0xFFFFFFFF;
	p2 =	slt.u32 s8, $0xFFFFF086  }
0x1c: {  	p1 =	slt.u32 s9, $0xF7A;
	s5 =	simm.s32 @!p2 $0x0  }
0x1d: {  	s5 =	simm.s32 @p1 $0x1;
	p0 =	seq.s32 s7, s2  }
0x1e: {  	s7 =	smul.u32 @!p0 $0xF7A, s2;
	p2 =	seq.s32 @!p0 s5, $0x0  }
0x1f: {  	s9 =	smul.u32 $0xF7A, s1;
	s8 =	simm.s32 @!p0 $0x1BF5;
	p2 =	por !p2, p0  }
0x20: {  	[sflag:s8] =	ssyncset.s32 @!p0 $0xFFFFF086;
	s6 =	sadd.s32 @!p0 s3, s7;
	s7 =	simm.s32 @!p0 $0x108  }
0x21: {  	s3 =	sadd.s32 s3, s9;
	s6 =	sadd.s32 @!p0 $0x88, s6;
	s7 =	simm.s32 @p2 $0x1082  }
0x22: {  	[simem:s7], [sflag:s8] =	dma.local @!p0 [hbm:s6], $0xF7A  }
0x23: {  	s9 =	sor.u32 $0xD0000000, s2;
	s6 =	simm.s32 $0x108;
	_ =	swait.ge @!p0 [sflag:s8], $0x0  }
0x24: {  	s3 =	sadd.s32 $0x88, s3;
	s6 =	simm.s32 @!p1 $0x1082;
	[sflag:s4] =	ssyncset.s32 $0xFFFFF086  }
0x25: {  	[simem:s6], [sflag:s4] =	dma.local [hbm:s3], $0xF7A  }
0x26: {  	[smem:$0x3F91] =	sst s1;
	(tag) =	ssettag s2;
	_ =	strace s9  }
0x27: {  	s1 =	sld [smem:$0x3FA1]  }
0x28: {  	s2 =	sld [smem:$0x3FA2]  }
0x29: {  	s4 =	sld [smem:$0x3FA4]  }
0x2a: {  	p0 =	seq.s32 s5, $0x0;
	s5 =	sld [smem:$0x3FA5]  }
0x2b: {  	s6 =	sld [smem:$0x3FA6]  }
0x2c: {  	s7 =	sld [smem:$0x3FA7]  }
0x2d: {  	s3 =	simm.s32 $0x108;
	s8 =	sld [smem:$0x3FA8]  }
0x2e: {  	s3 =	simm.s32 @!p0 $0x1082;
	s9 =	sld [smem:$0x3FA9]  }
0x2f: {  	lr =	sadd.s32 s0, s3;
	s0 =	sld [smem:$0x3FA0]  }
0x30: {  	s3 =	sld [smem:$0x3FA3]  }
0x31: {  	[smem:$0x3FAC] =	sst s10  }
0x32: {  	s10 =	sld [smem:$0x3FAA];
	_ =	sdelay $0x3  }
0x33: {  	p0 =	seq.s32 s10, $0x1;
	s10 =	sld [smem:$0x3FAC];
	_ =	sdelay $0x3  }
0x34: {  	[smem:$0x3FAC] =	sst s10  }
0x35: {  	s10 =	sld [smem:$0x3FAB];
	_ =	sdelay $0x3  }
0x36: {  	p1 =	seq.s32 s10, $0x1;
	s10 =	sld [smem:$0x3FAC];
	_ =	sdelay $0x3  }
0x37: {  	[smem:$0x3FAC] =	sst s10  }
0x38: {  	s10 =	sld [smem:$0x3FAD]  }
0x39: {  	_ = 	snop;
	(pc) =	sbr.ind lr, $3  }
0x3a: {  	_ = 	snop  }
0x3b: {  	_ = 	snop  }
0x3c: {  	p2 =	seq.s32 s10, $0x1;
	s10 =	sld [smem:$0x3FAC]  }
0x3d: {  	_ =	shalt  }
0x3e: {  	_ =	shalt  }
0x3f: {  	_ =	shalt  }
0x40: {  	_ =	shalt  }
0x41: {  	_ =	shalt  }
0x42: {  	_ =	shalt  }
0x43: {  	_ =	shalt  }
0x44: {  	_ =	shalt  }
0x45: {  	_ =	shalt  }
0x46: {  	_ =	shalt  }
0x47: {  	_ =	shalt  }
0x48: {  	_ =	shalt  }
0x49: {  	_ =	shalt  }
0x4a: {  	_ =	shalt  }
0x4b: {  	_ =	shalt  }
0x4c: {  	_ =	shalt  }
0x4d: {  	_ =	shalt  }
0x4e: {  	_ =	shalt  }
0x4f: {  	_ =	shalt  }
0x50: {  	_ =	shalt  }
0x51: {  	_ =	shalt  }
0x52: {  	_ =	shalt  }
0x53: {  	_ =	shalt  }
0x54: {  	_ =	shalt  }
0x55: {  	_ =	shalt  }
0x56: {  	_ =	shalt  }
0x57: {  	_ =	shalt  }
0x58: {  	_ =	shalt  }
0x59: {  	_ =	shalt  }
0x5a: {  	_ =	shalt  }
0x5b: {  	_ =	shalt  }
0x5c: {  	_ =	shalt  }
0x5d: {  	_ =	shalt  }
0x5e: {  	_ =	shalt  }
0x5f: {  	_ =	shalt  }
0x60: {  	_ =	shalt  }
0x61: {  	_ =	shalt  }
0x62: {  	_ =	shalt  }
0x63: {  	_ =	shalt  }
0x64: {  	_ =	shalt  }
0x65: {  	_ =	shalt  }
0x66: {  	_ =	shalt  }
0x67: {  	_ =	shalt  }
0x68: {  	_ =	shalt  }
0x69: {  	_ =	shalt  }
0x6a: {  	_ =	shalt  }
0x6b: {  	_ =	shalt  }
0x6c: {  	_ =	shalt  }
0x6d: {  	_ =	shalt  }
0x6e: {  	_ =	shalt  }
0x6f: {  	_ =	shalt  }
0x70: {  	_ =	shalt  }
0x71: {  	_ =	shalt  }
0x72: {  	_ =	shalt  }
0x73: {  	_ =	shalt  }
0x74: {  	_ =	shalt  }
0x75: {  	_ =	shalt  }
0x76: {  	_ =	shalt  }
0x77: {  	_ =	shalt  }
0x78: {  	_ =	shalt  }
0x79: {  	_ =	shalt  }
0x7a: {  	_ =	shalt  }
0x7b: {  	_ =	shalt  }
0x7c: {  	_ =	shalt  }
0x7d: {  	_ =	shalt  }
0x7e: {  	_ =	shalt  }
0x7f: {  	_ =	shalt  }
0x80: {  	_ =	shalt  }
0x81: {  	_ =	shalt  }
0x82: {  	_ =	shalt  }
0x83: {  	_ =	shalt  }
0x84: {  	_ =	shalt  }
0x85: {  	_ =	shalt  }
0x86: {  	_ =	shalt  }
0x87: {  	_ =	shalt  }
.Lfunc_end0:
.L_simem_size_0:
called_computation_lowered:
.L_overlay_start_0:
0x88: {  	s2 =	sld [smem:$0x3FD9]  }
0x89: {  	s3 =	sld [smem:$0x3FFE];
	_ =	sdelay $0x1  }
0x8a: {  	s1 =	srdreg.scid  }
0x8b: {  	s0 =	sand.u32 $0x1, s1  }
0x8c: {  	s14 =	sshll.u32 s0, $0xA;
	s2 =	sadd.s32 s3, s2  }
0x8d: {  	s2 =	sadd.s32 s2, s14  }
0x8e: {  	[smem:$0x3FB8] =	sst s2  }
0x8f: {  	_ = 	snop  }
0x90: {  	s2 =	sld [smem:$0x3FD0];
	_ =	sdelay $0x2  }
0x91: {  	s15 =	simm.s32 $0xB;
	s4 =	simm.s32 $0x10  }
0x92: {  	[smem:s4], [sflag:s15] =	dma.local [hbm:s2], $0x1  }
0x93: {  	_ =	swait.eq [sflag:s15], $0x1  }
0x94: {  	[sflag:s15] =	ssyncset.done $0x0  }
0x95: {  	s16 =	sld [smem:$0x10];
	[sflag:s15] =	ssyncadd.s32 $0xFFFFFFFF  }
0x96: {  	s17 =	sld [smem:$0x11];
	(tm) =	ssettm $0x1  }
0x97: {  	s18 =	sld [smem:$0x3FFB];
	_ =	sdelay $0x3  }
0x98: {  	_ =	strace s18  }
0x99: {  	s4 =	sld [smem:$0x3FFC];
	_ =	sdelay $0x3  }
0x9a: {  	_ =	strace s4  }
0x9b: {  	s4 =	sld [smem:$0x3FFD];
	_ =	sdelay $0x3  }
0x9c: {  	_ =	strace s4  }
0x9d: {  	_ =	strace $0x8FFFFFFF  }
0x9e: {  	s19 =	sld [smem:$0x3FDB];
	_ =	sdelay $0x1  }
0x9f: {  	s5 =	simm.s32 $_scs_section_size  }
0xa0: {  	s6 =	simm.s32 $_size__tile_overlayer_lowered;
	s7 =	simm.s32 $_tile_overlayer_lowered  }
0xa1: {  	s22 =	simm.s32 $0x1BFF;
	s21 =	sshll.u32 s7, $0x1;
	s4 =	sadd.s32 s5, s19  }
0xa2: {  	s8 =	simm.s32 $0x0;
	s20 =	sshll.u32 s6, $0x1;
	s6 =	sadd.s32 s21, s4  }
0xa3: {  	[timem:s8], [sflag:s22] =	dma.local [hbm:s6], s20  }
0xa4: {  	_ =	swait.ge [sflag:s22], s20  }
0xa5: {  	s5 =	ssub.s32 $0x0, s20;
	[sflag:s22] =	ssyncset.done $0x0  }
0xa6: {  	[sflag:s22] =	ssyncadd.s32 s5;
	_ =	sdelay $0x1  }
0xa7: {  	s23 =	simm.s32 $0x1B8B  }
0xa8: {  	_ =	swait.ge [sflag:s23], $0x1  }
0xa9: {  	[sflag:s23] =	ssyncset.done $0x0  }
0xaa: {  	s25 =	simm.s32 $0x1B8E;
	s24 =	sld [smem:$0x3FFE];
	[sflag:s23] =	ssyncadd.s32 $0xFFFFFFFF  }
0xab: {  	s26 =	simm.s32 $execute0_lowered;
	[smem:$0x3FD2] =	sst s25  }
0xac: {  	s6 =	sshll.u32 s26, $0x1;
	_ =	strace $0x80000046;
	[dreg:$0x1] =	wrdreg $0xFFFFFFFF  }
0xad: {  	s28 =	simm.s32 $_size_execute0_lowered;
	s4 =	sadd.s32 s4, s6;
	[dreg:$0x0] =	wrdreg $0x0  }
0xae: {  	s6 =	sshll.u32 s28, $0x1;
	[dreg:$0x2] =	wrdreg s4  }
0xaf: {  	[dreg:$0x3] =	wrdreg s6  }
0xb0: {  	[dreg:$0x4] =	wrdreg $0xC0  }
0xb1: {  	_ =	task [dreg:s8], $0x5FFFF  }
0xb2: {  	[dreg:$0x1] =	wrdreg $0xFFFFFFFF  }
0xb3: {  	[dreg:$0x0] =	wrdreg $0x60  }
0xb4: {  	[dreg:$0x2] =	wrdreg s24  }
0xb5: {  	[dreg:$0x3] =	wrdreg s17  }
0xb6: {  	[dreg:$0x4] =	wrdreg s16  }
0xb7: {  	[dreg:$0x5] =	wrdreg $0x0  }
0xb8: {  	[dreg:$0x6] =	wrdreg $0x50000  }
0xb9: {  	[dreg:$0x7] =	wrdreg $0x130000  }
0xba: {  	[dreg:$0x8] =	wrdreg $0xA  }
0xbb: {  	_ =	task.clear_ibuf [dreg:s8], $0x9FFFF;
	_ =	strace $0x90000046  }
0xbc: {  	s29 =	simm.s32 $0xA;
	_ =	strace $0x80000048  }
0xbd: {  	_ =	swait.ge [sflag:s29], $0x1  }
0xbe: {  	[sflag:s29] =	ssyncadd.s32 $0xFFFFFFFF  }
0xbf: {  	_ =	strace $0x90000048  }
0xc0: {  	_ =	sfence  }
0xc1: {  	s30 =	sld [smem:$0x0];
	_ =	sdelay $0x2  }
0xc2: {  	s31 =	sshll.u32 s1, $0xD;
	s1 =	sshrl.u32 s1, $0x2  }
0xc3: {  	s3 =	sand.u32 $0x4000, s31;
	s1 =	sadd.s32 s1, s30  }
0xc4: {  	s0 =	sor.u32 s3, s0;
	s1 =	sshll.u32 s1, $0x11  }
0xc5: {  	s0 =	sor.u32 s1, s0  }
0xc6: {  	s0 =	sadd.s32 $0x8F2B, s0  }
0xc7: {  	[sflag:s0] =	ssyncadd.remote.s32 $0x1  }
0xc8: {  	_ =	sfence.sel $0xFFFF  }
0xc9: {  	[dreg:$0x0] =	wrdreg $0xFFFFFFFF;
	(pc) =	sbr.abs _section_cstart, $3  }
0xca: {  	[dreg:$0x1] =	wrdreg $0xFFFFFFFF  }
0xcb: {  	_ =	task.clear_ibuf [dreg:s8], $0x2FFFF;
	_ =	strace $0x9FFFFFFF  }
0xcc: {  	(tm) =	ssettm $0x7FFFFFFF  }
0xcd: {  	_ =	shalt  }
tec
execute0_lowered:
.L_overlay_start_1:
0x0: {  	(tag) =	ssettag $0x1  }
0x1: {  	s0 =	rddreg [dreg:$0x0]  }
0x2: {  	s13 =	stileid.u32;
	s3 =	rddreg [dreg:$0x3]  }
0x3: {  	s1 =	srdreg.scid;
	s5 =	rddreg [dreg:$0x4]  }
0x4: {  	s6 =	rddreg [dreg:$0x5];
	s7 =	simm.s32 $0x0;
	s17 =	simm.s32 $0x7  }
0x5: {  	s20 =	simm.s32 $0x15800;
	s21 =	simm.s32 $0xA000;
	s22 =	simm.s32 $0xC800  }
0x6: {  	s28 =	simm.s32 $0x10000;
	s29 =	simm.s32 $0x2;
	s30 =	simm.s32 $0x3  }
0x7: {  	s31 =	simm.s32 $0xEF00;
	s1 =	sand.u32 $0x1, s1;
	s4 =	smul.u32 $0x5000, s13  }
0x8: {  	s2 =	sshll.u32 s13, $0x1;
	[smem:$0x7FF] =	sst s7;
	s10 =	smul.u32 $0x2800, s13  }
0x9: {  	s12 =	sadd.s32 $0x2600, s0;
	s25 =	sshll.u32 s13, $0x6;
	s8 =	smul.u32 $0x50000, s1  }
0xa: {  	s2 =	sor.u32 s1, s2;
	_ =	strace $0x80000047;
	s23 =	smul.u32 $0x28000, s1  }
0xb: {  	[dreg:$0x7] =	wrdreg s12;
	s1 =	ssub.s32 $0x2, s1;
	s2 =	smul.u32 $0x500, s2  }
0xc: {  	s9 =	sshrl.u32 s4, $0x3;
	s24 =	sshrl.u32 s1, $0x1;
	s16 =	sadd.s32 s4, s3  }
0xd: {  	s11 =	sadd.s32 s9, s0;
	s8 =	sadd.s32 s4, s8;
	s9 =	sadd.s32 s10, s23  }
0xe: {  	s1 =	ssub.s32 s1, s24;
	s4 =	sadd.s32 s4, s5;
	s10 =	sadd.s32 s10, s6  }
0xf: {  	s16 =	sshrl.u32 s16, $0x3;
	s23 =	simm.s32 $0x80;
	s24 =	simm.s32 $0xF000  }
0x10: {  	s2 =	sadd.s32 s2, s0;
	s8 =	sshrl.u32 s8, $0x3;
	s9 =	sshrl.u32 s9, $0x3  }
0x11: {  	s11 =	sadd.s32 $0x2A00, s11;
	s15 =	smax.u32 s1, $0x1;
	s18 =	sshrl.u32 s4, $0x3  }
0x12: {  	s19 =	sshrl.u32 s10, $0x3;
	s4 =	simm.s32 $0xC880;
	s1 =	simm.s32 $0x5  }
0x13: {  	s8 =	sadd.s32 s8, s0;
	[dreg:$0x8] =	wrdreg s11;
	s26 =	sadd.s32 $0x2AA00, s2  }
0x14: {  	s0 =	sadd.s32 s9, s0;
	s2 =	sadd.s32 $0x20A00, s2;
	[dreg:$0x9] =	wrdreg s26  }
0x15: {  	s9 =	sor.u32 $0x1C07, s25;
	s25 =	simm.s32 $0x1;
	[dreg:$0xa] =	wrdreg s2  }
0x16: {  	s13 =	sadd.s32 $0x34A00, s8;
	s14 =	sadd.s32 $0x48A00, s0;
	s0 =	simm.s32 $0x4  }
0x17: {  	s2 =	simm.s32 $0x6;
	s26 =	simm.s32 $0xEF80;
	s8 =	simm.s32 $0x0  }
.LBB2_1:
0x18: {  	s10 =	rddreg [dreg:$0x1]  }
0x19: {  	[spmem:s16], [sflag:s9] =	dma.local [hbm:s10], $0xA00  }
0x1a: {  	_ =	swait.ge [sflag:s17], $0xA00  }
0x1b: {  	[sflag:s17] =	ssyncset.done $0x0  }
0x1c: {  	s11 =	rddreg [dreg:$0x8];
	[sflag:s17] =	ssyncadd.s32 $0xFFFFF600  }
0x1d: {  	[spmem:s18], [sflag:s9] =	dma.local [hbm:s11], $0xA00  }
0x1e: {  	_ =	swait.ge [sflag:s17], $0xA00  }
0x1f: {  	[sflag:s17] =	ssyncset.done $0x0  }
0x20: {  	[sflag:s17] =	ssyncadd.s32 $0xFFFFF600  }
0x21: {  	s12 =	rddreg [dreg:$0x2]  }
0x22: {  	[spmem:s19], [sflag:s9] =	dma.local [hbm:s12], $0x500  }
0x23: {  	_ =	swait.ge [sflag:s17], $0x500  }
0x24: {  	[sflag:s17] =	ssyncset.done $0x0  }
0x25: {  	s11 =	rddreg [dreg:$0x7];
	[sflag:s17] =	ssyncadd.s32 $0xFFFFFB00  }
0x26: {  	[tilespmem:s20], [sflag:$0x7] =	stream.linear.gather [hbm4b:s11+s7], $0x800, $0x38;
	[tilespmem:$0x16000] =	vst v63  }
0x27: {  	_ =	swait.ge [sflag:s17], $0x800  }
0x28: {  	[sflag:s17] =	ssyncset.done $0x0  }
0x29: {  	s12 =	rddreg [dreg:$0x9];
	[sflag:s17] =	ssyncadd.s32 $0xFFFFF800  }
0x2a: {  	[tilespmem:s21], [sflag:$0x7] =	stream.linear.gather [hbm4b:s12+s7], $0x2800, $0x38;
	[tilespmem:$0x16000] =	vst v63  }
0x2b: {  	_ =	swait.ge [sflag:s17], $0x2800  }
0x2c: {  	[sflag:s17] =	ssyncset.done $0x0  }
0x2d: {  	s11 =	rddreg [dreg:$0xa];
	[sflag:s17] =	ssyncadd.s32 $0xFFFFD800  }
0x2e: {  	[tilespmem:s22], [sflag:$0x7] =	stream.linear.gather [hbm4b:s11+s7], $0x2800, $0x38;
	[tilespmem:$0x16000] =	vst v63  }
0x2f: {  	_ =	swait.ge [sflag:s17], $0x2800  }
0x30: {  	[sflag:s17] =	ssyncset.done $0x0  }
0x31: {  	[sflag:s17] =	ssyncadd.s32 $0xFFFFD800  }
0x32: {  	[bflag:$0x0] =	sbarrier.arrive $0xFFFF  }
0x33: {  	[tilespmem:s24], [sflag:$0x1] =	stream.indirect.gather [spmem:s5], $0x20, s21, s23, $0xb8;
	[tilespmem:$0x16000] =	vst v63  }
0x34: {  	_ =	swait.ge [sflag:s25], $0x1000  }
0x35: {  	[sflag:s25] =	ssyncset.done $0x0  }
0x36: {  	s12 =	simm.s32 $0xA080;
	[sflag:s25] =	ssyncadd.s32 $0xFFFFF000  }
0x37: {  	[tilespmem:s28], [sflag:$0x2] =	stream.indirect.gather [spmem:s5], $0x20, s12, s23, $0xb8;
	[tilespmem:$0x16000] =	vst v63  }
0x38: {  	_ = 	snop  }
0x39: {  	[spmem:s3] =	stream.indirect.scatter.add.f32 [tilespmem:s24], [sflag:$0x3], $0x20, s22, s23, $0xb8;
	[tilespmem:$0x16000] =	vst v63  }
0x3a: {  	_ = 	snop  }
0x3b: {  	[spmem:s6] =	stream.indirect.scatter.add.f32 [tilespmem:s20], [sflag:$0x5], $0x10, s22, s23, $0xb8;
	[tilespmem:$0x16000] =	vst v63  }
0x3c: {  	_ =	swait.ge [sflag:s29], $0x1000  }
0x3d: {  	[sflag:s29] =	ssyncset.done $0x0  }
0x3e: {  	[sflag:s29] =	ssyncadd.s32 $0xFFFFF000  }
0x3f: {  	_ =	swait.ge [sflag:s30], $0x1000  }
0x40: {  	[sflag:s30] =	ssyncset.done $0x0  }
0x41: {  	s11 =	simm.s32 $0xA100;
	[sflag:s30] =	ssyncadd.s32 $0xFFFFF000  }
0x42: {  	[tilespmem:s24], [sflag:$0x1] =	stream.indirect.gather [spmem:s5], $0x20, s11, s23, $0xb8;
	[tilespmem:$0x16000] =	vst v63  }
0x43: {  	_ = 	snop  }
0x44: {  	[spmem:s3] =	stream.indirect.scatter.add.f32 [tilespmem:s28], [sflag:$0x4], $0x20, s4, s23, $0xb8;
	[tilespmem:$0x16000] =	vst v63  }
0x45: {  	_ = 	snop  }
0x46: {  	[spmem:s6] =	stream.indirect.scatter.add.f32 [tilespmem:s20], [sflag:$0x6], $0x10, s4, s23, $0xb8;
	[tilespmem:$0x16000] =	vst v63  }
0x47: {  	_ =	swait.ge [sflag:s25], $0x1000  }
0x48: {  	[sflag:s25] =	ssyncset.done $0x0  }
0x49: {  	[sflag:s25] =	ssyncadd.s32 $0xFFFFF000  }
0x4a: {  	_ =	swait.ge [sflag:s0], $0x1000  }
0x4b: {  	[sflag:s0] =	ssyncset.done $0x0  }
0x4c: {  	[sflag:s0] =	ssyncadd.s32 $0xFFFFF000  }
0x4d: {  	_ =	swait.ge [sflag:s1], $0x800  }
0x4e: {  	[sflag:s1] =	ssyncset.done $0x0  }
0x4f: {  	s12 =	simm.s32 $0xA180;
	[sflag:s1] =	ssyncadd.s32 $0xFFFFF800  }
0x50: {  	[tilespmem:s28], [sflag:$0x2] =	stream.indirect.gather [spmem:s5], $0x20, s12, s23, $0xb8;
	[tilespmem:$0x16000] =	vst v63  }
0x51: {  	s11 =	simm.s32 $0xC900  }
0x52: {  	[spmem:s3] =	stream.indirect.scatter.add.f32 [tilespmem:s24], [sflag:$0x3], $0x20, s11, s23, $0xb8;
	[tilespmem:$0x16000] =	vst v63  }
0x53: {  	_ = 	snop  }
0x54: {  	[spmem:s6] =	stream.indirect.scatter.add.f32 [tilespmem:s20], [sflag:$0x5], $0x10, s11, s23, $0xb8;
	[tilespmem:$0x16000] =	vst v63  }
0x55: {  	_ =	swait.ge [sflag:s29], $0x1000  }
0x56: {  	[sflag:s29] =	ssyncset.done $0x0  }
0x57: {  	[sflag:s29] =	ssyncadd.s32 $0xFFFFF000  }
0x58: {  	_ =	swait.ge [sflag:s30], $0x1000  }
0x59: {  	[sflag:s30] =	ssyncset.done $0x0  }
0x5a: {  	[sflag:s30] =	ssyncadd.s32 $0xFFFFF000  }
0x5b: {  	_ =	swait.ge [sflag:s2], $0x800  }
0x5c: {  	[sflag:s2] =	ssyncset.done $0x0  }
0x5d: {  	s12 =	simm.s32 $0xA200;
	[sflag:s2] =	ssyncadd.s32 $0xFFFFF800  }
0x5e: {  	[tilespmem:s24], [sflag:$0x1] =	stream.indirect.gather [spmem:s5], $0x20, s12, s23, $0xb8;
	[tilespmem:$0x16000] =	vst v63  }
0x5f: {  	s10 =	simm.s32 $0xFFFF6C00;
	s11 =	simm.s32 $0xC980  }
0x60: {  	[spmem:s3] =	stream.indirect.scatter.add.f32 [tilespmem:s28], [sflag:$0x4], $0x20, s11, s23, $0xb8;
	[tilespmem:$0x16000] =	vst v63  }
.LBB2_2:
0x61: {  	[spmem:s6] =	stream.indirect.scatter.add.f32 [tilespmem:s20], [sflag:$0x6], $0x10, s11, s23, $0xb8;
	[tilespmem:$0x16000] =	vst v63  }
0x62: {  	s11 =	smov.u32 s10  }
0x63: {  	p0 =	sne.s32 s10, $0xFFFFFC00;
	s10 =	sadd.s32 $0x400, s10;
	_ =	swait.ge [sflag:s25], $0x1000  }
0x64: {  	[sflag:s25] =	ssyncset.done $0x0  }
0x65: {  	[sflag:s25] =	ssyncadd.s32 $0xFFFFF000  }
0x66: {  	_ =	swait.ge [sflag:s0], $0x1000  }
0x67: {  	[sflag:s0] =	ssyncset.done $0x0  }
0x68: {  	[sflag:s0] =	ssyncadd.s32 $0xFFFFF000  }
0x69: {  	_ =	swait.ge [sflag:s1], $0x800  }
0x6a: {  	s11 =	sshra.s32 s11, $0x2;
	[sflag:s1] =	ssyncset.done $0x0  }
0x6b: {  	s12 =	sadd.s32 $0xC780, s11;
	[sflag:s1] =	ssyncadd.s32 $0xFFFFF800  }
0x6c: {  	[tilespmem:s28], [sflag:$0x2] =	stream.indirect.gather [spmem:s5], $0x20, s12, s23, $0xb8;
	[tilespmem:$0x16000] =	vst v63  }
0x6d: {  	s12 =	sadd.s32 $0xEF00, s11  }
0x6e: {  	[spmem:s3] =	stream.indirect.scatter.add.f32 [tilespmem:s24], [sflag:$0x3], $0x20, s12, s23, $0xb8;
	[tilespmem:$0x16000] =	vst v63  }
0x6f: {  	_ = 	snop  }
0x70: {  	[spmem:s6] =	stream.indirect.scatter.add.f32 [tilespmem:s20], [sflag:$0x5], $0x10, s12, s23, $0xb8;
	[tilespmem:$0x16000] =	vst v63  }
0x71: {  	_ =	swait.ge [sflag:s29], $0x1000  }
0x72: {  	[sflag:s29] =	ssyncset.done $0x0  }
0x73: {  	[sflag:s29] =	ssyncadd.s32 $0xFFFFF000  }
0x74: {  	_ =	swait.ge [sflag:s30], $0x1000  }
0x75: {  	[sflag:s30] =	ssyncset.done $0x0  }
0x76: {  	[sflag:s30] =	ssyncadd.s32 $0xFFFFF000  }
0x77: {  	_ =	swait.ge [sflag:s2], $0x800  }
.Ltmp0:
0x78: {  	[sflag:s2] =	ssyncset.done $0x0;
	(pc) =	sbr.rel @p0 .LBB2_2-.Ltmp0, $4  }
0x79: {  	s12 =	sadd.s32 $0xC800, s11;
	[sflag:s2] =	ssyncadd.s32 $0xFFFFF800  }
0x7a: {  	[tilespmem:s24], [sflag:$0x1] =	stream.indirect.gather [spmem:s5], $0x20, s12, s23, $0xb8;
	[tilespmem:$0x16000] =	vst v63  }
0x7b: {  	s11 =	sadd.s32 $0xEF80, s11  }
0x7c: {  	[spmem:s3] =	stream.indirect.scatter.add.f32 [tilespmem:s28], [sflag:$0x4], $0x20, s11, s23, $0xb8;
	[tilespmem:$0x16000] =	vst v63  }
0x7d: {  	[spmem:s6] =	stream.indirect.scatter.add.f32 [tilespmem:s20], [sflag:$0x6], $0x10, s11, s23, $0xb8;
	[tilespmem:$0x16000] =	vst v63  }
0x7e: {  	_ =	swait.ge [sflag:s25], $0x1000  }
0x7f: {  	[sflag:s25] =	ssyncset.done $0x0  }
0x80: {  	[sflag:s25] =	ssyncadd.s32 $0xFFFFF000  }
0x81: {  	_ =	swait.ge [sflag:s0], $0x1000  }
0x82: {  	[sflag:s0] =	ssyncset.done $0x0  }
0x83: {  	[sflag:s0] =	ssyncadd.s32 $0xFFFFF000  }
0x84: {  	_ =	swait.ge [sflag:s1], $0x800  }
0x85: {  	[sflag:s1] =	ssyncset.done $0x0  }
0x86: {  	s10 =	simm.s32 $0xC780;
	[sflag:s1] =	ssyncadd.s32 $0xFFFFF800  }
0x87: {  	[tilespmem:s28], [sflag:$0x2] =	stream.indirect.gather [spmem:s5], $0x20, s10, s23, $0xb8;
	[tilespmem:$0x16000] =	vst v63  }
0x88: {  	_ = 	snop  }
0x89: {  	[spmem:s3] =	stream.indirect.scatter.add.f32 [tilespmem:s24], [sflag:$0x3], $0x20, s31, s23, $0xb8;
	[tilespmem:$0x16000] =	vst v63  }
0x8a: {  	_ = 	snop  }
0x8b: {  	[spmem:s6] =	stream.indirect.scatter.add.f32 [tilespmem:s20], [sflag:$0x5], $0x10, s31, s23, $0xb8;
	[tilespmem:$0x16000] =	vst v63  }
0x8c: {  	_ =	swait.ge [sflag:s29], $0x1000  }
0x8d: {  	[sflag:s29] =	ssyncset.done $0x0  }
0x8e: {  	[sflag:s29] =	ssyncadd.s32 $0xFFFFF000  }
0x8f: {  	_ =	swait.ge [sflag:s30], $0x1000  }
0x90: {  	[sflag:s30] =	ssyncset.done $0x0  }
0x91: {  	[sflag:s30] =	ssyncadd.s32 $0xFFFFF000  }
0x92: {  	_ =	swait.ge [sflag:s2], $0x800  }
0x93: {  	[sflag:s2] =	ssyncset.done $0x0  }
0x94: {  	[sflag:s2] =	ssyncadd.s32 $0xFFFFF800  }
0x95: {  	[spmem:s3] =	stream.indirect.scatter.add.f32 [tilespmem:s28], [sflag:$0x4], $0x20, s26, s23, $0xb8;
	[tilespmem:$0x16000] =	vst v63  }
0x96: {  	_ = 	snop  }
0x97: {  	[spmem:s6] =	stream.indirect.scatter.add.f32 [tilespmem:s20], [sflag:$0x6], $0x10, s26, s23, $0xb8;
	[tilespmem:$0x16000] =	vst v63  }
0x98: {  	_ =	swait.ge [sflag:s0], $0x1000  }
0x99: {  	[sflag:s0] =	ssyncset.done $0x0  }
0x9a: {  	[sflag:s0] =	ssyncadd.s32 $0xFFFFF000  }
0x9b: {  	_ =	swait.ge [sflag:s1], $0x800  }
0x9c: {  	[sflag:s1] =	ssyncset.done $0x0  }
0x9d: {  	[sflag:s1] =	ssyncadd.s32 $0xFFFFF800  }
0x9e: {  	_ =	swait.ge [sflag:s2], $0x800  }
0x9f: {  	[sflag:s2] =	ssyncset.done $0x0  }
0xa0: {  	[sflag:s2] =	ssyncadd.s32 $0xFFFFF800  }
0xa1: {  	[bflag:$0x0] =	sbarrier.arrive $0xFFFF  }
0xa2: {  	[hbm:s13], [sflag:s9] =	dma.local [spmem:s16], $0xA00  }
0xa3: {  	s8 =	sadd.s32 $0x1, s8;
	_ =	swait.ge [sflag:s17], $0xA00  }
0xa4: {  	p0 =	sne.s32 s8, s15;
	[sflag:s17] =	ssyncset.done $0x0  }
.Ltmp1:
0xa5: {  	[sflag:s17] =	ssyncadd.s32 $0xFFFFF600;
	(pc) =	sbr.rel @p0 .LBB2_1-.Ltmp1, $4  }
0xa6: {  	[hbm:s14], [sflag:s9] =	dma.local [spmem:s19], $0x500  }
0xa7: {  	_ =	swait.ge [sflag:s17], $0x500  }
0xa8: {  	[sflag:s17] =	ssyncset.done $0x0  }
0xa9: {  	[sflag:s17] =	ssyncadd.s32 $0xFFFFFB00  }
0xaa: {  	_ =	sfence.sel $0x180000  }
0xab: {  	[bflag:$0x0] =	sbarrier.arrive $0xFFFF  }
0xac: {  	_ =	strace $0x90000047  }
0xad: {  	s0 =	stileid.u32;
	[bflag:$0x2] =	sbarrier.arrive $0xFFFF  }
0xae: {  	p0 =	sne.s32 s0, $0x0;
	s0 =	rddreg [dreg:$0x6]  }
0xaf: {  	s0 =	sadd.s32 @!p0 $0x100000, s0  }
0xb0: {  	[sflag:s0] =	ssyncadd.tile.s32 @!p0 $0x1;
	_ =	shalt  }
.Lfunc_end2:
_tile_overlayer_lowered:
.L_overlay_start_2:
0xb1: {  	(tag) =	ssettag $0x2  }
0xb2: {  	s0 =	rddreg [dreg:$0x0];
	s2 =	stileid.u32  }
0xb3: {  	s1 =	rddreg [dreg:$0x1];
	p0 =	sne.s32 s2, $0x0  }
0xb4: {  	s3 =	rddreg [dreg:$0x2];
	[bflag:$0x3] =	sbarrier.arrive $0xFFFF;
	s2 =	simm.s32 @!p0 $0x1C07  }
0xb5: {  	[timem:s3], [sflag:s2] =	dma.local @!p0 [hbm:s0], s1  }
0xb6: {  	s0 =	simm.s32 @!p0 $0x7  }
0xb7: {  	_ =	swait.ge @!p0 [sflag:s0], s1  }
0xb8: {  	s1 =	ssub.s32 @!p0 $0x0, s1;
	[sflag:s0] =	ssyncset.done @!p0 $0x0  }
0xb9: {  	[sflag:s0] =	ssyncadd.s32 @!p0 s1  }
0xba: {  	[bflag:$0x3] =	sbarrier.arrive $0xFFFF  }
0xbb: {  	_ =	shalt  }

// kernel: kernel.14.cloned.1.call-start
scs
__scs_entry_jumppad:
0x0: {  	(pc) =	sbr.rel $0x88, $3  }
0x1: {  	(tag) =	ssettag $0x0;
	lr =	simm.s32 $0x1  }
0x2: {  	[smem:$0x3F91] =	sst lr;
	_ =	strace $0xD0000000  }
0x3: {  	_ = 	snop  }
0x4: {  	_ = 	snop  }
0x5: {  	_ = 	snop  }
0x6: {  	_ = 	snop  }
0x7: {  	_ = 	snop  }
__scs_overlays_trampoline_lowered:
0x8: {  	[smem:$0x3FA0] =	sst s0  }
0x9: {  	[smem:$0x3FA1] =	sst s1  }
0xa: {  	[smem:$0x3FA2] =	sst s2  }
0xb: {  	[smem:$0x3FA3] =	sst s3  }
0xc: {  	[smem:$0x3FA4] =	sst s4  }
0xd: {  	[smem:$0x3FA5] =	sst s5  }
0xe: {  	[smem:$0x3FA6] =	sst s6  }
0xf: {  	[smem:$0x3FA7] =	sst s7  }
0x10: {  	[smem:$0x3FA8] =	sst s8  }
0x11: {  	[smem:$0x3FA9] =	sst s9;
	s0 =	simm.s32 @!p0 $0x0  }
0x12: {  	s1 =	sld [smem:$0x3F8F];
	s0 =	simm.s32 @p0 $0x1  }
0x13: {  	[smem:$0x3FAA] =	sst s0;
	s0 =	simm.s32 @!p1 $0x0  }
0x14: {  	s2 =	sld [smem:$0x3F8E];
	s0 =	simm.s32 @p1 $0x1  }
0x15: {  	[smem:$0x3FAB] =	sst s0;
	s0 =	simm.s32 @!p2 $0x0  }
0x16: {  	s3 =	sld [smem:$0x3FDB];
	s0 =	simm.s32 @p2 $0x1  }
0x17: {  	s4 =	simm.s32 $0x1BF5;
	[smem:$0x3FAD] =	sst s0  }
0x18: {  	s0 =	sld [smem:$0x3F90];
	_ =	swait.ge [sflag:s4], $0x0  }
0x19: {  	s7 =	sld [smem:$0x3F91]  }
0x1a: {  	s8 =	sadd.s32 $0xFFFFE003, lr  }
0x1b: {  	s9 =	sadd.s32 $0xFFFFFEF7, lr;
	s5 =	simm.s32 $0xFFFFFFFF;
	p2 =	slt.u32 s8, $0xFFFFF086  }
0x1c: {  	p1 =	slt.u32 s9, $0xF7A;
	s5 =	simm.s32 @!p2 $0x0  }
0x1d: {  	s5 =	simm.s32 @p1 $0x1;
	p0 =	seq.s32 s7, s2  }
0x1e: {  	s7 =	smul.u32 @!p0 $0xF7A, s2;
	p2 =	seq.s32 @!p0 s5, $0x0  }
0x1f: {  	s9 =	smul.u32 $0xF7A, s1;
	s8 =	simm.s32 @!p0 $0x1BF5;
	p2 =	por !p2, p0  }
0x20: {  	[sflag:s8] =	ssyncset.s32 @!p0 $0xFFFFF086;
	s6 =	sadd.s32 @!p0 s3, s7;
	s7 =	simm.s32 @!p0 $0x108  }
0x21: {  	s3 =	sadd.s32 s3, s9;
	s6 =	sadd.s32 @!p0 $0x88, s6;
	s7 =	simm.s32 @p2 $0x1082  }
0x22: {  	[simem:s7], [sflag:s8] =	dma.local @!p0 [hbm:s6], $0xF7A  }
0x23: {  	s9 =	sor.u32 $0xD0000000, s2;
	s6 =	simm.s32 $0x108;
	_ =	swait.ge @!p0 [sflag:s8], $0x0  }
0x24: {  	s3 =	sadd.s32 $0x88, s3;
	s6 =	simm.s32 @!p1 $0x1082;
	[sflag:s4] =	ssyncset.s32 $0xFFFFF086  }
0x25: {  	[simem:s6], [sflag:s4] =	dma.local [hbm:s3], $0xF7A  }
0x26: {  	[smem:$0x3F91] =	sst s1;
	(tag) =	ssettag s2;
	_ =	strace s9  }
0x27: {  	s1 =	sld [smem:$0x3FA1]  }
0x28: {  	s2 =	sld [smem:$0x3FA2]  }
0x29: {  	s4 =	sld [smem:$0x3FA4]  }
0x2a: {  	p0 =	seq.s32 s5, $0x0;
	s5 =	sld [smem:$0x3FA5]  }
0x2b: {  	s6 =	sld [smem:$0x3FA6]  }
0x2c: {  	s7 =	sld [smem:$0x3FA7]  }
0x2d: {  	s3 =	simm.s32 $0x108;
	s8 =	sld [smem:$0x3FA8]  }
0x2e: {  	s3 =	simm.s32 @!p0 $0x1082;
	s9 =	sld [smem:$0x3FA9]  }
0x2f: {  	lr =	sadd.s32 s0, s3;
	s0 =	sld [smem:$0x3FA0]  }
0x30: {  	s3 =	sld [smem:$0x3FA3]  }
0x31: {  	[smem:$0x3FAC] =	sst s10  }
0x32: {  	s10 =	sld [smem:$0x3FAA];
	_ =	sdelay $0x3  }
0x33: {  	p0 =	seq.s32 s10, $0x1;
	s10 =	sld [smem:$0x3FAC];
	_ =	sdelay $0x3  }
0x34: {  	[smem:$0x3FAC] =	sst s10  }
0x35: {  	s10 =	sld [smem:$0x3FAB];
	_ =	sdelay $0x3  }
0x36: {  	p1 =	seq.s32 s10, $0x1;
	s10 =	sld [smem:$0x3FAC];
	_ =	sdelay $0x3  }
0x37: {  	[smem:$0x3FAC] =	sst s10  }
0x38: {  	s10 =	sld [smem:$0x3FAD]  }
0x39: {  	_ = 	snop;
	(pc) =	sbr.ind lr, $3  }
0x3a: {  	_ = 	snop  }
0x3b: {  	_ = 	snop  }
0x3c: {  	p2 =	seq.s32 s10, $0x1;
	s10 =	sld [smem:$0x3FAC]  }
0x3d: {  	_ =	shalt  }
0x3e: {  	_ =	shalt  }
0x3f: {  	_ =	shalt  }
0x40: {  	_ =	shalt  }
0x41: {  	_ =	shalt  }
0x42: {  	_ =	shalt  }
0x43: {  	_ =	shalt  }
0x44: {  	_ =	shalt  }
0x45: {  	_ =	shalt  }
0x46: {  	_ =	shalt  }
0x47: {  	_ =	shalt  }
0x48: {  	_ =	shalt  }
0x49: {  	_ =	shalt  }
0x4a: {  	_ =	shalt  }
0x4b: {  	_ =	shalt  }
0x4c: {  	_ =	shalt  }
0x4d: {  	_ =	shalt  }
0x4e: {  	_ =	shalt  }
0x4f: {  	_ =	shalt  }
0x50: {  	_ =	shalt  }
0x51: {  	_ =	shalt  }
0x52: {  	_ =	shalt  }
0x53: {  	_ =	shalt  }
0x54: {  	_ =	shalt  }
0x55: {  	_ =	shalt  }
0x56: {  	_ =	shalt  }
0x57: {  	_ =	shalt  }
0x58: {  	_ =	shalt  }
0x59: {  	_ =	shalt  }
0x5a: {  	_ =	shalt  }
0x5b: {  	_ =	shalt  }
0x5c: {  	_ =	shalt  }
0x5d: {  	_ =	shalt  }
0x5e: {  	_ =	shalt  }
0x5f: {  	_ =	shalt  }
0x60: {  	_ =	shalt  }
0x61: {  	_ =	shalt  }
0x62: {  	_ =	shalt  }
0x63: {  	_ =	shalt  }
0x64: {  	_ =	shalt  }
0x65: {  	_ =	shalt  }
0x66: {  	_ =	shalt  }
0x67: {  	_ =	shalt  }
0x68: {  	_ =	shalt  }
0x69: {  	_ =	shalt  }
0x6a: {  	_ =	shalt  }
0x6b: {  	_ =	shalt  }
0x6c: {  	_ =	shalt  }
0x6d: {  	_ =	shalt  }
0x6e: {  	_ =	shalt  }
0x6f: {  	_ =	shalt  }
0x70: {  	_ =	shalt  }
0x71: {  	_ =	shalt  }
0x72: {  	_ =	shalt  }
0x73: {  	_ =	shalt  }
0x74: {  	_ =	shalt  }
0x75: {  	_ =	shalt  }
0x76: {  	_ =	shalt  }
0x77: {  	_ =	shalt  }
0x78: {  	_ =	shalt  }
0x79: {  	_ =	shalt  }
0x7a: {  	_ =	shalt  }
0x7b: {  	_ =	shalt  }
0x7c: {  	_ =	shalt  }
0x7d: {  	_ =	shalt  }
0x7e: {  	_ =	shalt  }
0x7f: {  	_ =	shalt  }
0x80: {  	_ =	shalt  }
0x81: {  	_ =	shalt  }
0x82: {  	_ =	shalt  }
0x83: {  	_ =	shalt  }
0x84: {  	_ =	shalt  }
0x85: {  	_ =	shalt  }
0x86: {  	_ =	shalt  }
0x87: {  	_ =	shalt  }
.Lfunc_end0:
.L_simem_size_0:
called_computation.1_lowered:
.L_overlay_start_0:
0x88: {  	s2 =	sld [smem:$0x3FD9]  }
0x89: {  	s3 =	sld [smem:$0x3FFE];
	_ =	sdelay $0x1  }
0x8a: {  	s1 =	srdreg.scid  }
0x8b: {  	s0 =	sand.u32 $0x1, s1  }
0x8c: {  	s15 =	sshll.u32 s0, $0xA;
	s2 =	sadd.s32 s3, s2  }
0x8d: {  	s2 =	sadd.s32 s2, s15  }
0x8e: {  	[smem:$0x3FB8] =	sst s2  }
0x8f: {  	_ = 	snop  }
0x90: {  	s2 =	sld [smem:$0x3FD0];
	_ =	sdelay $0x2  }
0x91: {  	s4 =	simm.s32 $0xB;
	s16 =	simm.s32 $0x10  }
0x92: {  	[smem:s16], [sflag:s4] =	dma.local [hbm:s2], $0x1  }
0x93: {  	_ =	swait.eq [sflag:s4], $0x1  }
0x94: {  	[sflag:s4] =	ssyncset.done $0x0  }
0x95: {  	s17 =	sld [smem:$0x10];
	[sflag:s4] =	ssyncadd.s32 $0xFFFFFFFF  }
0x96: {  	s18 =	sld [smem:$0x11];
	(tm) =	ssettm $0x1  }
0x97: {  	s19 =	sld [smem:$0x3FFB];
	_ =	sdelay $0x3  }
0x98: {  	_ =	strace s19  }
0x99: {  	s2 =	sld [smem:$0x3FFC];
	_ =	sdelay $0x3  }
0x9a: {  	_ =	strace s2  }
0x9b: {  	s2 =	sld [smem:$0x3FFD];
	_ =	sdelay $0x3  }
0x9c: {  	_ =	strace s2  }
0x9d: {  	_ =	strace $0x8FFFFFFF  }
0x9e: {  	s20 =	sld [smem:$0x3FDB];
	_ =	sdelay $0x1  }
0x9f: {  	s5 =	simm.s32 $_scs_section_size  }
0xa0: {  	s6 =	simm.s32 $_size__tile_overlayer_lowered;
	s7 =	simm.s32 $_tile_overlayer_lowered  }
0xa1: {  	s8 =	simm.s32 $0x1BFF;
	s21 =	sshll.u32 s7, $0x1;
	s5 =	sadd.s32 s5, s20  }
0xa2: {  	s22 =	simm.s32 $0x0;
	s6 =	sshll.u32 s6, $0x1;
	s7 =	sadd.s32 s21, s5  }
0xa3: {  	[timem:s22], [sflag:s8] =	dma.local [hbm:s7], s6  }
0xa4: {  	_ =	swait.ge [sflag:s8], s6  }
0xa5: {  	s6 =	ssub.s32 $0x0, s6;
	[sflag:s8] =	ssyncset.done $0x0  }
0xa6: {  	[sflag:s8] =	ssyncadd.s32 s6;
	_ =	sdelay $0x1  }
0xa7: {  	s23 =	simm.s32 $0x1B8B  }
0xa8: {  	_ =	swait.ge [sflag:s23], $0x1  }
0xa9: {  	[sflag:s23] =	ssyncset.done $0x0  }
0xaa: {  	[sflag:s23] =	ssyncadd.s32 $0xFFFFFFFF  }
0xab: {  	s6 =	sld [smem:$0x0]  }
0xac: {  	s7 =	sand.u32 $0xFFFFFFFE, s1  }
0xad: {  	p0 =	sne.s32 s1, s7  }
0xae: {  	s7 =	sshll.u32 @p0 s7, $0xE  }
0xaf: {  	s7 =	sadd.s32 @p0 $0x11B8D, s7;
	s8 =	sshll.u32 @p0 s6, $0x11  }
0xb0: {  	s7 =	sor.u32 @p0 s8, s7  }
0xb1: {  	[sflag:s7] =	ssyncadd.remote.s32 @p0 $0x1;
	_ =	sdelay $0x1  }
0xb2: {  	s7 =	simm.s32 @p0 $0x1B8D  }
0xb3: {  	_ =	swait.eq @p0 [sflag:s7], $0x1  }
0xb4: {  	[sflag:s7] =	ssyncadd.s32 @p0 $0xFFFFFFFF  }
0xb5: {  	s8 =	sshll.u32 @!p0 s1, $0xE  }
0xb6: {  	s8 =	sor.u32 @!p0 $0x4000, s8;
	s7 =	simm.s32 @!p0 $0x1B8D  }
0xb7: {  	s6 =	sshll.u32 @!p0 s6, $0x11;
	s8 =	sadd.s32 @!p0 $0x11B8D, s8;
	_ =	swait.eq @!p0 [sflag:s7], $0x1  }
0xb8: {  	s6 =	sor.u32 @!p0 s6, s8;
	[sflag:s7] =	ssyncadd.s32 @!p0 $0xFFFFFFFF  }
0xb9: {  	s25 =	simm.s32 $0x1B8E;
	s24 =	sld [smem:$0x3FFE];
	[sflag:s6] =	ssyncadd.remote.s32 @!p0 $0x1  }
0xba: {  	s26 =	simm.s32 $execute0_lowered;
	[smem:$0x3FD2] =	sst s25  }
0xbb: {  	s7 =	sshll.u32 s26, $0x1;
	_ =	strace $0x80000049;
	[dreg:$0x1] =	wrdreg $0xFFFFFFFF  }
0xbc: {  	s28 =	simm.s32 $_size_execute0_lowered;
	s5 =	sadd.s32 s5, s7;
	[dreg:$0x0] =	wrdreg $0x0  }
0xbd: {  	s7 =	sshll.u32 s28, $0x1;
	[dreg:$0x2] =	wrdreg s5  }
0xbe: {  	[dreg:$0x3] =	wrdreg s7  }
0xbf: {  	[dreg:$0x4] =	wrdreg $0xC0  }
0xc0: {  	_ =	task [dreg:s22], $0x5FFFF  }
0xc1: {  	[dreg:$0x1] =	wrdreg $0xFFFFFFFF  }
0xc2: {  	[dreg:$0x0] =	wrdreg $0x60  }
0xc3: {  	[dreg:$0x2] =	wrdreg s24  }
0xc4: {  	[dreg:$0x3] =	wrdreg s18  }
0xc5: {  	[dreg:$0x4] =	wrdreg s17  }
0xc6: {  	[dreg:$0x5] =	wrdreg $0x0  }
0xc7: {  	[dreg:$0x6] =	wrdreg $0x50000  }
0xc8: {  	[dreg:$0x7] =	wrdreg $0x130000  }
0xc9: {  	[dreg:$0x8] =	wrdreg $0x9  }
0xca: {  	_ =	task.clear_ibuf [dreg:s22], $0x9FFFF;
	_ =	strace $0x90000049  }
0xcb: {  	s29 =	simm.s32 $0x9;
	_ =	strace $0x8000004B  }
0xcc: {  	_ =	swait.ge [sflag:s29], $0x1  }
0xcd: {  	[sflag:s29] =	ssyncadd.s32 $0xFFFFFFFF  }
0xce: {  	_ =	strace $0x9000004B  }
0xcf: {  	_ =	sfence  }
0xd0: {  	s30 =	sld [smem:$0x0];
	_ =	sdelay $0x2  }
0xd1: {  	s31 =	sshll.u32 s1, $0xD;
	s1 =	sshrl.u32 s1, $0x2  }
0xd2: {  	s4 =	sand.u32 $0x4000, s31;
	s1 =	sadd.s32 s1, s30  }
0xd3: {  	s0 =	sor.u32 s4, s0;
	s1 =	sshll.u32 s1, $0x11  }
0xd4: {  	s0 =	sor.u32 s1, s0  }
0xd5: {  	s0 =	sadd.s32 $0x8F2B, s0  }
0xd6: {  	[sflag:s0] =	ssyncadd.remote.s32 $0x1  }
0xd7: {  	_ =	sfence.sel $0xFFFF  }
0xd8: {  	[dreg:$0x0] =	wrdreg $0xFFFFFFFF;
	(pc) =	sbr.abs _section_cstart, $3  }
0xd9: {  	[dreg:$0x1] =	wrdreg $0xFFFFFFFF  }
0xda: {  	_ =	task.clear_ibuf [dreg:s22], $0x2FFFF;
	_ =	strace $0x9FFFFFFF  }
0xdb: {  	(tm) =	ssettm $0x7FFFFFFF  }
tec
execute0_lowered:
.L_overlay_start_1:
0x0: {  	(tag) =	ssettag $0x1  }
0x1: {  	s0 =	rddreg [dreg:$0x0]  }
0x2: {  	s13 =	stileid.u32;
	s3 =	rddreg [dreg:$0x3]  }
0x3: {  	s1 =	srdreg.scid;
	s5 =	rddreg [dreg:$0x4]  }
0x4: {  	s6 =	rddreg [dreg:$0x5];
	s7 =	simm.s32 $0x0;
	s17 =	simm.s32 $0x7  }
0x5: {  	s20 =	simm.s32 $0x15800;
	s21 =	simm.s32 $0xA000;
	s22 =	simm.s32 $0xC800  }
0x6: {  	s28 =	simm.s32 $0x10000;
	s29 =	simm.s32 $0x2;
	s30 =	simm.s32 $0x3  }
0x7: {  	s31 =	simm.s32 $0xEF00;
	s1 =	sand.u32 $0x1, s1;
	s4 =	smul.u32 $0x5000, s13  }
0x8: {  	s2 =	sshll.u32 s13, $0x1;
	[smem:$0x7FF] =	sst s7;
	s10 =	smul.u32 $0x2800, s13  }
0x9: {  	s12 =	sadd.s32 $0x2600, s0;
	s25 =	sshll.u32 s13, $0x6;
	s8 =	smul.u32 $0x50000, s1  }
0xa: {  	s2 =	sor.u32 s1, s2;
	_ =	strace $0x8000004A;
	s23 =	smul.u32 $0x28000, s1  }
0xb: {  	[dreg:$0x7] =	wrdreg s12;
	s1 =	ssub.s32 $0x2, s1;
	s2 =	smul.u32 $0x500, s2  }
0xc: {  	s9 =	sshrl.u32 s4, $0x3;
	s24 =	sshrl.u32 s1, $0x1;
	s16 =	sadd.s32 s4, s3  }
0xd: {  	s11 =	sadd.s32 s9, s0;
	s8 =	sadd.s32 s4, s8;
	s9 =	sadd.s32 s10, s23  }
0xe: {  	s1 =	ssub.s32 s1, s24;
	s4 =	sadd.s32 s4, s5;
	s10 =	sadd.s32 s10, s6  }
0xf: {  	s16 =	sshrl.u32 s16, $0x3;
	s23 =	simm.s32 $0x80;
	s24 =	simm.s32 $0xF000  }
0x10: {  	s2 =	sadd.s32 s2, s0;
	s8 =	sshrl.u32 s8, $0x3;
	s9 =	sshrl.u32 s9, $0x3  }
0x11: {  	s11 =	sadd.s32 $0x52A00, s11;
	s15 =	smax.u32 s1, $0x1;
	s18 =	sshrl.u32 s4, $0x3  }
0x12: {  	s19 =	sshrl.u32 s10, $0x3;
	s4 =	simm.s32 $0xC880;
	s1 =	simm.s32 $0x5  }
0x13: {  	s8 =	sadd.s32 s8, s0;
	[dreg:$0x8] =	wrdreg s11;
	s26 =	sadd.s32 $0x16A00, s2  }
0x14: {  	s0 =	sadd.s32 s9, s0;
	s2 =	sadd.s32 $0xCA00, s2;
	[dreg:$0x9] =	wrdreg s26  }
0x15: {  	s9 =	sor.u32 $0x1C07, s25;
	s25 =	simm.s32 $0x1;
	[dreg:$0xa] =	wrdreg s2  }
0x16: {  	s13 =	sadd.s32 $0x5CA00, s8;
	s14 =	sadd.s32 $0x70A00, s0;
	s0 =	simm.s32 $0x4  }
0x17: {  	s2 =	simm.s32 $0x6;
	s26 =	simm.s32 $0xEF80;
	s8 =	simm.s32 $0x0  }
.LBB2_1:
0x18: {  	s10 =	rddreg [dreg:$0x1]  }
0x19: {  	[spmem:s16], [sflag:s9] =	dma.local [hbm:s10], $0xA00  }
0x1a: {  	_ =	swait.ge [sflag:s17], $0xA00  }
0x1b: {  	[sflag:s17] =	ssyncset.done $0x0  }
0x1c: {  	s11 =	rddreg [dreg:$0x8];
	[sflag:s17] =	ssyncadd.s32 $0xFFFFF600  }
0x1d: {  	[spmem:s18], [sflag:s9] =	dma.local [hbm:s11], $0xA00  }
0x1e: {  	_ =	swait.ge [sflag:s17], $0xA00  }
0x1f: {  	[sflag:s17] =	ssyncset.done $0x0  }
0x20: {  	[sflag:s17] =	ssyncadd.s32 $0xFFFFF600  }
0x21: {  	s12 =	rddreg [dreg:$0x2]  }
0x22: {  	[spmem:s19], [sflag:s9] =	dma.local [hbm:s12], $0x500  }
0x23: {  	_ =	swait.ge [sflag:s17], $0x500  }
0x24: {  	[sflag:s17] =	ssyncset.done $0x0  }
0x25: {  	s11 =	rddreg [dreg:$0x7];
	[sflag:s17] =	ssyncadd.s32 $0xFFFFFB00  }
0x26: {  	[tilespmem:s20], [sflag:$0x7] =	stream.linear.gather [hbm4b:s11+s7], $0x800, $0x38;
	[tilespmem:$0x16000] =	vst v63  }
0x27: {  	_ =	swait.ge [sflag:s17], $0x800  }
0x28: {  	[sflag:s17] =	ssyncset.done $0x0  }
0x29: {  	s12 =	rddreg [dreg:$0x9];
	[sflag:s17] =	ssyncadd.s32 $0xFFFFF800  }
0x2a: {  	[tilespmem:s21], [sflag:$0x7] =	stream.linear.gather [hbm4b:s12+s7], $0x2800, $0x38;
	[tilespmem:$0x16000] =	vst v63  }
0x2b: {  	_ =	swait.ge [sflag:s17], $0x2800  }
0x2c: {  	[sflag:s17] =	ssyncset.done $0x0  }
0x2d: {  	s11 =	rddreg [dreg:$0xa];
	[sflag:s17] =	ssyncadd.s32 $0xFFFFD800  }
0x2e: {  	[tilespmem:s22], [sflag:$0x7] =	stream.linear.gather [hbm4b:s11+s7], $0x2800, $0x38;
	[tilespmem:$0x16000] =	vst v63  }
0x2f: {  	_ =	swait.ge [sflag:s17], $0x2800  }
0x30: {  	[sflag:s17] =	ssyncset.done $0x0  }
0x31: {  	[sflag:s17] =	ssyncadd.s32 $0xFFFFD800  }
0x32: {  	[bflag:$0x0] =	sbarrier.arrive $0xFFFF  }
0x33: {  	[tilespmem:s24], [sflag:$0x1] =	stream.indirect.gather [spmem:s5], $0x20, s21, s23, $0xb8;
	[tilespmem:$0x16000] =	vst v63  }
0x34: {  	_ =	swait.ge [sflag:s25], $0x1000  }
0x35: {  	[sflag:s25] =	ssyncset.done $0x0  }
0x36: {  	s12 =	simm.s32 $0xA080;
	[sflag:s25] =	ssyncadd.s32 $0xFFFFF000  }
0x37: {  	[tilespmem:s28], [sflag:$0x2] =	stream.indirect.gather [spmem:s5], $0x20, s12, s23, $0xb8;
	[tilespmem:$0x16000] =	vst v63  }
0x38: {  	_ = 	snop  }
0x39: {  	[spmem:s3] =	stream.indirect.scatter.add.f32 [tilespmem:s24], [sflag:$0x3], $0x20, s22, s23, $0xb8;
	[tilespmem:$0x16000] =	vst v63  }
0x3a: {  	_ = 	snop  }
0x3b: {  	[spmem:s6] =	stream.indirect.scatter.add.f32 [tilespmem:s20], [sflag:$0x5], $0x10, s22, s23, $0xb8;
	[tilespmem:$0x16000] =	vst v63  }
0x3c: {  	_ =	swait.ge [sflag:s29], $0x1000  }
0x3d: {  	[sflag:s29] =	ssyncset.done $0x0  }
0x3e: {  	[sflag:s29] =	ssyncadd.s32 $0xFFFFF000  }
0x3f: {  	_ =	swait.ge [sflag:s30], $0x1000  }
0x40: {  	[sflag:s30] =	ssyncset.done $0x0  }
0x41: {  	s11 =	simm.s32 $0xA100;
	[sflag:s30] =	ssyncadd.s32 $0xFFFFF000  }
0x42: {  	[tilespmem:s24], [sflag:$0x1] =	stream.indirect.gather [spmem:s5], $0x20, s11, s23, $0xb8;
	[tilespmem:$0x16000] =	vst v63  }
0x43: {  	_ = 	snop  }
0x44: {  	[spmem:s3] =	stream.indirect.scatter.add.f32 [tilespmem:s28], [sflag:$0x4], $0x20, s4, s23, $0xb8;
	[tilespmem:$0x16000] =	vst v63  }
0x45: {  	_ = 	snop  }
0x46: {  	[spmem:s6] =	stream.indirect.scatter.add.f32 [tilespmem:s20], [sflag:$0x6], $0x10, s4, s23, $0xb8;
	[tilespmem:$0x16000] =	vst v63  }
0x47: {  	_ =	swait.ge [sflag:s25], $0x1000  }
0x48: {  	[sflag:s25] =	ssyncset.done $0x0  }
0x49: {  	[sflag:s25] =	ssyncadd.s32 $0xFFFFF000  }
0x4a: {  	_ =	swait.ge [sflag:s0], $0x1000  }
0x4b: {  	[sflag:s0] =	ssyncset.done $0x0  }
0x4c: {  	[sflag:s0] =	ssyncadd.s32 $0xFFFFF000  }
0x4d: {  	_ =	swait.ge [sflag:s1], $0x800  }
0x4e: {  	[sflag:s1] =	ssyncset.done $0x0  }
0x4f: {  	s12 =	simm.s32 $0xA180;
	[sflag:s1] =	ssyncadd.s32 $0xFFFFF800  }
0x50: {  	[tilespmem:s28], [sflag:$0x2] =	stream.indirect.gather [spmem:s5], $0x20, s12, s23, $0xb8;
	[tilespmem:$0x16000] =	vst v63  }
0x51: {  	s11 =	simm.s32 $0xC900  }
0x52: {  	[spmem:s3] =	stream.indirect.scatter.add.f32 [tilespmem:s24], [sflag:$0x3], $0x20, s11, s23, $0xb8;
	[tilespmem:$0x16000] =	vst v63  }
0x53: {  	_ = 	snop  }
0x54: {  	[spmem:s6] =	stream.indirect.scatter.add.f32 [tilespmem:s20], [sflag:$0x5], $0x10, s11, s23, $0xb8;
	[tilespmem:$0x16000] =	vst v63  }
0x55: {  	_ =	swait.ge [sflag:s29], $0x1000  }
0x56: {  	[sflag:s29] =	ssyncset.done $0x0  }
0x57: {  	[sflag:s29] =	ssyncadd.s32 $0xFFFFF000  }
0x58: {  	_ =	swait.ge [sflag:s30], $0x1000  }
0x59: {  	[sflag:s30] =	ssyncset.done $0x0  }
0x5a: {  	[sflag:s30] =	ssyncadd.s32 $0xFFFFF000  }
0x5b: {  	_ =	swait.ge [sflag:s2], $0x800  }
0x5c: {  	[sflag:s2] =	ssyncset.done $0x0  }
0x5d: {  	s12 =	simm.s32 $0xA200;
	[sflag:s2] =	ssyncadd.s32 $0xFFFFF800  }
0x5e: {  	[tilespmem:s24], [sflag:$0x1] =	stream.indirect.gather [spmem:s5], $0x20, s12, s23, $0xb8;
	[tilespmem:$0x16000] =	vst v63  }
0x5f: {  	s10 =	simm.s32 $0xFFFF6C00;
	s11 =	simm.s32 $0xC980  }
0x60: {  	[spmem:s3] =	stream.indirect.scatter.add.f32 [tilespmem:s28], [sflag:$0x4], $0x20, s11, s23, $0xb8;
	[tilespmem:$0x16000] =	vst v63  }
.LBB2_2:
0x61: {  	[spmem:s6] =	stream.indirect.scatter.add.f32 [tilespmem:s20], [sflag:$0x6], $0x10, s11, s23, $0xb8;
	[tilespmem:$0x16000] =	vst v63  }
0x62: {  	s11 =	smov.u32 s10  }
0x63: {  	p0 =	sne.s32 s10, $0xFFFFFC00;
	s10 =	sadd.s32 $0x400, s10;
	_ =	swait.ge [sflag:s25], $0x1000  }
0x64: {  	[sflag:s25] =	ssyncset.done $0x0  }
0x65: {  	[sflag:s25] =	ssyncadd.s32 $0xFFFFF000  }
0x66: {  	_ =	swait.ge [sflag:s0], $0x1000  }
0x67: {  	[sflag:s0] =	ssyncset.done $0x0  }
0x68: {  	[sflag:s0] =	ssyncadd.s32 $0xFFFFF000  }
0x69: {  	_ =	swait.ge [sflag:s1], $0x800  }
0x6a: {  	s11 =	sshra.s32 s11, $0x2;
	[sflag:s1] =	ssyncset.done $0x0  }
0x6b: {  	s12 =	sadd.s32 $0xC780, s11;
	[sflag:s1] =	ssyncadd.s32 $0xFFFFF800  }
0x6c: {  	[tilespmem:s28], [sflag:$0x2] =	stream.indirect.gather [spmem:s5], $0x20, s12, s23, $0xb8;
	[tilespmem:$0x16000] =	vst v63  }
0x6d: {  	s12 =	sadd.s32 $0xEF00, s11  }
0x6e: {  	[spmem:s3] =	stream.indirect.scatter.add.f32 [tilespmem:s24], [sflag:$0x3], $0x20, s12, s23, $0xb8;
	[tilespmem:$0x16000] =	vst v63  }
0x6f: {  	_ = 	snop  }
0x70: {  	[spmem:s6] =	stream.indirect.scatter.add.f32 [tilespmem:s20], [sflag:$0x5], $0x10, s12, s23, $0xb8;
	[tilespmem:$0x16000] =	vst v63  }
0x71: {  	_ =	swait.ge [sflag:s29], $0x1000  }
0x72: {  	[sflag:s29] =	ssyncset.done $0x0  }
0x73: {  	[sflag:s29] =	ssyncadd.s32 $0xFFFFF000  }
0x74: {  	_ =	swait.ge [sflag:s30], $0x1000  }
0x75: {  	[sflag:s30] =	ssyncset.done $0x0  }
0x76: {  	[sflag:s30] =	ssyncadd.s32 $0xFFFFF000  }
0x77: {  	_ =	swait.ge [sflag:s2], $0x800  }
.Ltmp0:
0x78: {  	[sflag:s2] =	ssyncset.done $0x0;
	(pc) =	sbr.rel @p0 .LBB2_2-.Ltmp0, $4  }
0x79: {  	s12 =	sadd.s32 $0xC800, s11;
	[sflag:s2] =	ssyncadd.s32 $0xFFFFF800  }
0x7a: {  	[tilespmem:s24], [sflag:$0x1] =	stream.indirect.gather [spmem:s5], $0x20, s12, s23, $0xb8;
	[tilespmem:$0x16000] =	vst v63  }
0x7b: {  	s11 =	sadd.s32 $0xEF80, s11  }
0x7c: {  	[spmem:s3] =	stream.indirect.scatter.add.f32 [tilespmem:s28], [sflag:$0x4], $0x20, s11, s23, $0xb8;
	[tilespmem:$0x16000] =	vst v63  }
0x7d: {  	[spmem:s6] =	stream.indirect.scatter.add.f32 [tilespmem:s20], [sflag:$0x6], $0x10, s11, s23, $0xb8;
	[tilespmem:$0x16000] =	vst v63  }
0x7e: {  	_ =	swait.ge [sflag:s25], $0x1000  }
0x7f: {  	[sflag:s25] =	ssyncset.done $0x0  }
0x80: {  	[sflag:s25] =	ssyncadd.s32 $0xFFFFF000  }
0x81: {  	_ =	swait.ge [sflag:s0], $0x1000  }
0x82: {  	[sflag:s0] =	ssyncset.done $0x0  }
0x83: {  	[sflag:s0] =	ssyncadd.s32 $0xFFFFF000  }
0x84: {  	_ =	swait.ge [sflag:s1], $0x800  }
0x85: {  	[sflag:s1] =	ssyncset.done $0x0  }
0x86: {  	s10 =	simm.s32 $0xC780;
	[sflag:s1] =	ssyncadd.s32 $0xFFFFF800  }
0x87: {  	[tilespmem:s28], [sflag:$0x2] =	stream.indirect.gather [spmem:s5], $0x20, s10, s23, $0xb8;
	[tilespmem:$0x16000] =	vst v63  }
0x88: {  	_ = 	snop  }
0x89: {  	[spmem:s3] =	stream.indirect.scatter.add.f32 [tilespmem:s24], [sflag:$0x3], $0x20, s31, s23, $0xb8;
	[tilespmem:$0x16000] =	vst v63  }
0x8a: {  	_ = 	snop  }
0x8b: {  	[spmem:s6] =	stream.indirect.scatter.add.f32 [tilespmem:s20], [sflag:$0x5], $0x10, s31, s23, $0xb8;
	[tilespmem:$0x16000] =	vst v63  }
0x8c: {  	_ =	swait.ge [sflag:s29], $0x1000  }
0x8d: {  	[sflag:s29] =	ssyncset.done $0x0  }
0x8e: {  	[sflag:s29] =	ssyncadd.s32 $0xFFFFF000  }
0x8f: {  	_ =	swait.ge [sflag:s30], $0x1000  }
0x90: {  	[sflag:s30] =	ssyncset.done $0x0  }
0x91: {  	[sflag:s30] =	ssyncadd.s32 $0xFFFFF000  }
0x92: {  	_ =	swait.ge [sflag:s2], $0x800  }
0x93: {  	[sflag:s2] =	ssyncset.done $0x0  }
0x94: {  	[sflag:s2] =	ssyncadd.s32 $0xFFFFF800  }
0x95: {  	[spmem:s3] =	stream.indirect.scatter.add.f32 [tilespmem:s28], [sflag:$0x4], $0x20, s26, s23, $0xb8;
	[tilespmem:$0x16000] =	vst v63  }
0x96: {  	_ = 	snop  }
0x97: {  	[spmem:s6] =	stream.indirect.scatter.add.f32 [tilespmem:s20], [sflag:$0x6], $0x10, s26, s23, $0xb8;
	[tilespmem:$0x16000] =	vst v63  }
0x98: {  	_ =	swait.ge [sflag:s0], $0x1000  }
0x99: {  	[sflag:s0] =	ssyncset.done $0x0  }
0x9a: {  	[sflag:s0] =	ssyncadd.s32 $0xFFFFF000  }
0x9b: {  	_ =	swait.ge [sflag:s1], $0x800  }
0x9c: {  	[sflag:s1] =	ssyncset.done $0x0  }
0x9d: {  	[sflag:s1] =	ssyncadd.s32 $0xFFFFF800  }
0x9e: {  	_ =	swait.ge [sflag:s2], $0x800  }
0x9f: {  	[sflag:s2] =	ssyncset.done $0x0  }
0xa0: {  	[sflag:s2] =	ssyncadd.s32 $0xFFFFF800  }
0xa1: {  	[bflag:$0x0] =	sbarrier.arrive $0xFFFF  }
0xa2: {  	[hbm:s13], [sflag:s9] =	dma.local [spmem:s16], $0xA00  }
0xa3: {  	s8 =	sadd.s32 $0x1, s8;
	_ =	swait.ge [sflag:s17], $0xA00  }
0xa4: {  	p0 =	sne.s32 s8, s15;
	[sflag:s17] =	ssyncset.done $0x0  }
.Ltmp1:
0xa5: {  	[sflag:s17] =	ssyncadd.s32 $0xFFFFF600;
	(pc) =	sbr.rel @p0 .LBB2_1-.Ltmp1, $4  }
0xa6: {  	[hbm:s14], [sflag:s9] =	dma.local [spmem:s19], $0x500  }
0xa7: {  	_ =	swait.ge [sflag:s17], $0x500  }
0xa8: {  	[sflag:s17] =	ssyncset.done $0x0  }
0xa9: {  	[sflag:s17] =	ssyncadd.s32 $0xFFFFFB00  }
0xaa: {  	_ =	sfence.sel $0x180000  }
0xab: {  	[bflag:$0x0] =	sbarrier.arrive $0xFFFF  }
0xac: {  	_ =	strace $0x9000004A  }
0xad: {  	s0 =	stileid.u32;
	[bflag:$0x2] =	sbarrier.arrive $0xFFFF  }
0xae: {  	p0 =	sne.s32 s0, $0x0;
	s0 =	rddreg [dreg:$0x6]  }
0xaf: {  	s0 =	sadd.s32 @!p0 $0x100000, s0  }
0xb0: {  	[sflag:s0] =	ssyncadd.tile.s32 @!p0 $0x1;
	_ =	shalt  }
.Lfunc_end2:
_tile_overlayer_lowered:
.L_overlay_start_2:
0xb1: {  	(tag) =	ssettag $0x2  }
0xb2: {  	s0 =	rddreg [dreg:$0x0];
	s2 =	stileid.u32  }
0xb3: {  	s1 =	rddreg [dreg:$0x1];
	p0 =	sne.s32 s2, $0x0  }
0xb4: {  	s3 =	rddreg [dreg:$0x2];
	[bflag:$0x3] =	sbarrier.arrive $0xFFFF;
	s2 =	simm.s32 @!p0 $0x1C07  }
0xb5: {  	[timem:s3], [sflag:s2] =	dma.local @!p0 [hbm:s0], s1  }
0xb6: {  	s0 =	simm.s32 @!p0 $0x7  }
0xb7: {  	_ =	swait.ge @!p0 [sflag:s0], s1  }
0xb8: {  	s1 =	ssub.s32 @!p0 $0x0, s1;
	[sflag:s0] =	ssyncset.done @!p0 $0x0  }
0xb9: {  	[sflag:s0] =	ssyncadd.s32 @!p0 s1  }
0xba: {  	[bflag:$0x3] =	sbarrier.arrive $0xFFFF  }
0xbb: {  	_ =	shalt  }

// kernel: kernel.17.cloned.1.call-start
scs
__scs_entry_jumppad:
0x0: {  	(pc) =	sbr.rel $0x88, $3  }
0x1: {  	(tag) =	ssettag $0x0;
	lr =	simm.s32 $0x1  }
0x2: {  	[smem:$0x3F91] =	sst lr;
	_ =	strace $0xD0000000  }
0x3: {  	_ = 	snop  }
0x4: {  	_ = 	snop  }
0x5: {  	_ = 	snop  }
0x6: {  	_ = 	snop  }
0x7: {  	_ = 	snop  }
__scs_overlays_trampoline_lowered:
0x8: {  	[smem:$0x3FA0] =	sst s0  }
0x9: {  	[smem:$0x3FA1] =	sst s1  }
0xa: {  	[smem:$0x3FA2] =	sst s2  }
0xb: {  	[smem:$0x3FA3] =	sst s3  }
0xc: {  	[smem:$0x3FA4] =	sst s4  }
0xd: {  	[smem:$0x3FA5] =	sst s5  }
0xe: {  	[smem:$0x3FA6] =	sst s6  }
0xf: {  	[smem:$0x3FA7] =	sst s7  }
0x10: {  	[smem:$0x3FA8] =	sst s8  }
0x11: {  	[smem:$0x3FA9] =	sst s9;
	s0 =	simm.s32 @!p0 $0x0  }
0x12: {  	s1 =	sld [smem:$0x3F8F];
	s0 =	simm.s32 @p0 $0x1  }
0x13: {  	[smem:$0x3FAA] =	sst s0;
	s0 =	simm.s32 @!p1 $0x0  }
0x14: {  	s2 =	sld [smem:$0x3F8E];
	s0 =	simm.s32 @p1 $0x1  }
0x15: {  	[smem:$0x3FAB] =	sst s0;
	s0 =	simm.s32 @!p2 $0x0  }
0x16: {  	s3 =	sld [smem:$0x3FDB];
	s0 =	simm.s32 @p2 $0x1  }
0x17: {  	s4 =	simm.s32 $0x1BF5;
	[smem:$0x3FAD] =	sst s0  }
0x18: {  	s0 =	sld [smem:$0x3F90];
	_ =	swait.ge [sflag:s4], $0x0  }
0x19: {  	s7 =	sld [smem:$0x3F91]  }
0x1a: {  	s8 =	sadd.s32 $0xFFFFE003, lr  }
0x1b: {  	s9 =	sadd.s32 $0xFFFFFEF7, lr;
	s5 =	simm.s32 $0xFFFFFFFF;
	p2 =	slt.u32 s8, $0xFFFFF086  }
0x1c: {  	p1 =	slt.u32 s9, $0xF7A;
	s5 =	simm.s32 @!p2 $0x0  }
0x1d: {  	s5 =	simm.s32 @p1 $0x1;
	p0 =	seq.s32 s7, s2  }
0x1e: {  	s7 =	smul.u32 @!p0 $0xF7A, s2;
	p2 =	seq.s32 @!p0 s5, $0x0  }
0x1f: {  	s9 =	smul.u32 $0xF7A, s1;
	s8 =	simm.s32 @!p0 $0x1BF5;
	p2 =	por !p2, p0  }
0x20: {  	[sflag:s8] =	ssyncset.s32 @!p0 $0xFFFFF086;
	s6 =	sadd.s32 @!p0 s3, s7;
	s7 =	simm.s32 @!p0 $0x108  }
0x21: {  	s3 =	sadd.s32 s3, s9;
	s6 =	sadd.s32 @!p0 $0x88, s6;
	s7 =	simm.s32 @p2 $0x1082  }
0x22: {  	[simem:s7], [sflag:s8] =	dma.local @!p0 [hbm:s6], $0xF7A  }
0x23: {  	s9 =	sor.u32 $0xD0000000, s2;
	s6 =	simm.s32 $0x108;
	_ =	swait.ge @!p0 [sflag:s8], $0x0  }
0x24: {  	s3 =	sadd.s32 $0x88, s3;
	s6 =	simm.s32 @!p1 $0x1082;
	[sflag:s4] =	ssyncset.s32 $0xFFFFF086  }
0x25: {  	[simem:s6], [sflag:s4] =	dma.local [hbm:s3], $0xF7A  }
0x26: {  	[smem:$0x3F91] =	sst s1;
	(tag) =	ssettag s2;
	_ =	strace s9  }
0x27: {  	s1 =	sld [smem:$0x3FA1]  }
0x28: {  	s2 =	sld [smem:$0x3FA2]  }
0x29: {  	s4 =	sld [smem:$0x3FA4]  }
0x2a: {  	p0 =	seq.s32 s5, $0x0;
	s5 =	sld [smem:$0x3FA5]  }
0x2b: {  	s6 =	sld [smem:$0x3FA6]  }
0x2c: {  	s7 =	sld [smem:$0x3FA7]  }
0x2d: {  	s3 =	simm.s32 $0x108;
	s8 =	sld [smem:$0x3FA8]  }
0x2e: {  	s3 =	simm.s32 @!p0 $0x1082;
	s9 =	sld [smem:$0x3FA9]  }
0x2f: {  	lr =	sadd.s32 s0, s3;
	s0 =	sld [smem:$0x3FA0]  }
0x30: {  	s3 =	sld [smem:$0x3FA3]  }
0x31: {  	[smem:$0x3FAC] =	sst s10  }
0x32: {  	s10 =	sld [smem:$0x3FAA];
	_ =	sdelay $0x3  }
0x33: {  	p0 =	seq.s32 s10, $0x1;
	s10 =	sld [smem:$0x3FAC];
	_ =	sdelay $0x3  }
0x34: {  	[smem:$0x3FAC] =	sst s10  }
0x35: {  	s10 =	sld [smem:$0x3FAB];
	_ =	sdelay $0x3  }
0x36: {  	p1 =	seq.s32 s10, $0x1;
	s10 =	sld [smem:$0x3FAC];
	_ =	sdelay $0x3  }
0x37: {  	[smem:$0x3FAC] =	sst s10  }
0x38: {  	s10 =	sld [smem:$0x3FAD]  }
0x39: {  	_ = 	snop;
	(pc) =	sbr.ind lr, $3  }
0x3a: {  	_ = 	snop  }
0x3b: {  	_ = 	snop  }
0x3c: {  	p2 =	seq.s32 s10, $0x1;
	s10 =	sld [smem:$0x3FAC]  }
0x3d: {  	_ =	shalt  }
0x3e: {  	_ =	shalt  }
0x3f: {  	_ =	shalt  }
0x40: {  	_ =	shalt  }
0x41: {  	_ =	shalt  }
0x42: {  	_ =	shalt  }
0x43: {  	_ =	shalt  }
0x44: {  	_ =	shalt  }
0x45: {  	_ =	shalt  }
0x46: {  	_ =	shalt  }
0x47: {  	_ =	shalt  }
0x48: {  	_ =	shalt  }
0x49: {  	_ =	shalt  }
0x4a: {  	_ =	shalt  }
0x4b: {  	_ =	shalt  }
0x4c: {  	_ =	shalt  }
0x4d: {  	_ =	shalt  }
0x4e: {  	_ =	shalt  }
0x4f: {  	_ =	shalt  }
0x50: {  	_ =	shalt  }
0x51: {  	_ =	shalt  }
0x52: {  	_ =	shalt  }
0x53: {  	_ =	shalt  }
0x54: {  	_ =	shalt  }
0x55: {  	_ =	shalt  }
0x56: {  	_ =	shalt  }
0x57: {  	_ =	shalt  }
0x58: {  	_ =	shalt  }
0x59: {  	_ =	shalt  }
0x5a: {  	_ =	shalt  }
0x5b: {  	_ =	shalt  }
0x5c: {  	_ =	shalt  }
0x5d: {  	_ =	shalt  }
0x5e: {  	_ =	shalt  }
0x5f: {  	_ =	shalt  }
0x60: {  	_ =	shalt  }
0x61: {  	_ =	shalt  }
0x62: {  	_ =	shalt  }
0x63: {  	_ =	shalt  }
0x64: {  	_ =	shalt  }
0x65: {  	_ =	shalt  }
0x66: {  	_ =	shalt  }
0x67: {  	_ =	shalt  }
0x68: {  	_ =	shalt  }
0x69: {  	_ =	shalt  }
0x6a: {  	_ =	shalt  }
0x6b: {  	_ =	shalt  }
0x6c: {  	_ =	shalt  }
0x6d: {  	_ =	shalt  }
0x6e: {  	_ =	shalt  }
0x6f: {  	_ =	shalt  }
0x70: {  	_ =	shalt  }
0x71: {  	_ =	shalt  }
0x72: {  	_ =	shalt  }
0x73: {  	_ =	shalt  }
0x74: {  	_ =	shalt  }
0x75: {  	_ =	shalt  }
0x76: {  	_ =	shalt  }
0x77: {  	_ =	shalt  }
0x78: {  	_ =	shalt  }
0x79: {  	_ =	shalt  }
0x7a: {  	_ =	shalt  }
0x7b: {  	_ =	shalt  }
0x7c: {  	_ =	shalt  }
0x7d: {  	_ =	shalt  }
0x7e: {  	_ =	shalt  }
0x7f: {  	_ =	shalt  }
0x80: {  	_ =	shalt  }
0x81: {  	_ =	shalt  }
0x82: {  	_ =	shalt  }
0x83: {  	_ =	shalt  }
0x84: {  	_ =	shalt  }
0x85: {  	_ =	shalt  }
0x86: {  	_ =	shalt  }
0x87: {  	_ =	shalt  }
.Lfunc_end0:
.L_simem_size_0:
called_computation.2_lowered:
.L_overlay_start_0:
0x88: {  	s2 =	sld [smem:$0x3FD9]  }
0x89: {  	s3 =	sld [smem:$0x3FFE];
	_ =	sdelay $0x1  }
0x8a: {  	s1 =	srdreg.scid  }
0x8b: {  	s0 =	sand.u32 $0x1, s1  }
0x8c: {  	s15 =	sshll.u32 s0, $0xA;
	s2 =	sadd.s32 s3, s2  }
0x8d: {  	s2 =	sadd.s32 s2, s15  }
0x8e: {  	[smem:$0x3FB8] =	sst s2  }
0x8f: {  	_ = 	snop  }
0x90: {  	s2 =	sld [smem:$0x3FD0];
	_ =	sdelay $0x2  }
0x91: {  	s16 =	simm.s32 $0xB;
	s4 =	simm.s32 $0x10  }
0x92: {  	[smem:s4], [sflag:s16] =	dma.local [hbm:s2], $0x1  }
0x93: {  	_ =	swait.eq [sflag:s16], $0x1  }
0x94: {  	[sflag:s16] =	ssyncset.done $0x0  }
0x95: {  	[sflag:s16] =	ssyncadd.s32 $0xFFFFFFFF  }
0x96: {  	s17 =	sld [smem:$0x11];
	(tm) =	ssettm $0x1  }
0x97: {  	s18 =	sld [smem:$0x3FFB];
	_ =	sdelay $0x3  }
0x98: {  	_ =	strace s18  }
0x99: {  	s2 =	sld [smem:$0x3FFC];
	_ =	sdelay $0x3  }
0x9a: {  	_ =	strace s2  }
0x9b: {  	s2 =	sld [smem:$0x3FFD];
	_ =	sdelay $0x3  }
0x9c: {  	_ =	strace s2  }
0x9d: {  	_ =	strace $0x8FFFFFFF  }
0x9e: {  	s19 =	sld [smem:$0x3FDB];
	_ =	sdelay $0x1  }
0x9f: {  	s20 =	simm.s32 $_scs_section_size  }
0xa0: {  	s5 =	simm.s32 $_size__tile_overlayer_lowered;
	s6 =	simm.s32 $_tile_overlayer_lowered  }
0xa1: {  	s7 =	simm.s32 $0x1BFF;
	s21 =	sshll.u32 s6, $0x1;
	s4 =	sadd.s32 s20, s19  }
0xa2: {  	s22 =	simm.s32 $0x0;
	s5 =	sshll.u32 s5, $0x1;
	s6 =	sadd.s32 s21, s4  }
0xa3: {  	[timem:s22], [sflag:s7] =	dma.local [hbm:s6], s5  }
0xa4: {  	_ =	swait.ge [sflag:s7], s5  }
0xa5: {  	s5 =	ssub.s32 $0x0, s5;
	[sflag:s7] =	ssyncset.done $0x0  }
0xa6: {  	[sflag:s7] =	ssyncadd.s32 s5;
	_ =	sdelay $0x1  }
0xa7: {  	s23 =	simm.s32 $0x1B8B  }
0xa8: {  	_ =	swait.ge [sflag:s23], $0x1  }
0xa9: {  	[sflag:s23] =	ssyncset.done $0x0  }
0xaa: {  	[sflag:s23] =	ssyncadd.s32 $0xFFFFFFFF  }
0xab: {  	s5 =	sld [smem:$0x0]  }
0xac: {  	s6 =	sand.u32 $0xFFFFFFFE, s1  }
0xad: {  	p0 =	sne.s32 s1, s6  }
0xae: {  	s6 =	sshll.u32 @p0 s6, $0xE  }
0xaf: {  	s6 =	sadd.s32 @p0 $0x11B8D, s6;
	s7 =	sshll.u32 @p0 s5, $0x11  }
0xb0: {  	s6 =	sor.u32 @p0 s7, s6  }
0xb1: {  	[sflag:s6] =	ssyncadd.remote.s32 @p0 $0x1;
	_ =	sdelay $0x1  }
0xb2: {  	s6 =	simm.s32 @p0 $0x1B8D  }
0xb3: {  	_ =	swait.eq @p0 [sflag:s6], $0x1  }
0xb4: {  	[sflag:s6] =	ssyncadd.s32 @p0 $0xFFFFFFFF  }
0xb5: {  	s7 =	sshll.u32 @!p0 s1, $0xE  }
0xb6: {  	s7 =	sor.u32 @!p0 $0x4000, s7;
	s6 =	simm.s32 @!p0 $0x1B8D  }
0xb7: {  	s5 =	sshll.u32 @!p0 s5, $0x11;
	s7 =	sadd.s32 @!p0 $0x11B8D, s7;
	_ =	swait.eq @!p0 [sflag:s6], $0x1  }
0xb8: {  	s5 =	sor.u32 @!p0 s5, s7;
	[sflag:s6] =	ssyncadd.s32 @!p0 $0xFFFFFFFF  }
0xb9: {  	s25 =	simm.s32 $0x1B8E;
	s24 =	sld [smem:$0x3FFE];
	[sflag:s5] =	ssyncadd.remote.s32 @!p0 $0x1  }
0xba: {  	s26 =	simm.s32 $execute0_lowered;
	[smem:$0x3FD2] =	sst s25  }
0xbb: {  	s6 =	sshll.u32 s26, $0x1;
	_ =	strace $0x8000004C;
	[dreg:$0x1] =	wrdreg $0xFFFFFFFF  }
0xbc: {  	s28 =	simm.s32 $_size_execute0_lowered;
	s4 =	sadd.s32 s4, s6;
	[dreg:$0x0] =	wrdreg $0x0  }
0xbd: {  	s6 =	sshll.u32 s28, $0x1;
	[dreg:$0x2] =	wrdreg s4  }
0xbe: {  	[dreg:$0x3] =	wrdreg s6  }
0xbf: {  	[dreg:$0x4] =	wrdreg $0xC0  }
0xc0: {  	_ =	task [dreg:s22], $0x5FFFF  }
0xc1: {  	[dreg:$0x1] =	wrdreg $0xFFFFFFFF  }
0xc2: {  	[dreg:$0x0] =	wrdreg $0x60  }
0xc3: {  	[dreg:$0x2] =	wrdreg s24  }
0xc4: {  	[dreg:$0x3] =	wrdreg s17  }
0xc5: {  	[dreg:$0x4] =	wrdreg $0x0  }
0xc6: {  	[dreg:$0x5] =	wrdreg $0x50000  }
0xc7: {  	[dreg:$0x6] =	wrdreg $0xA  }
0xc8: {  	_ =	task.clear_ibuf [dreg:s22], $0x7FFFF;
	_ =	strace $0x9000004C  }
0xc9: {  	s29 =	simm.s32 $0xA;
	_ =	strace $0x8000004E  }
0xca: {  	_ =	swait.ge [sflag:s29], $0x1  }
0xcb: {  	[sflag:s29] =	ssyncadd.s32 $0xFFFFFFFF  }
0xcc: {  	_ =	strace $0x9000004E  }
0xcd: {  	_ =	sfence  }
0xce: {  	s30 =	sld [smem:$0x0];
	_ =	sdelay $0x2  }
0xcf: {  	s31 =	sshll.u32 s1, $0xD;
	s1 =	sshrl.u32 s1, $0x2  }
0xd0: {  	s4 =	sand.u32 $0x4000, s31;
	s1 =	sadd.s32 s1, s30  }
0xd1: {  	s0 =	sor.u32 s4, s0;
	s1 =	sshll.u32 s1, $0x11  }
0xd2: {  	s0 =	sor.u32 s1, s0  }
0xd3: {  	s0 =	sadd.s32 $0x8F2B, s0  }
0xd4: {  	[sflag:s0] =	ssyncadd.remote.s32 $0x1  }
0xd5: {  	_ =	sfence.sel $0xFFFF  }
0xd6: {  	[dreg:$0x0] =	wrdreg $0xFFFFFFFF;
	(pc) =	sbr.abs _section_cstart, $3  }
0xd7: {  	[dreg:$0x1] =	wrdreg $0xFFFFFFFF  }
0xd8: {  	_ =	task.clear_ibuf [dreg:s22], $0x2FFFF;
	_ =	strace $0x9FFFFFFF  }
0xd9: {  	(tm) =	ssettm $0x7FFFFFFF  }
tec
execute0_lowered:
.L_overlay_start_1:
0x0: {  	(tag) =	ssettag $0x1  }
0x1: {  	s6 =	rddreg [dreg:$0x0]  }
0x2: {  	s1 =	rddreg [dreg:$0x1]  }
0x3: {  	s3 =	rddreg [dreg:$0x2]  }
0x4: {  	s4 =	rddreg [dreg:$0x3]  }
0x5: {  	s0 =	rddreg [dreg:$0x4];
	s5 =	simm.s32 $0x0  }
0x6: {  	s2 =	stileid.u32;
	s7 =	srdreg.scid;
	s15 =	simm.s32 $0xA000  }
0x7: {  	s16 =	simm.s32 $0xC800;
	s17 =	simm.s32 $0x80;
	s18 =	simm.s32 $0xF000  }
0x8: {  	s19 =	simm.s32 $0x1;
	s20 =	simm.s32 $0xA080;
	s21 =	simm.s32 $0x10000  }
0x9: {  	s22 =	simm.s32 $0x2;
	s23 =	simm.s32 $0x3;
	s24 =	simm.s32 $0xA100  }
0xa: {  	s25 =	simm.s32 $0xC880;
	s26 =	simm.s32 $0x4;
	s28 =	simm.s32 $0x0  }
0xb: {  	s8 =	smul.u32 $0x5000, s2;
	s7 =	sand.u32 $0x1, s7;
	s9 =	sshll.u32 s2, $0x1  }
0xc: {  	[smem:$0x7FF] =	sst s5;
	s31 =	sshll.u32 s2, $0x6;
	s9 =	sor.u32 s7, s9  }
0xd: {  	s10 =	smul.u32 $0x50000, s7;
	_ =	strace $0x8000004D;
	s7 =	ssub.s32 $0x2, s7  }
0xe: {  	s11 =	sshrl.u32 s8, $0x3;
	s9 =	smul.u32 $0x500, s9;
	s12 =	sshrl.u32 s7, $0x1  }
0xf: {  	s13 =	sadd.s32 s8, s3;
	s14 =	sadd.s32 s8, s4;
	s11 =	sadd.s32 s11, s6  }
.Ltmp0:
0x10: {  	s10 =	sadd.s32 s8, s10;
	s12 =	ssub.s32 s7, s12;
	(pc) =	sbr.rel .LBB2_1-.Ltmp0, $4  }
0x11: {  	s14 =	sshrl.u32 s14, $0x3;
	s9 =	sadd.s32 s9, s6;
	s10 =	sshrl.u32 s10, $0x3  }
0x12: {  	s7 =	sadd.s32 $0x2800, s11;
	s11 =	smax.u32 s12, $0x1;
	s12 =	sshrl.u32 s13, $0x3  }
0x13: {  	s13 =	simm.s32 $0x5;
	s10 =	sadd.s32 s10, s6;
	s6 =	sor.u32 $0x1C05, s31  }
0x14: {  	s8 =	sadd.s32 $0x16A00, s9;
	s9 =	sadd.s32 $0xCA00, s9;
	s10 =	sadd.s32 $0x34A00, s10  }
.LBB2_4:
0x15: {  	[spmem:s3] =	stream.indirect.scatter.add.f32 [tilespmem:s21], [sflag:$0x4], $0x20, s31, s17, $0xb8;
	[tilespmem:$0x13000] =	vst v63  }
0x16: {  	_ =	swait.ge [sflag:s26], $0x1000  }
0x17: {  	s28 =	sadd.s32 $0x1, s28;
	[sflag:s26] =	ssyncset.done $0x0  }
0x18: {  	p0 =	sne.s32 s28, s11;
	[sflag:s26] =	ssyncadd.s32 $0xFFFFF000  }
.Ltmp1:
0x19: {  	[bflag:$0x0] =	sbarrier.arrive $0xFFFF;
	(pc) =	sbr.rel @!p0 .LBB2_5-.Ltmp1, $4  }
0x1a: {  	[hbm:s10], [sflag:s6] =	dma.local [spmem:s12], $0xA00  }
0x1b: {  	_ =	swait.ge [sflag:s13], $0xA00  }
0x1c: {  	[sflag:s13] =	ssyncset.done $0x0  }
0x1d: {  	[sflag:s13] =	ssyncadd.s32 $0xFFFFF600  }
.LBB2_1:
0x1e: {  	[spmem:s12], [sflag:s6] =	dma.local [hbm:s1], $0xA00  }
0x1f: {  	_ =	swait.ge [sflag:s13], $0xA00  }
0x20: {  	[sflag:s13] =	ssyncset.done $0x0  }
0x21: {  	[sflag:s13] =	ssyncadd.s32 $0xFFFFF600  }
0x22: {  	[spmem:s14], [sflag:s6] =	dma.local [hbm:s7], $0xA00  }
0x23: {  	_ =	swait.ge [sflag:s13], $0xA00  }
0x24: {  	[sflag:s13] =	ssyncset.done $0x0  }
0x25: {  	[sflag:s13] =	ssyncadd.s32 $0xFFFFF600  }
0x26: {  	[tilespmem:s15], [sflag:$0x5] =	stream.linear.gather [hbm4b:s8+s5], $0x2800, $0x38;
	[tilespmem:$0x13000] =	vst v63  }
0x27: {  	_ =	swait.ge [sflag:s13], $0x2800  }
0x28: {  	[sflag:s13] =	ssyncset.done $0x0  }
0x29: {  	[sflag:s13] =	ssyncadd.s32 $0xFFFFD800  }
0x2a: {  	[tilespmem:s16], [sflag:$0x5] =	stream.linear.gather [hbm4b:s9+s5], $0x2800, $0x38;
	[tilespmem:$0x13000] =	vst v63  }
0x2b: {  	_ =	swait.ge [sflag:s13], $0x2800  }
0x2c: {  	[sflag:s13] =	ssyncset.done $0x0  }
0x2d: {  	[sflag:s13] =	ssyncadd.s32 $0xFFFFD800  }
0x2e: {  	[bflag:$0x0] =	sbarrier.arrive $0xFFFF  }
0x2f: {  	[tilespmem:s18], [sflag:$0x1] =	stream.indirect.gather [spmem:s4], $0x20, s15, s17, $0xb8;
	[tilespmem:$0x13000] =	vst v63  }
0x30: {  	_ =	swait.ge [sflag:s19], $0x1000  }
0x31: {  	[sflag:s19] =	ssyncset.done $0x0  }
0x32: {  	[sflag:s19] =	ssyncadd.s32 $0xFFFFF000  }
0x33: {  	[tilespmem:s21], [sflag:$0x2] =	stream.indirect.gather [spmem:s4], $0x20, s20, s17, $0xb8;
	[tilespmem:$0x13000] =	vst v63  }
0x34: {  	_ = 	snop  }
0x35: {  	[spmem:s3] =	stream.indirect.scatter.add.f32 [tilespmem:s18], [sflag:$0x3], $0x20, s16, s17, $0xb8;
	[tilespmem:$0x13000] =	vst v63  }
0x36: {  	_ =	swait.ge [sflag:s22], $0x1000  }
0x37: {  	[sflag:s22] =	ssyncset.done $0x0  }
0x38: {  	[sflag:s22] =	ssyncadd.s32 $0xFFFFF000  }
0x39: {  	_ =	swait.ge [sflag:s23], $0x1000  }
0x3a: {  	[sflag:s23] =	ssyncset.done $0x0  }
0x3b: {  	[sflag:s23] =	ssyncadd.s32 $0xFFFFF000  }
0x3c: {  	[tilespmem:s18], [sflag:$0x1] =	stream.indirect.gather [spmem:s4], $0x20, s24, s17, $0xb8;
	[tilespmem:$0x13000] =	vst v63  }
0x3d: {  	s29 =	simm.s32 $0xFFFF6800  }
0x3e: {  	[spmem:s3] =	stream.indirect.scatter.add.f32 [tilespmem:s21], [sflag:$0x4], $0x20, s25, s17, $0xb8;
	[tilespmem:$0x13000] =	vst v63  }
.LBB2_2:
0x3f: {  	_ =	swait.ge [sflag:s19], $0x1000  }
0x40: {  	[sflag:s19] =	ssyncset.done $0x0  }
0x41: {  	[sflag:s19] =	ssyncadd.s32 $0xFFFFF000  }
0x42: {  	_ =	swait.ge [sflag:s26], $0x1000  }
0x43: {  	s30 =	sshra.s32 s29, $0x2;
	[sflag:s26] =	ssyncset.done $0x0  }
0x44: {  	s31 =	sadd.s32 $0xC780, s30;
	[sflag:s26] =	ssyncadd.s32 $0xFFFFF000  }
0x45: {  	[tilespmem:s21], [sflag:$0x2] =	stream.indirect.gather [spmem:s4], $0x20, s31, s17, $0xb8;
	[tilespmem:$0x13000] =	vst v63  }
0x46: {  	s31 =	sadd.s32 $0xEF00, s30  }
0x47: {  	[spmem:s3] =	stream.indirect.scatter.add.f32 [tilespmem:s18], [sflag:$0x3], $0x20, s31, s17, $0xb8;
	[tilespmem:$0x13000] =	vst v63  }
0x48: {  	p0 =	seq.s32 s29, $0x0;
	_ =	swait.ge [sflag:s22], $0x1000  }
.Ltmp2:
0x49: {  	[sflag:s22] =	ssyncset.done $0x0;
	(pc) =	sbr.rel @p0 .LBB2_4-.Ltmp2, $4  }
0x4a: {  	[sflag:s22] =	ssyncadd.s32 $0xFFFFF000  }
0x4b: {  	_ =	swait.ge [sflag:s23], $0x1000  }
0x4c: {  	[sflag:s23] =	ssyncset.done $0x0  }
0x4d: {  	s31 =	sadd.s32 $0xEF80, s30;
	[sflag:s23] =	ssyncadd.s32 $0xFFFFF000  }
.Ltmp3:
0x4e: {  	(pc) =	sbr.rel .LBB2_2-.Ltmp3, $4  }
0x4f: {  	s30 =	sadd.s32 $0xC800, s30  }
0x50: {  	[tilespmem:s18], [sflag:$0x1] =	stream.indirect.gather [spmem:s4], $0x20, s30, s17, $0xb8;
	[tilespmem:$0x13000] =	vst v63  }
0x51: {  	s29 =	sadd.s32 $0x400, s29  }
0x52: {  	[spmem:s3] =	stream.indirect.scatter.add.f32 [tilespmem:s21], [sflag:$0x4], $0x20, s31, s17, $0xb8;
	[tilespmem:$0x13000] =	vst v63  }
.LBB2_5:
0x53: {  	_ =	sfence.sel $0x180000  }
0x54: {  	[bflag:$0x0] =	sbarrier.arrive $0xFFFF  }
0x55: {  	p0 =	sne.s32 s2, $0x0;
	_ =	strace $0x9000004D  }
0x56: {  	s0 =	sadd.s32 @!p0 $0x100000, s0;
	[bflag:$0x2] =	sbarrier.arrive $0xFFFF  }
0x57: {  	[sflag:s0] =	ssyncadd.tile.s32 @!p0 $0x1;
	_ =	shalt  }
.Lfunc_end2:
_tile_overlayer_lowered:
.L_overlay_start_2:
0x58: {  	(tag) =	ssettag $0x2  }
0x59: {  	s0 =	rddreg [dreg:$0x0];
	s2 =	stileid.u32  }
0x5a: {  	s1 =	rddreg [dreg:$0x1];
	p0 =	sne.s32 s2, $0x0  }
0x5b: {  	s3 =	rddreg [dreg:$0x2];
	[bflag:$0x3] =	sbarrier.arrive $0xFFFF;
	s2 =	simm.s32 @!p0 $0x1C05  }
0x5c: {  	[timem:s3], [sflag:s2] =	dma.local @!p0 [hbm:s0], s1  }
0x5d: {  	s0 =	simm.s32 @!p0 $0x5  }
0x5e: {  	_ =	swait.ge @!p0 [sflag:s0], s1  }
0x5f: {  	s1 =	ssub.s32 @!p0 $0x0, s1;
	[sflag:s0] =	ssyncset.done @!p0 $0x0  }
0x60: {  	[sflag:s0] =	ssyncadd.s32 @!p0 s1  }
0x61: {  	[bflag:$0x3] =	sbarrier.arrive $0xFFFF  }
0x62: {  	_ =	shalt  }

// kernel: kernel.20.cloned.1.call-start
scs
__scs_entry_jumppad:
0x0: {  	(pc) =	sbr.rel $0x88, $3  }
0x1: {  	(tag) =	ssettag $0x0;
	lr =	simm.s32 $0x1  }
0x2: {  	[smem:$0x3F91] =	sst lr;
	_ =	strace $0xD0000000  }
0x3: {  	_ = 	snop  }
0x4: {  	_ = 	snop  }
0x5: {  	_ = 	snop  }
0x6: {  	_ = 	snop  }
0x7: {  	_ = 	snop  }
__scs_overlays_trampoline_lowered:
0x8: {  	[smem:$0x3FA0] =	sst s0  }
0x9: {  	[smem:$0x3FA1] =	sst s1  }
0xa: {  	[smem:$0x3FA2] =	sst s2  }
0xb: {  	[smem:$0x3FA3] =	sst s3  }
0xc: {  	[smem:$0x3FA4] =	sst s4  }
0xd: {  	[smem:$0x3FA5] =	sst s5  }
0xe: {  	[smem:$0x3FA6] =	sst s6  }
0xf: {  	[smem:$0x3FA7] =	sst s7  }
0x10: {  	[smem:$0x3FA8] =	sst s8  }
0x11: {  	[smem:$0x3FA9] =	sst s9;
	s0 =	simm.s32 @!p0 $0x0  }
0x12: {  	s1 =	sld [smem:$0x3F8F];
	s0 =	simm.s32 @p0 $0x1  }
0x13: {  	[smem:$0x3FAA] =	sst s0;
	s0 =	simm.s32 @!p1 $0x0  }
0x14: {  	s2 =	sld [smem:$0x3F8E];
	s0 =	simm.s32 @p1 $0x1  }
0x15: {  	[smem:$0x3FAB] =	sst s0;
	s0 =	simm.s32 @!p2 $0x0  }
0x16: {  	s3 =	sld [smem:$0x3FDB];
	s0 =	simm.s32 @p2 $0x1  }
0x17: {  	s4 =	simm.s32 $0x1BF5;
	[smem:$0x3FAD] =	sst s0  }
0x18: {  	s0 =	sld [smem:$0x3F90];
	_ =	swait.ge [sflag:s4], $0x0  }
0x19: {  	s7 =	sld [smem:$0x3F91]  }
0x1a: {  	s8 =	sadd.s32 $0xFFFFE003, lr  }
0x1b: {  	s9 =	sadd.s32 $0xFFFFFEF7, lr;
	s5 =	simm.s32 $0xFFFFFFFF;
	p2 =	slt.u32 s8, $0xFFFFF086  }
0x1c: {  	p1 =	slt.u32 s9, $0xF7A;
	s5 =	simm.s32 @!p2 $0x0  }
0x1d: {  	s5 =	simm.s32 @p1 $0x1;
	p0 =	seq.s32 s7, s2  }
0x1e: {  	s7 =	smul.u32 @!p0 $0xF7A, s2;
	p2 =	seq.s32 @!p0 s5, $0x0  }
0x1f: {  	s9 =	smul.u32 $0xF7A, s1;
	s8 =	simm.s32 @!p0 $0x1BF5;
	p2 =	por !p2, p0  }
0x20: {  	[sflag:s8] =	ssyncset.s32 @!p0 $0xFFFFF086;
	s6 =	sadd.s32 @!p0 s3, s7;
	s7 =	simm.s32 @!p0 $0x108  }
0x21: {  	s3 =	sadd.s32 s3, s9;
	s6 =	sadd.s32 @!p0 $0x88, s6;
	s7 =	simm.s32 @p2 $0x1082  }
0x22: {  	[simem:s7], [sflag:s8] =	dma.local @!p0 [hbm:s6], $0xF7A  }
0x23: {  	s9 =	sor.u32 $0xD0000000, s2;
	s6 =	simm.s32 $0x108;
	_ =	swait.ge @!p0 [sflag:s8], $0x0  }
0x24: {  	s3 =	sadd.s32 $0x88, s3;
	s6 =	simm.s32 @!p1 $0x1082;
	[sflag:s4] =	ssyncset.s32 $0xFFFFF086  }
0x25: {  	[simem:s6], [sflag:s4] =	dma.local [hbm:s3], $0xF7A  }
0x26: {  	[smem:$0x3F91] =	sst s1;
	(tag) =	ssettag s2;
	_ =	strace s9  }
0x27: {  	s1 =	sld [smem:$0x3FA1]  }
0x28: {  	s2 =	sld [smem:$0x3FA2]  }
0x29: {  	s4 =	sld [smem:$0x3FA4]  }
0x2a: {  	p0 =	seq.s32 s5, $0x0;
	s5 =	sld [smem:$0x3FA5]  }
0x2b: {  	s6 =	sld [smem:$0x3FA6]  }
0x2c: {  	s7 =	sld [smem:$0x3FA7]  }
0x2d: {  	s3 =	simm.s32 $0x108;
	s8 =	sld [smem:$0x3FA8]  }
0x2e: {  	s3 =	simm.s32 @!p0 $0x1082;
	s9 =	sld [smem:$0x3FA9]  }
0x2f: {  	lr =	sadd.s32 s0, s3;
	s0 =	sld [smem:$0x3FA0]  }
0x30: {  	s3 =	sld [smem:$0x3FA3]  }
0x31: {  	[smem:$0x3FAC] =	sst s10  }
0x32: {  	s10 =	sld [smem:$0x3FAA];
	_ =	sdelay $0x3  }
0x33: {  	p0 =	seq.s32 s10, $0x1;
	s10 =	sld [smem:$0x3FAC];
	_ =	sdelay $0x3  }
0x34: {  	[smem:$0x3FAC] =	sst s10  }
0x35: {  	s10 =	sld [smem:$0x3FAB];
	_ =	sdelay $0x3  }
0x36: {  	p1 =	seq.s32 s10, $0x1;
	s10 =	sld [smem:$0x3FAC];
	_ =	sdelay $0x3  }
0x37: {  	[smem:$0x3FAC] =	sst s10  }
0x38: {  	s10 =	sld [smem:$0x3FAD]  }
0x39: {  	_ = 	snop;
	(pc) =	sbr.ind lr, $3  }
0x3a: {  	_ = 	snop  }
0x3b: {  	_ = 	snop  }
0x3c: {  	p2 =	seq.s32 s10, $0x1;
	s10 =	sld [smem:$0x3FAC]  }
0x3d: {  	_ =	shalt  }
0x3e: {  	_ =	shalt  }
0x3f: {  	_ =	shalt  }
0x40: {  	_ =	shalt  }
0x41: {  	_ =	shalt  }
0x42: {  	_ =	shalt  }
0x43: {  	_ =	shalt  }
0x44: {  	_ =	shalt  }
0x45: {  	_ =	shalt  }
0x46: {  	_ =	shalt  }
0x47: {  	_ =	shalt  }
0x48: {  	_ =	shalt  }
0x49: {  	_ =	shalt  }
0x4a: {  	_ =	shalt  }
0x4b: {  	_ =	shalt  }
0x4c: {  	_ =	shalt  }
0x4d: {  	_ =	shalt  }
0x4e: {  	_ =	shalt  }
0x4f: {  	_ =	shalt  }
0x50: {  	_ =	shalt  }
0x51: {  	_ =	shalt  }
0x52: {  	_ =	shalt  }
0x53: {  	_ =	shalt  }
0x54: {  	_ =	shalt  }
0x55: {  	_ =	shalt  }
0x56: {  	_ =	shalt  }
0x57: {  	_ =	shalt  }
0x58: {  	_ =	shalt  }
0x59: {  	_ =	shalt  }
0x5a: {  	_ =	shalt  }
0x5b: {  	_ =	shalt  }
0x5c: {  	_ =	shalt  }
0x5d: {  	_ =	shalt  }
0x5e: {  	_ =	shalt  }
0x5f: {  	_ =	shalt  }
0x60: {  	_ =	shalt  }
0x61: {  	_ =	shalt  }
0x62: {  	_ =	shalt  }
0x63: {  	_ =	shalt  }
0x64: {  	_ =	shalt  }
0x65: {  	_ =	shalt  }
0x66: {  	_ =	shalt  }
0x67: {  	_ =	shalt  }
0x68: {  	_ =	shalt  }
0x69: {  	_ =	shalt  }
0x6a: {  	_ =	shalt  }
0x6b: {  	_ =	shalt  }
0x6c: {  	_ =	shalt  }
0x6d: {  	_ =	shalt  }
0x6e: {  	_ =	shalt  }
0x6f: {  	_ =	shalt  }
0x70: {  	_ =	shalt  }
0x71: {  	_ =	shalt  }
0x72: {  	_ =	shalt  }
0x73: {  	_ =	shalt  }
0x74: {  	_ =	shalt  }
0x75: {  	_ =	shalt  }
0x76: {  	_ =	shalt  }
0x77: {  	_ =	shalt  }
0x78: {  	_ =	shalt  }
0x79: {  	_ =	shalt  }
0x7a: {  	_ =	shalt  }
0x7b: {  	_ =	shalt  }
0x7c: {  	_ =	shalt  }
0x7d: {  	_ =	shalt  }
0x7e: {  	_ =	shalt  }
0x7f: {  	_ =	shalt  }
0x80: {  	_ =	shalt  }
0x81: {  	_ =	shalt  }
0x82: {  	_ =	shalt  }
0x83: {  	_ =	shalt  }
0x84: {  	_ =	shalt  }
0x85: {  	_ =	shalt  }
0x86: {  	_ =	shalt  }
0x87: {  	_ =	shalt  }
.Lfunc_end0:
.L_simem_size_0:
called_computation.3_lowered:
.L_overlay_start_0:
0x88: {  	s2 =	sld [smem:$0x3FD9]  }
0x89: {  	s3 =	sld [smem:$0x3FFE];
	_ =	sdelay $0x1  }
0x8a: {  	s1 =	srdreg.scid  }
0x8b: {  	s0 =	sand.u32 $0x1, s1  }
0x8c: {  	s15 =	sshll.u32 s0, $0xA;
	s2 =	sadd.s32 s3, s2  }
0x8d: {  	s2 =	sadd.s32 s2, s15  }
0x8e: {  	[smem:$0x3FB8] =	sst s2  }
0x8f: {  	_ = 	snop  }
0x90: {  	s2 =	sld [smem:$0x3FD0];
	_ =	sdelay $0x2  }
0x91: {  	s16 =	simm.s32 $0xB;
	s4 =	simm.s32 $0x10  }
0x92: {  	[smem:s4], [sflag:s16] =	dma.local [hbm:s2], $0x1  }
0x93: {  	_ =	swait.eq [sflag:s16], $0x1  }
0x94: {  	[sflag:s16] =	ssyncset.done $0x0  }
0x95: {  	[sflag:s16] =	ssyncadd.s32 $0xFFFFFFFF  }
0x96: {  	s17 =	sld [smem:$0x11];
	(tm) =	ssettm $0x1  }
0x97: {  	s18 =	sld [smem:$0x3FFB];
	_ =	sdelay $0x3  }
0x98: {  	_ =	strace s18  }
0x99: {  	s2 =	sld [smem:$0x3FFC];
	_ =	sdelay $0x3  }
0x9a: {  	_ =	strace s2  }
0x9b: {  	s2 =	sld [smem:$0x3FFD];
	_ =	sdelay $0x3  }
0x9c: {  	_ =	strace s2  }
0x9d: {  	_ =	strace $0x8FFFFFFF  }
0x9e: {  	s19 =	sld [smem:$0x3FDB];
	_ =	sdelay $0x1  }
0x9f: {  	s20 =	simm.s32 $_scs_section_size  }
0xa0: {  	s5 =	simm.s32 $_size__tile_overlayer_lowered;
	s6 =	simm.s32 $_tile_overlayer_lowered  }
0xa1: {  	s7 =	simm.s32 $0x1BFF;
	s21 =	sshll.u32 s6, $0x1;
	s4 =	sadd.s32 s20, s19  }
0xa2: {  	s22 =	simm.s32 $0x0;
	s5 =	sshll.u32 s5, $0x1;
	s6 =	sadd.s32 s21, s4  }
0xa3: {  	[timem:s22], [sflag:s7] =	dma.local [hbm:s6], s5  }
0xa4: {  	_ =	swait.ge [sflag:s7], s5  }
0xa5: {  	s5 =	ssub.s32 $0x0, s5;
	[sflag:s7] =	ssyncset.done $0x0  }
0xa6: {  	[sflag:s7] =	ssyncadd.s32 s5;
	_ =	sdelay $0x1  }
0xa7: {  	s23 =	simm.s32 $0x1B8B  }
0xa8: {  	_ =	swait.ge [sflag:s23], $0x1  }
0xa9: {  	[sflag:s23] =	ssyncset.done $0x0  }
0xaa: {  	[sflag:s23] =	ssyncadd.s32 $0xFFFFFFFF  }
0xab: {  	s5 =	sld [smem:$0x0]  }
0xac: {  	s6 =	sand.u32 $0xFFFFFFFE, s1  }
0xad: {  	p0 =	sne.s32 s1, s6  }
0xae: {  	s6 =	sshll.u32 @p0 s6, $0xE  }
0xaf: {  	s6 =	sadd.s32 @p0 $0x11B8D, s6;
	s7 =	sshll.u32 @p0 s5, $0x11  }
0xb0: {  	s6 =	sor.u32 @p0 s7, s6  }
0xb1: {  	[sflag:s6] =	ssyncadd.remote.s32 @p0 $0x1;
	_ =	sdelay $0x1  }
0xb2: {  	s6 =	simm.s32 @p0 $0x1B8D  }
0xb3: {  	_ =	swait.eq @p0 [sflag:s6], $0x1  }
0xb4: {  	[sflag:s6] =	ssyncadd.s32 @p0 $0xFFFFFFFF  }
0xb5: {  	s7 =	sshll.u32 @!p0 s1, $0xE  }
0xb6: {  	s7 =	sor.u32 @!p0 $0x4000, s7;
	s6 =	simm.s32 @!p0 $0x1B8D  }
0xb7: {  	s5 =	sshll.u32 @!p0 s5, $0x11;
	s7 =	sadd.s32 @!p0 $0x11B8D, s7;
	_ =	swait.eq @!p0 [sflag:s6], $0x1  }
0xb8: {  	s5 =	sor.u32 @!p0 s5, s7;
	[sflag:s6] =	ssyncadd.s32 @!p0 $0xFFFFFFFF  }
0xb9: {  	s25 =	simm.s32 $0x1B8E;
	s24 =	sld [smem:$0x3FFE];
	[sflag:s5] =	ssyncadd.remote.s32 @!p0 $0x1  }
0xba: {  	s26 =	simm.s32 $execute0_lowered;
	[smem:$0x3FD2] =	sst s25  }
0xbb: {  	s6 =	sshll.u32 s26, $0x1;
	_ =	strace $0x8000004F;
	[dreg:$0x1] =	wrdreg $0xFFFFFFFF  }
0xbc: {  	s28 =	simm.s32 $_size_execute0_lowered;
	s4 =	sadd.s32 s4, s6;
	[dreg:$0x0] =	wrdreg $0x0  }
0xbd: {  	s6 =	sshll.u32 s28, $0x1;
	[dreg:$0x2] =	wrdreg s4  }
0xbe: {  	[dreg:$0x3] =	wrdreg s6  }
0xbf: {  	[dreg:$0x4] =	wrdreg $0xC0  }
0xc0: {  	_ =	task [dreg:s22], $0x5FFFF  }
0xc1: {  	[dreg:$0x1] =	wrdreg $0xFFFFFFFF  }
0xc2: {  	[dreg:$0x0] =	wrdreg $0x60  }
0xc3: {  	[dreg:$0x2] =	wrdreg s24  }
0xc4: {  	[dreg:$0x3] =	wrdreg s17  }
0xc5: {  	[dreg:$0x4] =	wrdreg $0x0  }
0xc6: {  	[dreg:$0x5] =	wrdreg $0x50000  }
0xc7: {  	[dreg:$0x6] =	wrdreg $0x9  }
0xc8: {  	_ =	task.clear_ibuf [dreg:s22], $0x7FFFF;
	_ =	strace $0x9000004F  }
0xc9: {  	s29 =	simm.s32 $0x9;
	_ =	strace $0x80000051  }
0xca: {  	_ =	swait.ge [sflag:s29], $0x1  }
0xcb: {  	[sflag:s29] =	ssyncadd.s32 $0xFFFFFFFF  }
0xcc: {  	_ =	strace $0x90000051  }
0xcd: {  	_ =	sfence  }
0xce: {  	s30 =	sld [smem:$0x0];
	_ =	sdelay $0x2  }
0xcf: {  	s31 =	sshll.u32 s1, $0xD;
	s1 =	sshrl.u32 s1, $0x2  }
0xd0: {  	s4 =	sand.u32 $0x4000, s31;
	s1 =	sadd.s32 s1, s30  }
0xd1: {  	s0 =	sor.u32 s4, s0;
	s1 =	sshll.u32 s1, $0x11  }
0xd2: {  	s0 =	sor.u32 s1, s0  }
0xd3: {  	s0 =	sadd.s32 $0x8F2B, s0  }
0xd4: {  	[sflag:s0] =	ssyncadd.remote.s32 $0x1  }
0xd5: {  	_ =	sfence.sel $0xFFFF  }
0xd6: {  	[dreg:$0x0] =	wrdreg $0xFFFFFFFF;
	(pc) =	sbr.abs _section_cstart, $3  }
0xd7: {  	[dreg:$0x1] =	wrdreg $0xFFFFFFFF  }
0xd8: {  	_ =	task.clear_ibuf [dreg:s22], $0x2FFFF;
	_ =	strace $0x9FFFFFFF  }
0xd9: {  	(tm) =	ssettm $0x7FFFFFFF  }
tec
execute0_lowered:
.L_overlay_start_1:
0x0: {  	(tag) =	ssettag $0x1  }
0x1: {  	s6 =	rddreg [dreg:$0x0]  }
0x2: {  	s1 =	rddreg [dreg:$0x1]  }
0x3: {  	s3 =	rddreg [dreg:$0x2]  }
0x4: {  	s4 =	rddreg [dreg:$0x3]  }
0x5: {  	s0 =	rddreg [dreg:$0x4];
	s5 =	simm.s32 $0x0  }
0x6: {  	s2 =	stileid.u32;
	s7 =	srdreg.scid;
	s15 =	simm.s32 $0xA000  }
0x7: {  	s16 =	simm.s32 $0xC800;
	s17 =	simm.s32 $0x80;
	s18 =	simm.s32 $0xF000  }
0x8: {  	s19 =	simm.s32 $0x1;
	s20 =	simm.s32 $0xA080;
	s21 =	simm.s32 $0x10000  }
0x9: {  	s22 =	simm.s32 $0x2;
	s23 =	simm.s32 $0x3;
	s24 =	simm.s32 $0xA100  }
0xa: {  	s25 =	simm.s32 $0xC880;
	s26 =	simm.s32 $0x4;
	s28 =	simm.s32 $0x0  }
0xb: {  	s8 =	smul.u32 $0x5000, s2;
	s7 =	sand.u32 $0x1, s7;
	s9 =	sshll.u32 s2, $0x1  }
0xc: {  	[smem:$0x7FF] =	sst s5;
	s31 =	sshll.u32 s2, $0x6;
	s9 =	sor.u32 s7, s9  }
0xd: {  	s10 =	smul.u32 $0x50000, s7;
	_ =	strace $0x80000050;
	s7 =	ssub.s32 $0x2, s7  }
0xe: {  	s11 =	sshrl.u32 s8, $0x3;
	s9 =	smul.u32 $0x500, s9;
	s12 =	sshrl.u32 s7, $0x1  }
0xf: {  	s13 =	sadd.s32 s8, s3;
	s14 =	sadd.s32 s8, s4;
	s11 =	sadd.s32 s11, s6  }
.Ltmp0:
0x10: {  	s10 =	sadd.s32 s8, s10;
	s12 =	ssub.s32 s7, s12;
	(pc) =	sbr.rel .LBB2_1-.Ltmp0, $4  }
0x11: {  	s14 =	sshrl.u32 s14, $0x3;
	s9 =	sadd.s32 s9, s6;
	s10 =	sshrl.u32 s10, $0x3  }
0x12: {  	s7 =	sadd.s32 $0xC0A00, s11;
	s11 =	smax.u32 s12, $0x1;
	s12 =	sshrl.u32 s13, $0x3  }
0x13: {  	s13 =	simm.s32 $0x5;
	s10 =	sadd.s32 s10, s6;
	s6 =	sor.u32 $0x1C05, s31  }
0x14: {  	s8 =	sadd.s32 $0x2AA00, s9;
	s9 =	sadd.s32 $0x20A00, s9;
	s10 =	sadd.s32 $0x98A00, s10  }
.LBB2_4:
0x15: {  	[spmem:s3] =	stream.indirect.scatter.add.f32 [tilespmem:s21], [sflag:$0x4], $0x20, s31, s17, $0xb8;
	[tilespmem:$0x13000] =	vst v63  }
0x16: {  	_ =	swait.ge [sflag:s26], $0x1000  }
0x17: {  	s28 =	sadd.s32 $0x1, s28;
	[sflag:s26] =	ssyncset.done $0x0  }
0x18: {  	p0 =	sne.s32 s28, s11;
	[sflag:s26] =	ssyncadd.s32 $0xFFFFF000  }
.Ltmp1:
0x19: {  	[bflag:$0x0] =	sbarrier.arrive $0xFFFF;
	(pc) =	sbr.rel @!p0 .LBB2_5-.Ltmp1, $4  }
0x1a: {  	[hbm:s10], [sflag:s6] =	dma.local [spmem:s12], $0xA00  }
0x1b: {  	_ =	swait.ge [sflag:s13], $0xA00  }
0x1c: {  	[sflag:s13] =	ssyncset.done $0x0  }
0x1d: {  	[sflag:s13] =	ssyncadd.s32 $0xFFFFF600  }
.LBB2_1:
0x1e: {  	[spmem:s12], [sflag:s6] =	dma.local [hbm:s1], $0xA00  }
0x1f: {  	_ =	swait.ge [sflag:s13], $0xA00  }
0x20: {  	[sflag:s13] =	ssyncset.done $0x0  }
0x21: {  	[sflag:s13] =	ssyncadd.s32 $0xFFFFF600  }
0x22: {  	[spmem:s14], [sflag:s6] =	dma.local [hbm:s7], $0xA00  }
0x23: {  	_ =	swait.ge [sflag:s13], $0xA00  }
0x24: {  	[sflag:s13] =	ssyncset.done $0x0  }
0x25: {  	[sflag:s13] =	ssyncadd.s32 $0xFFFFF600  }
0x26: {  	[tilespmem:s15], [sflag:$0x5] =	stream.linear.gather [hbm4b:s8+s5], $0x2800, $0x38;
	[tilespmem:$0x13000] =	vst v63  }
0x27: {  	_ =	swait.ge [sflag:s13], $0x2800  }
0x28: {  	[sflag:s13] =	ssyncset.done $0x0  }
0x29: {  	[sflag:s13] =	ssyncadd.s32 $0xFFFFD800  }
0x2a: {  	[tilespmem:s16], [sflag:$0x5] =	stream.linear.gather [hbm4b:s9+s5], $0x2800, $0x38;
	[tilespmem:$0x13000] =	vst v63  }
0x2b: {  	_ =	swait.ge [sflag:s13], $0x2800  }
0x2c: {  	[sflag:s13] =	ssyncset.done $0x0  }
0x2d: {  	[sflag:s13] =	ssyncadd.s32 $0xFFFFD800  }
0x2e: {  	[bflag:$0x0] =	sbarrier.arrive $0xFFFF  }
0x2f: {  	[tilespmem:s18], [sflag:$0x1] =	stream.indirect.gather [spmem:s4], $0x20, s15, s17, $0xb8;
	[tilespmem:$0x13000] =	vst v63  }
0x30: {  	_ =	swait.ge [sflag:s19], $0x1000  }
0x31: {  	[sflag:s19] =	ssyncset.done $0x0  }
0x32: {  	[sflag:s19] =	ssyncadd.s32 $0xFFFFF000  }
0x33: {  	[tilespmem:s21], [sflag:$0x2] =	stream.indirect.gather [spmem:s4], $0x20, s20, s17, $0xb8;
	[tilespmem:$0x13000] =	vst v63  }
0x34: {  	_ = 	snop  }
0x35: {  	[spmem:s3] =	stream.indirect.scatter.add.f32 [tilespmem:s18], [sflag:$0x3], $0x20, s16, s17, $0xb8;
	[tilespmem:$0x13000] =	vst v63  }
0x36: {  	_ =	swait.ge [sflag:s22], $0x1000  }
0x37: {  	[sflag:s22] =	ssyncset.done $0x0  }
0x38: {  	[sflag:s22] =	ssyncadd.s32 $0xFFFFF000  }
0x39: {  	_ =	swait.ge [sflag:s23], $0x1000  }
0x3a: {  	[sflag:s23] =	ssyncset.done $0x0  }
0x3b: {  	[sflag:s23] =	ssyncadd.s32 $0xFFFFF000  }
0x3c: {  	[tilespmem:s18], [sflag:$0x1] =	stream.indirect.gather [spmem:s4], $0x20, s24, s17, $0xb8;
	[tilespmem:$0x13000] =	vst v63  }
0x3d: {  	s29 =	simm.s32 $0xFFFF6800  }
0x3e: {  	[spmem:s3] =	stream.indirect.scatter.add.f32 [tilespmem:s21], [sflag:$0x4], $0x20, s25, s17, $0xb8;
	[tilespmem:$0x13000] =	vst v63  }
.LBB2_2:
0x3f: {  	_ =	swait.ge [sflag:s19], $0x1000  }
0x40: {  	[sflag:s19] =	ssyncset.done $0x0  }
0x41: {  	[sflag:s19] =	ssyncadd.s32 $0xFFFFF000  }
0x42: {  	_ =	swait.ge [sflag:s26], $0x1000  }
0x43: {  	s30 =	sshra.s32 s29, $0x2;
	[sflag:s26] =	ssyncset.done $0x0  }
0x44: {  	s31 =	sadd.s32 $0xC780, s30;
	[sflag:s26] =	ssyncadd.s32 $0xFFFFF000  }
0x45: {  	[tilespmem:s21], [sflag:$0x2] =	stream.indirect.gather [spmem:s4], $0x20, s31, s17, $0xb8;
	[tilespmem:$0x13000] =	vst v63  }
0x46: {  	s31 =	sadd.s32 $0xEF00, s30  }
0x47: {  	[spmem:s3] =	stream.indirect.scatter.add.f32 [tilespmem:s18], [sflag:$0x3], $0x20, s31, s17, $0xb8;
	[tilespmem:$0x13000] =	vst v63  }
0x48: {  	p0 =	seq.s32 s29, $0x0;
	_ =	swait.ge [sflag:s22], $0x1000  }
.Ltmp2:
0x49: {  	[sflag:s22] =	ssyncset.done $0x0;
	(pc) =	sbr.rel @p0 .LBB2_4-.Ltmp2, $4  }
0x4a: {  	[sflag:s22] =	ssyncadd.s32 $0xFFFFF000  }
0x4b: {  	_ =	swait.ge [sflag:s23], $0x1000  }
0x4c: {  	[sflag:s23] =	ssyncset.done $0x0  }
0x4d: {  	s31 =	sadd.s32 $0xEF80, s30;
	[sflag:s23] =	ssyncadd.s32 $0xFFFFF000  }
.Ltmp3:
0x4e: {  	(pc) =	sbr.rel .LBB2_2-.Ltmp3, $4  }
0x4f: {  	s30 =	sadd.s32 $0xC800, s30  }
0x50: {  	[tilespmem:s18], [sflag:$0x1] =	stream.indirect.gather [spmem:s4], $0x20, s30, s17, $0xb8;
	[tilespmem:$0x13000] =	vst v63  }
0x51: {  	s29 =	sadd.s32 $0x400, s29  }
0x52: {  	[spmem:s3] =	stream.indirect.scatter.add.f32 [tilespmem:s21], [sflag:$0x4], $0x20, s31, s17, $0xb8;
	[tilespmem:$0x13000] =	vst v63  }
.LBB2_5:
0x53: {  	_ =	sfence.sel $0x180000  }
0x54: {  	[bflag:$0x0] =	sbarrier.arrive $0xFFFF  }
0x55: {  	p0 =	sne.s32 s2, $0x0;
	_ =	strace $0x90000050  }
0x56: {  	s0 =	sadd.s32 @!p0 $0x100000, s0;
	[bflag:$0x2] =	sbarrier.arrive $0xFFFF  }
0x57: {  	[sflag:s0] =	ssyncadd.tile.s32 @!p0 $0x1;
	_ =	shalt  }
.Lfunc_end2:
_tile_overlayer_lowered:
.L_overlay_start_2:
0x58: {  	(tag) =	ssettag $0x2  }
0x59: {  	s0 =	rddreg [dreg:$0x0];
	s2 =	stileid.u32  }
0x5a: {  	s1 =	rddreg [dreg:$0x1];
	p0 =	sne.s32 s2, $0x0  }
0x5b: {  	s3 =	rddreg [dreg:$0x2];
	[bflag:$0x3] =	sbarrier.arrive $0xFFFF;
	s2 =	simm.s32 @!p0 $0x1C05  }
0x5c: {  	[timem:s3], [sflag:s2] =	dma.local @!p0 [hbm:s0], s1  }
0x5d: {  	s0 =	simm.s32 @!p0 $0x5  }
0x5e: {  	_ =	swait.ge @!p0 [sflag:s0], s1  }
0x5f: {  	s1 =	ssub.s32 @!p0 $0x0, s1;
	[sflag:s0] =	ssyncset.done @!p0 $0x0  }
0x60: {  	[sflag:s0] =	ssyncadd.s32 @!p0 s1  }
0x61: {  	[bflag:$0x3] =	sbarrier.arrive $0xFFFF  }
0x62: {  	_ =	shalt  }

</sc_bundles>
